<compile_context>
chip_gen: v7x
topology: tpu7x:2x2x1
jax: 0.10.2.dev20260603
libtpu: 0.0.44.dev20260713+nightly
codegen_flags: <defaults>
</compile_context>

<pallas_src>
import functools

import jax
import jax.numpy as jnp
from jax import lax
from jax.experimental import pallas as pl
from jax.experimental.pallas import tpu as pltpu
from jax.experimental.pallas import tpu_sc as plsc

S = 7
P = S * S
PTS_PAD = 56
TAPS = 4 * P
TAPS_PAD = 208
H = W = 64
C = 128
FATC = 4 * C
FATW = FATC // 2
XY = H + 1
BROWS = XY * XY
NB = 2
NBOX = 1000
NBOXES = NB * NBOX
NBOXES_PAD = 2048
FROWS = NB * BROWS
OUT_ROW = C * P

NUM_TILES = 32
BPT = NBOXES_PAD // NUM_TILES
LANES = 16
CCHUNKS = C // LANES


def _sample_coords(b4, shape):
    f32 = jnp.float32
    cx = b4[..., 0:1]
    cy = b4[..., 1:2]
    bw = b4[..., 2:3]
    bh = b4[..., 3:4]
    x1 = (cx - bw * 0.5) * W
    y1 = (cy - bh * 0.5) * H
    x2 = (cx + bw * 0.5) * W
    y2 = (cy + bh * 0.5) * H
    step_x = (x2 - x1) / S
    step_y = (y2 - y1) / S
    return x1, y1, x2, y2, step_x, step_y


def _point_xy(ij, x1, y1, step_x, step_y):
    f32 = jnp.float32
    ijf = ij.astype(f32)
    i_f = jnp.floor(ijf / 7.0)
    j_f = ijf - i_f * 7.0
    px = x1 + (j_f + 0.5) * step_x
    py = y1 + (i_f + 0.5) * step_y
    gx = jnp.clip(px / W * 2.0 - 1.0, -1.0, 1.0)
    gy = jnp.clip(py / H * 2.0 - 1.0, -1.0, 1.0)
    ix = ((gx + 1.0) * W - 1.0) * 0.5
    iy = ((gy + 1.0) * H - 1.0) * 0.5
    return ix, iy


def _prep_body(boxes_ref, idx_ref, w_ref):
    b4 = boxes_ref[...]
    f32 = jnp.float32
    x1, y1, x2, y2, step_x, step_y = _sample_coords(b4, None)

    ishape = idx_ref.shape
    p = lax.broadcasted_iota(jnp.int32, ishape, 2)
    bidx = lax.broadcasted_iota(jnp.int32, ishape, 0)
    ij = jnp.minimum(p, P - 1)
    ix, iy = _point_xy(ij, x1, y1, step_x, step_y)
    x0 = jnp.floor(ix)
    y0 = jnp.floor(iy)
    idx_ref[...] = (bidx * BROWS
                    + (y0.astype(jnp.int32) + 1) * XY
                    + (x0.astype(jnp.int32) + 1))

    wshape = w_ref.shape
    pt = lax.broadcasted_iota(jnp.int32, wshape, 2)
    ij2 = lax.shift_right_logical(pt, 2)
    tt = jnp.bitwise_and(pt, 3)
    ix2, iy2 = _point_xy(ij2, x1, y1, step_x, step_y)
    x0b = jnp.floor(ix2)
    y0b = jnp.floor(iy2)
    fx = jnp.bitwise_and(tt, 1).astype(f32)
    fy = lax.shift_right_logical(tt, 1).astype(f32)
    xt = x0b + fx
    yt = y0b + fy
    wx1 = ix2 - x0b
    wy1 = iy2 - y0b
    wx = fx * wx1 + (1.0 - fx) * (1.0 - wx1)
    wy = fy * wy1 + (1.0 - fy) * (1.0 - wy1)
    valid = ((xt >= 0) & (xt <= W - 1) & (yt >= 0) & (yt <= H - 1))
    valid_box = (x2 > x1) & (y2 > y1)
    wt = (wy * wx) * valid.astype(f32) * valid_box.astype(f32)
    w_ref[...] = wt * (pt < TAPS).astype(f32)


_NBLK = 200


def _prep(boxes):
    grid = NBOX // _NBLK
    return pl.pallas_call(
        _prep_body,
        grid=(grid,),
        in_specs=[pl.BlockSpec((NB, _NBLK, 4), lambda i: (0, i, 0))],
        out_specs=(
            pl.BlockSpec((NB, _NBLK, PTS_PAD), lambda i: (0, i, 0)),
            pl.BlockSpec((NB, _NBLK, TAPS_PAD), lambda i: (0, i, 0)),
        ),
        out_shape=(
            jax.ShapeDtypeStruct((NB, NBOX, PTS_PAD), jnp.int32),
            jax.ShapeDtypeStruct((NB, NBOX, TAPS_PAD), jnp.float32),
        ),
    )(boxes)


def _sc_roi_kernel(table_hbm, idx_hbm, w_hbm, out_hbm,
                   idx_all, w_all, rows0, rows1, out0, out1,
                   sem0, sem1, osem0, osem1):
    wid = lax.axis_index("s") * 2 + lax.axis_index("c")
    lane = jnp.arange(LANES, dtype=jnp.int32)
    zeros = jnp.zeros((LANES,), jnp.int32)
    lane2_p = (lane * 2) * P
    himask = jnp.full((LANES,), -65536, jnp.int32)

    pltpu.sync_copy(idx_hbm.at[pl.ds(wid * (BPT // 2), BPT // 2)], idx_all)
    pltpu.sync_copy(w_hbm.at[pl.ds(wid * BPT, BPT)], w_all)

    def make_pt(rows_v, out_v, b2, k):
        def pt(ij, c):
            tap0 = ij * 4
            wv = [plsc.load_gather(w_all, [zeros + k, zeros + (tap0 + tt)])
                  for tt in range(4)]
            box_sel = zeros + b2
            for q in range(4):
                acc_e = None
                acc_o = None
                for tt in range(4):
                    v = rows_v[b2 * PTS_PAD + ij,
                               pl.ds(tt * 64 + q * LANES, LANES)]
                    ev = plsc.bitcast(v << 16, jnp.float32)
                    ov = plsc.bitcast(v & himask, jnp.float32)
                    if acc_e is None:
                        acc_e = ev * wv[tt]
                        acc_o = ov * wv[tt]
                    else:
                        acc_e = acc_e + ev * wv[tt]
                        acc_o = acc_o + ov * wv[tt]
                st_e = lane2_p + ((32 * q) * P + ij)
                plsc.store_scatter(out_v, [box_sel, st_e], acc_e)
                plsc.store_scatter(out_v, [box_sel, st_e + P], acc_o)
            return c

        return pt

    M = 2

    def compute_and_store(rows_v, out_v, osem, kc, p):
        tb = wid * BPT + kc * M
        t_prev = tb - 2 * M

        @pl.when((p > 0) & (t_prev < NBOXES))
        def _():
            pltpu.make_async_copy(out_v, out_hbm.at[pl.ds(t_prev, M)],
                                  osem).wait()

        for b2 in range(M):
            lax.fori_loop(0, P, make_pt(rows_v, out_v, b2, kc * M + b2), 0)

        @pl.when(tb < NBOXES)
        def _():
            pltpu.async_copy(out_v, out_hbm.at[pl.ds(tb, M)], osem)

    def fetch(rows_v, sem, kc):
        pltpu.async_copy(table_hbm.at[idx_all.at[kc]], rows_v, sem)

    def wait(rows_v, sem, kc):
        pltpu.make_async_copy(table_hbm.at[idx_all.at[kc]],
                              rows_v, sem).wait()

    NCH = BPT // M

    def pair_body(p, carry):
        kc0 = p * 2
        wait(rows0, sem0, kc0)
        fetch(rows1, sem1, kc0 + 1)
        compute_and_store(rows0, out0, osem0, kc0, p)
        wait(rows1, sem1, kc0 + 1)

        @pl.when(p < NCH // 2 - 1)
        def _():
            fetch(rows0, sem0, kc0 + 2)

        compute_and_store(rows1, out1, osem1, kc0 + 1, p)
        return carry

    fetch(rows0, sem0, 0)
    lax.fori_loop(0, NCH // 2, pair_body, 0)

    for out_v, osem, kl in ((out0, osem0, NCH - 2), (out1, osem1, NCH - 1)):
        t_last = wid * BPT + kl * M

        @pl.when(t_last < NBOXES)
        def _(out_v=out_v, osem=osem, t_last=t_last):
            pltpu.make_async_copy(out_v, out_hbm.at[pl.ds(t_last, M)],
                                  osem).wait()


@functools.cache
def _sc_roi():
    return pl.kernel(
        _sc_roi_kernel,
        mesh=plsc.VectorSubcoreMesh(core_axis_name="c", subcore_axis_name="s"),
        compiler_params=pltpu.CompilerParams(needs_layout_passes=False),
        out_type=jax.ShapeDtypeStruct((NBOXES, OUT_ROW), jnp.float32),
        scratch_types=[
            pltpu.VMEM((BPT // 2, 2 * PTS_PAD), jnp.int32),
            pltpu.VMEM((BPT, TAPS_PAD), jnp.float32),
            pltpu.VMEM((2 * PTS_PAD, FATW), jnp.int32),
            pltpu.VMEM((2 * PTS_PAD, FATW), jnp.int32),
            pltpu.VMEM((2, OUT_ROW), jnp.float32),
            pltpu.VMEM((2, OUT_ROW), jnp.float32),
            pltpu.SemaphoreType.DMA,
            pltpu.SemaphoreType.DMA,
            pltpu.SemaphoreType.DMA,
            pltpu.SemaphoreType.DMA,
        ],
    )


def _fat_table(features):
    ft = jnp.transpose(features, (0, 2, 3, 1))
    pad = jnp.pad(ft, ((0, 0), (1, 1), (1, 1), (0, 0)))
    quads = [pad[:, dy:dy + XY, dx:dx + XY, :]
             for dy, dx in ((0, 0), (0, 1), (1, 0), (1, 1))]
    fat = jnp.concatenate(quads, axis=-1).reshape(FROWS, FATC)
    return lax.bitcast_convert_type(
        fat.astype(jnp.bfloat16).reshape(FROWS, FATW, 2), jnp.int32)


def kernel(features, boxes):
    table = _fat_table(features)
    idx3, w3 = _prep(boxes)
    padn = NBOXES_PAD - NBOXES
    idx2 = jnp.concatenate(
        [idx3.reshape(NBOXES, PTS_PAD),
         jnp.zeros((padn, PTS_PAD), jnp.int32)]).reshape(
             NBOXES_PAD // 2, 2 * PTS_PAD)
    w2 = jnp.concatenate(
        [w3.reshape(NBOXES, TAPS_PAD), jnp.zeros((padn, TAPS_PAD), jnp.float32)])
    out = _sc_roi()(table, idx2, w2)
    return out.reshape(NB, NBOX, C, S, S)

# --- scband reference (transcript-rebuilt; emitter-appended) ---
"""Pipeline reference for scband-ro-ialign-custom-90572270338472 (READ-ONLY COPY).

The authoritative reference and input builder live on the scoring server;
editing this copy changes nothing except your own understanding.
"""

import jax, jax.numpy as jnp
import numpy as np

OUTPUT_SIZE = 7


def setup_inputs(seed: int = 0) -> dict:
    key = jax.random.key(seed)
    k1, k2 = jax.random.split(key)
    features = jax.random.normal(k1, (2, 128, 64, 64), dtype=jnp.float32)
    boxes = jax.random.uniform(k2, (2, 1000, 4), dtype=jnp.float32)
    return {"features": features, "boxes": boxes}


def _roi_align(features, boxes, output_size=OUTPUT_SIZE):
    B, C, H, W = features.shape
    _, N, _ = boxes.shape
    cx = boxes[..., 0]
    cy = boxes[..., 1]
    w = boxes[..., 2]
    h = boxes[..., 3]
    x1 = (cx - w / 2) * W
    y1 = (cy - h / 2) * H
    x2 = (cx + w / 2) * W
    y2 = (cy + h / 2) * H
    S = output_size
    idx = jnp.arange(S, dtype=jnp.float32)
    step_x = (x2 - x1) / S  # [B,N]
    step_y = (y2 - y1) / S
    px = x1[..., None] + (idx + 0.5) * step_x[..., None]  # [B,N,S] over j
    py = y1[..., None] + (idx + 0.5) * step_y[..., None]  # [B,N,S] over i
    gx = jnp.clip(px / W * 2 - 1, -1.0, 1.0)
    gy = jnp.clip(py / H * 2 - 1, -1.0, 1.0)
    # grid_sample align_corners=False unnormalization
    ix = ((gx + 1.0) * W - 1.0) / 2.0
    iy = ((gy + 1.0) * H - 1.0) / 2.0
    IX = jnp.broadcast_to(ix[:, :, None, :], (B, N, S, S))  # varies with j
    IY = jnp.broadcast_to(iy[:, :, :, None], (B, N, S, S))  # varies with i
    x0 = jnp.floor(IX)
    y0 = jnp.floor(IY)
    x1i = x0 + 1.0
    y1i = y0 + 1.0
    wx1 = IX - x0
    wx0 = 1.0 - wx1
    wy1 = IY - y0
    wy0 = 1.0 - wy1

    def gather(feat, yy, xx):
        # feat [C,H,W]; yy, xx float [N,S,S]; zero padding outside
        valid = (xx >= 0) & (xx <= W - 1) & (yy >= 0) & (yy <= H - 1)
        xi = jnp.clip(xx, 0, W - 1).astype(jnp.int32)
        yi = jnp.clip(yy, 0, H - 1).astype(jnp.int32)
        vals = feat[:, yi, xi]  # [C,N,S,S]
        return vals * valid[None].astype(feat.dtype)

    def per_batch(feat, x0b, x1b, y0b, y1b, wx0b, wx1b, wy0b, wy1b):
        v00 = gather(feat, y0b, x0b)
        v01 = gather(feat, y0b, x1b)
        v10 = gather(feat, y1b, x0b)
        v11 = gather(feat, y1b, x1b)
        out = (v00 * (wy0b * wx0b)[None] + v01 * (wy0b * wx1b)[None]
               + v10 * (wy1b * wx0b)[None] + v11 * (wy1b * wx1b)[None])
        return jnp.transpose(out, (1, 0, 2, 3))  # [N,C,S,S]

    pooled = jax.vmap(per_batch)(features, x0, x1i, y0, y1i, wx0, wx1, wy0, wy1)
    valid_box = (x2 > x1) & (y2 > y1)
    pooled = pooled * valid_box[:, :, None, None, None].astype(features.dtype)
    return pooled


def reference(features, boxes):
    return _roi_align(features, boxes, OUTPUT_SIZE)

if __name__ == "__main__":
    import jax
    _d = setup_inputs()
    print(jax.jit(kernel)(*tuple(_d.values())))

</pallas_src>

<mosaic_0001>
#map = affine_map<(d0, d1) -> (0, 0)>
module attributes {stable_mosaic.version = 14 : i64} {
  func.func @_sc_roi_kernel(%arg0: i32, %arg1: i32, %arg2: memref<8450x256xi32, #tpu.memory_space<hbm>>, %arg3: memref<1024x112xi32, #tpu.memory_space<hbm>>, %arg4: memref<2048x208xf32, #tpu.memory_space<hbm>>, %arg5: memref<2000x6272xf32, #tpu.memory_space<hbm>>, %arg6: memref<32x112xi32, #tpu.memory_space<vmem>>, %arg7: memref<64x208xf32, #tpu.memory_space<vmem>>, %arg8: memref<112x256xi32, #tpu.memory_space<vmem>>, %arg9: memref<112x256xi32, #tpu.memory_space<vmem>>, %arg10: memref<2x6272xf32, #tpu.memory_space<vmem>>, %arg11: memref<2x6272xf32, #tpu.memory_space<vmem>>, %arg12: memref<!tpu.dma_semaphore, #tpu.memory_space<semaphore_mem>>, %arg13: memref<!tpu.dma_semaphore, #tpu.memory_space<semaphore_mem>>, %arg14: memref<!tpu.dma_semaphore, #tpu.memory_space<semaphore_mem>>, %arg15: memref<!tpu.dma_semaphore, #tpu.memory_space<semaphore_mem>>) attributes {dimension_semantics = [#tpu.dimension_semantics<core_parallel>, #tpu.dimension_semantics<subcore_parallel>], iteration_bounds = array<i64: 2, 16>, scalar_prefetch = 0 : i64, scratch_operands = 10 : i64, tpu.core_type = #tpu.core_type<sc_vector_subcore>, window_params = [{transform_indices = #map}, {transform_indices = #map}, {transform_indices = #map}, {transform_indices = #map}]} {
    %mul3A = arith.constant 2 : i32
    %mul3A_0 = arith.muli %arg1, %mul3A : i32
    %add3A = arith.addi %mul3A_0, %arg0 : i32
    %iota3A = tpu.iota {dimensions = array<i32: 0>} : vector<16xi32>
    %broadcast_in_dim3A = arith.constant 0 : i32
    %broadcast_in_dim3A_1 = vector.broadcast %broadcast_in_dim3A : i32 to vector<16xi32>
    %mul3A_2 = arith.constant 2 : i32
    %mul3A_3 = vector.broadcast %mul3A_2 : i32 to vector<16xi32>
    %mul3A_4 = arith.muli %iota3A, %mul3A_3 : vector<16xi32>
    %mul3A_5 = arith.constant 49 : i32
    %mul3A_6 = vector.broadcast %mul3A_5 : i32 to vector<16xi32>
    %mul3A_7 = arith.muli %mul3A_4, %mul3A_6 : vector<16xi32>
    %broadcast_in_dim3A_8 = arith.constant -65536 : i32
    %broadcast_in_dim3A_9 = vector.broadcast %broadcast_in_dim3A_8 : i32 to vector<16xi32>
    %mul3A_10 = arith.constant 32 : i32
    %mul3A_11 = arith.muli %add3A, %mul3A_10 : i32
    "tpu.region"() ({
      %run_scoped3A = tpu.sem_alloc : memref<!tpu.dma_semaphore, #tpu.memory_space<semaphore_mem>>
      %dma_start3A_40 = arith.constant 0 : i32
      %dma_start3A_41 = tpu.memref_slice %arg3[%mul3A_11, %dma_start3A_40] : memref<1024x112xi32, #tpu.memory_space<hbm>> -> memref<32x112xi32, #tpu.memory_space<hbm>>
      %dma_start3A_42 = arith.constant 0 : i32
      %dma_start3A_43 = tpu.memref_slice %arg3[%mul3A_11, %dma_start3A_42] : memref<1024x112xi32, #tpu.memory_space<hbm>> -> memref<32x112xi32, #tpu.memory_space<hbm>>
      tpu.enqueue_dma source(%dma_start3A_43 : memref<32x112xi32, #tpu.memory_space<hbm>>) target(%arg6 : memref<32x112xi32, #tpu.memory_space<vmem>>) target_semaphore(%run_scoped3A : memref<!tpu.dma_semaphore, #tpu.memory_space<semaphore_mem>>)
      %dma_wait3A = arith.constant 0 : i32
      %dma_wait3A_44 = tpu.memref_slice %arg3[%mul3A_11, %dma_wait3A] : memref<1024x112xi32, #tpu.memory_space<hbm>> -> memref<32x112xi32, #tpu.memory_space<hbm>>
      %dma_wait3A_45 = arith.constant 0 : i32
      %dma_wait3A_46 = tpu.memref_slice %arg3[%mul3A_11, %dma_wait3A_45] : memref<1024x112xi32, #tpu.memory_space<hbm>> -> memref<32x112xi32, #tpu.memory_space<hbm>>
      tpu.wait_dma2 semaphore(%run_scoped3A : memref<!tpu.dma_semaphore, #tpu.memory_space<semaphore_mem>>) src(%dma_wait3A_46 : memref<32x112xi32, #tpu.memory_space<hbm>>) dst(%arg6 : memref<32x112xi32, #tpu.memory_space<vmem>>)
      tpu.yield
    }) : () -> ()
    %mul3A_12 = arith.constant 64 : i32
    %mul3A_13 = arith.muli %add3A, %mul3A_12 : i32
    "tpu.region"() ({
      %run_scoped3A = tpu.sem_alloc : memref<!tpu.dma_semaphore, #tpu.memory_space<semaphore_mem>>
      %dma_start3A_40 = arith.constant 0 : i32
      %dma_start3A_41 = tpu.memref_slice %arg4[%mul3A_13, %dma_start3A_40] : memref<2048x208xf32, #tpu.memory_space<hbm>> -> memref<64x208xf32, #tpu.memory_space<hbm>>
      %dma_start3A_42 = arith.constant 0 : i32
      %dma_start3A_43 = tpu.memref_slice %arg4[%mul3A_13, %dma_start3A_42] : memref<2048x208xf32, #tpu.memory_space<hbm>> -> memref<64x208xf32, #tpu.memory_space<hbm>>
      tpu.enqueue_dma source(%dma_start3A_43 : memref<64x208xf32, #tpu.memory_space<hbm>>) target(%arg7 : memref<64x208xf32, #tpu.memory_space<vmem>>) target_semaphore(%run_scoped3A : memref<!tpu.dma_semaphore, #tpu.memory_space<semaphore_mem>>)
      %dma_wait3A = arith.constant 0 : i32
      %dma_wait3A_44 = tpu.memref_slice %arg4[%mul3A_13, %dma_wait3A] : memref<2048x208xf32, #tpu.memory_space<hbm>> -> memref<64x208xf32, #tpu.memory_space<hbm>>
      %dma_wait3A_45 = arith.constant 0 : i32
      %dma_wait3A_46 = tpu.memref_slice %arg4[%mul3A_13, %dma_wait3A_45] : memref<2048x208xf32, #tpu.memory_space<hbm>> -> memref<64x208xf32, #tpu.memory_space<hbm>>
      tpu.wait_dma2 semaphore(%run_scoped3A : memref<!tpu.dma_semaphore, #tpu.memory_space<semaphore_mem>>) src(%dma_wait3A_46 : memref<64x208xf32, #tpu.memory_space<hbm>>) dst(%arg7 : memref<64x208xf32, #tpu.memory_space<vmem>>)
      tpu.yield
    }) : () -> ()
    %dma_start3A = arith.constant 0 : i32
    %dma_start3A_14 = arith.constant 0 : i32
    %dma_start3A_15 = tpu.memref_slice %arg6[%dma_start3A, %dma_start3A_14] : memref<32x112xi32, #tpu.memory_space<vmem>> -> memref<1x112xi32, #tpu.memory_space<vmem>>
    %dma_start3A_16 = tpu.memref_squeeze %dma_start3A_15 : memref<1x112xi32, #tpu.memory_space<vmem>> -> memref<112xi32, #tpu.memory_space<vmem>>
    %dma_start3A_17 = arith.constant 0 : i32
    %dma_start3A_18 = arith.constant 0 : i32
    %dma_start3A_19 = tpu.memref_slice %arg2[%dma_start3A_17, %dma_start3A_18] : memref<8450x256xi32, #tpu.memory_space<hbm>> -> memref<8450x256xi32, #tpu.memory_space<hbm>>
    tpu.enqueue_indirect_dma source(%dma_start3A_19 : memref<8450x256xi32, #tpu.memory_space<hbm>>) target(%arg8 : memref<112x256xi32, #tpu.memory_space<vmem>>) offsets(%dma_start3A_16 : memref<112xi32, #tpu.memory_space<vmem>>) semaphore(%arg12 : memref<!tpu.dma_semaphore, #tpu.memory_space<semaphore_mem>>)
    %scan3A = arith.constant 0 : i32
    %scan3A_20 = arith.constant 0 : i32
    %scan3A_21 = arith.constant 16 : i32
    %scan3A_22 = arith.addi %scan3A_20, %scan3A_21 : i32
    %scan3A_23 = arith.constant 1 : i32
    scf.for %scan3A_40 = %scan3A_20 to %scan3A_22 step %scan3A_23  : i32 {
      %mul3A_41 = arith.constant 2 : i32
      %mul3A_42 = arith.muli %scan3A_40, %mul3A_41 : i32
      %dma_wait3A = arith.constant 0 : i32
      %dma_wait3A_43 = tpu.memref_slice %arg6[%mul3A_42, %dma_wait3A] : memref<32x112xi32, #tpu.memory_space<vmem>> -> memref<1x112xi32, #tpu.memory_space<vmem>>
      %dma_wait3A_44 = tpu.memref_squeeze %dma_wait3A_43 : memref<1x112xi32, #tpu.memory_space<vmem>> -> memref<112xi32, #tpu.memory_space<vmem>>
      %dma_wait3A_45 = arith.constant 0 : i32
      %dma_wait3A_46 = arith.constant 0 : i32
      %dma_wait3A_47 = tpu.memref_slice %arg2[%dma_wait3A_45, %dma_wait3A_46] : memref<8450x256xi32, #tpu.memory_space<hbm>> -> memref<8450x256xi32, #tpu.memory_space<hbm>>
      tpu.wait_indirect_dma semaphore(%arg12 : memref<!tpu.dma_semaphore, #tpu.memory_space<semaphore_mem>>) src(%dma_wait3A_47 : memref<8450x256xi32, #tpu.memory_space<hbm>>) dst(%arg8 : memref<112x256xi32, #tpu.memory_space<vmem>>)
      %add3A_48 = arith.constant 1 : i32
      %add3A_49 = arith.addi %mul3A_42, %add3A_48 : i32
      %dma_start3A_50 = arith.constant 0 : i32
      %dma_start3A_51 = tpu.memref_slice %arg6[%add3A_49, %dma_start3A_50] : memref<32x112xi32, #tpu.memory_space<vmem>> -> memref<1x112xi32, #tpu.memory_space<vmem>>
      %dma_start3A_52 = tpu.memref_squeeze %dma_start3A_51 : memref<1x112xi32, #tpu.memory_space<vmem>> -> memref<112xi32, #tpu.memory_space<vmem>>
      %dma_start3A_53 = arith.constant 0 : i32
      %dma_start3A_54 = arith.constant 0 : i32
      %dma_start3A_55 = tpu.memref_slice %arg2[%dma_start3A_53, %dma_start3A_54] : memref<8450x256xi32, #tpu.memory_space<hbm>> -> memref<8450x256xi32, #tpu.memory_space<hbm>>
      tpu.enqueue_indirect_dma source(%dma_start3A_55 : memref<8450x256xi32, #tpu.memory_space<hbm>>) target(%arg9 : memref<112x256xi32, #tpu.memory_space<vmem>>) offsets(%dma_start3A_52 : memref<112xi32, #tpu.memory_space<vmem>>) semaphore(%arg13 : memref<!tpu.dma_semaphore, #tpu.memory_space<semaphore_mem>>)
      %mul3A_56 = arith.constant 64 : i32
      %mul3A_57 = arith.muli %add3A, %mul3A_56 : i32
      %mul3A_58 = arith.constant 2 : i32
      %mul3A_59 = arith.muli %mul3A_42, %mul3A_58 : i32
      %add3A_60 = arith.addi %mul3A_57, %mul3A_59 : i32
      %sub3A = arith.constant 4 : i32
      %sub3A_61 = arith.subi %add3A_60, %sub3A : i32
      %gt3A = arith.constant 0 : i32
      %gt3A_62 = arith.cmpi sgt, %scan3A_40, %gt3A : i32
      %lt3A_63 = arith.constant 2000 : i32
      %lt3A_64 = arith.cmpi slt, %sub3A_61, %lt3A_63 : i32
      %and3A = arith.andi %gt3A_62, %lt3A_64 : i1
      %convert_element_type3A_65 = arith.extui %and3A : i1 to i32
      %cond3A_66 = arith.constant 0 : i32
      %cond3A_67 = arith.cmpi ne, %convert_element_type3A_65, %cond3A_66 : i32
      scf.if %cond3A_67 {
        %dma_wait3A_148 = arith.constant 0 : i32
        %dma_wait3A_149 = tpu.memref_slice %arg5[%sub3A_61, %dma_wait3A_148] : memref<2000x6272xf32, #tpu.memory_space<hbm>> -> memref<2x6272xf32, #tpu.memory_space<hbm>>
        %dma_wait3A_150 = arith.constant 0 : i32
        %dma_wait3A_151 = tpu.memref_slice %arg5[%sub3A_61, %dma_wait3A_150] : memref<2000x6272xf32, #tpu.memory_space<hbm>> -> memref<2x6272xf32, #tpu.memory_space<hbm>>
        tpu.wait_dma2 semaphore(%arg14 : memref<!tpu.dma_semaphore, #tpu.memory_space<semaphore_mem>>) src(%arg10 : memref<2x6272xf32, #tpu.memory_space<vmem>>) dst(%dma_wait3A_151 : memref<2x6272xf32, #tpu.memory_space<hbm>>)
      } else {
      }
      %mul3A_68 = arith.constant 2 : i32
      %mul3A_69 = arith.muli %mul3A_42, %mul3A_68 : i32
      %add3A_70 = arith.constant 0 : i32
      %add3A_71 = arith.addi %mul3A_69, %add3A_70 : i32
      %scan3A_72 = arith.constant 0 : i32
      %scan3A_73 = arith.constant 0 : i32
      %scan3A_74 = arith.constant 49 : i32
      %scan3A_75 = arith.addi %scan3A_73, %scan3A_74 : i32
      %scan3A_76 = arith.constant 1 : i32
      scf.for %scan3A_148 = %scan3A_73 to %scan3A_75 step %scan3A_76  : i32 {
        %mul3A_149 = arith.constant 4 : i32
        %mul3A_150 = arith.muli %scan3A_148, %mul3A_149 : i32
        %add3A_151 = vector.broadcast %add3A_71 : i32 to vector<16xi32>
        %add3A_152 = arith.addi %broadcast_in_dim3A_1, %add3A_151 : vector<16xi32>
        %add3A_153 = arith.constant 0 : i32
        %add3A_154 = arith.addi %mul3A_150, %add3A_153 : i32
        %add3A_155 = vector.broadcast %add3A_154 : i32 to vector<16xi32>
        %add3A_156 = arith.addi %broadcast_in_dim3A_1, %add3A_155 : vector<16xi32>
        %gather3A = tpu.vector_load_idx %arg7[%add3A_152, %add3A_156] : memref<64x208xf32, #tpu.memory_space<vmem>>[vector<16xi32>, vector<16xi32>], vector<16xf32>,
        %add3A_157 = vector.broadcast %add3A_71 : i32 to vector<16xi32>
        %add3A_158 = arith.addi %broadcast_in_dim3A_1, %add3A_157 : vector<16xi32>
        %add3A_159 = arith.constant 1 : i32
        %add3A_160 = arith.addi %mul3A_150, %add3A_159 : i32
        %add3A_161 = vector.broadcast %add3A_160 : i32 to vector<16xi32>
        %add3A_162 = arith.addi %broadcast_in_dim3A_1, %add3A_161 : vector<16xi32>
        %gather3A_163 = tpu.vector_load_idx %arg7[%add3A_158, %add3A_162] : memref<64x208xf32, #tpu.memory_space<vmem>>[vector<16xi32>, vector<16xi32>], vector<16xf32>,
        %add3A_164 = vector.broadcast %add3A_71 : i32 to vector<16xi32>
        %add3A_165 = arith.addi %broadcast_in_dim3A_1, %add3A_164 : vector<16xi32>
        %add3A_166 = arith.constant 2 : i32
        %add3A_167 = arith.addi %mul3A_150, %add3A_166 : i32
        %add3A_168 = vector.broadcast %add3A_167 : i32 to vector<16xi32>
        %add3A_169 = arith.addi %broadcast_in_dim3A_1, %add3A_168 : vector<16xi32>
        %gather3A_170 = tpu.vector_load_idx %arg7[%add3A_165, %add3A_169] : memref<64x208xf32, #tpu.memory_space<vmem>>[vector<16xi32>, vector<16xi32>], vector<16xf32>,
        %add3A_171 = vector.broadcast %add3A_71 : i32 to vector<16xi32>
        %add3A_172 = arith.addi %broadcast_in_dim3A_1, %add3A_171 : vector<16xi32>
        %add3A_173 = arith.constant 3 : i32
        %add3A_174 = arith.addi %mul3A_150, %add3A_173 : i32
        %add3A_175 = vector.broadcast %add3A_174 : i32 to vector<16xi32>
        %add3A_176 = arith.addi %broadcast_in_dim3A_1, %add3A_175 : vector<16xi32>
        %gather3A_177 = tpu.vector_load_idx %arg7[%add3A_172, %add3A_176] : memref<64x208xf32, #tpu.memory_space<vmem>>[vector<16xi32>, vector<16xi32>], vector<16xf32>,
        %add3A_178 = arith.constant 0 : i32
        %add3A_179 = vector.broadcast %add3A_178 : i32 to vector<16xi32>
        %add3A_180 = arith.addi %broadcast_in_dim3A_1, %add3A_179 : vector<16xi32>
        %add3A_181 = arith.constant 0 : i32
        %add3A_182 = arith.addi %add3A_181, %scan3A_148 : i32
        %get3A = arith.index_cast %add3A_182 : i32 to index
        %get3A_183 = arith.constant 0 : index
        %get3A_184 = tpu.vector_load %arg8[%get3A, %get3A_183] {strides = array<i32>} : memref<112x256xi32, #tpu.memory_space<vmem>>, vector<16xi32>,
        %shift_left3A = arith.constant 16 : i32
        %shift_left3A_185 = vector.broadcast %shift_left3A : i32 to vector<16xi32>
        %shift_left3A_186 = arith.shli %get3A_184, %shift_left3A_185 : vector<16xi32>
        %bitcast3A = vector.bitcast %shift_left3A_186 : vector<16xi32> to vector<16xf32>
        %and3A_187 = arith.andi %get3A_184, %broadcast_in_dim3A_9 : vector<16xi32>
        %bitcast3A_188 = vector.bitcast %and3A_187 : vector<16xi32> to vector<16xf32>
        %mul3A_189 = arith.mulf %bitcast3A, %gather3A : vector<16xf32>
        %mul3A_190 = arith.mulf %bitcast3A_188, %gather3A : vector<16xf32>
        %add3A_191 = arith.constant 0 : i32
        %add3A_192 = arith.addi %add3A_191, %scan3A_148 : i32
        %get3A_193 = arith.index_cast %add3A_192 : i32 to index
        %get3A_194 = arith.constant 64 : index
        %get3A_195 = tpu.vector_load %arg8[%get3A_193, %get3A_194] {strides = array<i32>} : memref<112x256xi32, #tpu.memory_space<vmem>>, vector<16xi32>,
        %shift_left3A_196 = arith.constant 16 : i32
        %shift_left3A_197 = vector.broadcast %shift_left3A_196 : i32 to vector<16xi32>
        %shift_left3A_198 = arith.shli %get3A_195, %shift_left3A_197 : vector<16xi32>
        %bitcast3A_199 = vector.bitcast %shift_left3A_198 : vector<16xi32> to vector<16xf32>
        %and3A_200 = arith.andi %get3A_195, %broadcast_in_dim3A_9 : vector<16xi32>
        %bitcast3A_201 = vector.bitcast %and3A_200 : vector<16xi32> to vector<16xf32>
        %mul3A_202 = arith.mulf %bitcast3A_199, %gather3A_163 : vector<16xf32>
        %add3A_203 = arith.addf %mul3A_189, %mul3A_202 : vector<16xf32>
        %mul3A_204 = arith.mulf %bitcast3A_201, %gather3A_163 : vector<16xf32>
        %add3A_205 = arith.addf %mul3A_190, %mul3A_204 : vector<16xf32>
        %add3A_206 = arith.constant 0 : i32
        %add3A_207 = arith.addi %add3A_206, %scan3A_148 : i32
        %get3A_208 = arith.index_cast %add3A_207 : i32 to index
        %get3A_209 = arith.constant 128 : index
        %get3A_210 = tpu.vector_load %arg8[%get3A_208, %get3A_209] {strides = array<i32>} : memref<112x256xi32, #tpu.memory_space<vmem>>, vector<16xi32>,
        %shift_left3A_211 = arith.constant 16 : i32
        %shift_left3A_212 = vector.broadcast %shift_left3A_211 : i32 to vector<16xi32>
        %shift_left3A_213 = arith.shli %get3A_210, %shift_left3A_212 : vector<16xi32>
        %bitcast3A_214 = vector.bitcast %shift_left3A_213 : vector<16xi32> to vector<16xf32>
        %and3A_215 = arith.andi %get3A_210, %broadcast_in_dim3A_9 : vector<16xi32>
        %bitcast3A_216 = vector.bitcast %and3A_215 : vector<16xi32> to vector<16xf32>
        %mul3A_217 = arith.mulf %bitcast3A_214, %gather3A_170 : vector<16xf32>
        %add3A_218 = arith.addf %add3A_203, %mul3A_217 : vector<16xf32>
        %mul3A_219 = arith.mulf %bitcast3A_216, %gather3A_170 : vector<16xf32>
        %add3A_220 = arith.addf %add3A_205, %mul3A_219 : vector<16xf32>
        %add3A_221 = arith.constant 0 : i32
        %add3A_222 = arith.addi %add3A_221, %scan3A_148 : i32
        %get3A_223 = arith.index_cast %add3A_222 : i32 to index
        %get3A_224 = arith.constant 192 : index
        %get3A_225 = tpu.vector_load %arg8[%get3A_223, %get3A_224] {strides = array<i32>} : memref<112x256xi32, #tpu.memory_space<vmem>>, vector<16xi32>,
        %shift_left3A_226 = arith.constant 16 : i32
        %shift_left3A_227 = vector.broadcast %shift_left3A_226 : i32 to vector<16xi32>
        %shift_left3A_228 = arith.shli %get3A_225, %shift_left3A_227 : vector<16xi32>
        %bitcast3A_229 = vector.bitcast %shift_left3A_228 : vector<16xi32> to vector<16xf32>
        %and3A_230 = arith.andi %get3A_225, %broadcast_in_dim3A_9 : vector<16xi32>
        %bitcast3A_231 = vector.bitcast %and3A_230 : vector<16xi32> to vector<16xf32>
        %mul3A_232 = arith.mulf %bitcast3A_229, %gather3A_177 : vector<16xf32>
        %add3A_233 = arith.addf %add3A_218, %mul3A_232 : vector<16xf32>
        %mul3A_234 = arith.mulf %bitcast3A_231, %gather3A_177 : vector<16xf32>
        %add3A_235 = arith.addf %add3A_220, %mul3A_234 : vector<16xf32>
        %add3A_236 = arith.constant 0 : i32
        %add3A_237 = arith.addi %add3A_236, %scan3A_148 : i32
        %add3A_238 = vector.broadcast %add3A_237 : i32 to vector<16xi32>
        %add3A_239 = arith.addi %mul3A_7, %add3A_238 : vector<16xi32>
        tpu.vector_store_idx %arg10[%add3A_180, %add3A_239], %add3A_233 : memref<2x6272xf32, #tpu.memory_space<vmem>>[vector<16xi32>, vector<16xi32>], vector<16xf32>,
        %add3A_240 = arith.constant 49 : i32
        %add3A_241 = vector.broadcast %add3A_240 : i32 to vector<16xi32>
        %add3A_242 = arith.addi %add3A_239, %add3A_241 : vector<16xi32>
        tpu.vector_store_idx %arg10[%add3A_180, %add3A_242], %add3A_235 : memref<2x6272xf32, #tpu.memory_space<vmem>>[vector<16xi32>, vector<16xi32>], vector<16xf32>,
        %add3A_243 = arith.constant 0 : i32
        %add3A_244 = arith.addi %add3A_243, %scan3A_148 : i32
        %get3A_245 = arith.index_cast %add3A_244 : i32 to index
        %get3A_246 = arith.constant 16 : index
        %get3A_247 = tpu.vector_load %arg8[%get3A_245, %get3A_246] {strides = array<i32>} : memref<112x256xi32, #tpu.memory_space<vmem>>, vector<16xi32>,
        %shift_left3A_248 = arith.constant 16 : i32
        %shift_left3A_249 = vector.broadcast %shift_left3A_248 : i32 to vector<16xi32>
        %shift_left3A_250 = arith.shli %get3A_247, %shift_left3A_249 : vector<16xi32>
        %bitcast3A_251 = vector.bitcast %shift_left3A_250 : vector<16xi32> to vector<16xf32>
        %and3A_252 = arith.andi %get3A_247, %broadcast_in_dim3A_9 : vector<16xi32>
        %bitcast3A_253 = vector.bitcast %and3A_252 : vector<16xi32> to vector<16xf32>
        %mul3A_254 = arith.mulf %bitcast3A_251, %gather3A : vector<16xf32>
        %mul3A_255 = arith.mulf %bitcast3A_253, %gather3A : vector<16xf32>
        %add3A_256 = arith.constant 0 : i32
        %add3A_257 = arith.addi %add3A_256, %scan3A_148 : i32
        %get3A_258 = arith.index_cast %add3A_257 : i32 to index
        %get3A_259 = arith.constant 80 : index
        %get3A_260 = tpu.vector_load %arg8[%get3A_258, %get3A_259] {strides = array<i32>} : memref<112x256xi32, #tpu.memory_space<vmem>>, vector<16xi32>,
        %shift_left3A_261 = arith.constant 16 : i32
        %shift_left3A_262 = vector.broadcast %shift_left3A_261 : i32 to vector<16xi32>
        %shift_left3A_263 = arith.shli %get3A_260, %shift_left3A_262 : vector<16xi32>
        %bitcast3A_264 = vector.bitcast %shift_left3A_263 : vector<16xi32> to vector<16xf32>
        %and3A_265 = arith.andi %get3A_260, %broadcast_in_dim3A_9 : vector<16xi32>
        %bitcast3A_266 = vector.bitcast %and3A_265 : vector<16xi32> to vector<16xf32>
        %mul3A_267 = arith.mulf %bitcast3A_264, %gather3A_163 : vector<16xf32>
        %add3A_268 = arith.addf %mul3A_254, %mul3A_267 : vector<16xf32>
        %mul3A_269 = arith.mulf %bitcast3A_266, %gather3A_163 : vector<16xf32>
        %add3A_270 = arith.addf %mul3A_255, %mul3A_269 : vector<16xf32>
        %add3A_271 = arith.constant 0 : i32
        %add3A_272 = arith.addi %add3A_271, %scan3A_148 : i32
        %get3A_273 = arith.index_cast %add3A_272 : i32 to index
        %get3A_274 = arith.constant 144 : index
        %get3A_275 = tpu.vector_load %arg8[%get3A_273, %get3A_274] {strides = array<i32>} : memref<112x256xi32, #tpu.memory_space<vmem>>, vector<16xi32>,
        %shift_left3A_276 = arith.constant 16 : i32
        %shift_left3A_277 = vector.broadcast %shift_left3A_276 : i32 to vector<16xi32>
        %shift_left3A_278 = arith.shli %get3A_275, %shift_left3A_277 : vector<16xi32>
        %bitcast3A_279 = vector.bitcast %shift_left3A_278 : vector<16xi32> to vector<16xf32>
        %and3A_280 = arith.andi %get3A_275, %broadcast_in_dim3A_9 : vector<16xi32>
        %bitcast3A_281 = vector.bitcast %and3A_280 : vector<16xi32> to vector<16xf32>
        %mul3A_282 = arith.mulf %bitcast3A_279, %gather3A_170 : vector<16xf32>
        %add3A_283 = arith.addf %add3A_268, %mul3A_282 : vector<16xf32>
        %mul3A_284 = arith.mulf %bitcast3A_281, %gather3A_170 : vector<16xf32>
        %add3A_285 = arith.addf %add3A_270, %mul3A_284 : vector<16xf32>
        %add3A_286 = arith.constant 0 : i32
        %add3A_287 = arith.addi %add3A_286, %scan3A_148 : i32
        %get3A_288 = arith.index_cast %add3A_287 : i32 to index
        %get3A_289 = arith.constant 208 : index
        %get3A_290 = tpu.vector_load %arg8[%get3A_288, %get3A_289] {strides = array<i32>} : memref<112x256xi32, #tpu.memory_space<vmem>>, vector<16xi32>,
        %shift_left3A_291 = arith.constant 16 : i32
        %shift_left3A_292 = vector.broadcast %shift_left3A_291 : i32 to vector<16xi32>
        %shift_left3A_293 = arith.shli %get3A_290, %shift_left3A_292 : vector<16xi32>
        %bitcast3A_294 = vector.bitcast %shift_left3A_293 : vector<16xi32> to vector<16xf32>
        %and3A_295 = arith.andi %get3A_290, %broadcast_in_dim3A_9 : vector<16xi32>
        %bitcast3A_296 = vector.bitcast %and3A_295 : vector<16xi32> to vector<16xf32>
        %mul3A_297 = arith.mulf %bitcast3A_294, %gather3A_177 : vector<16xf32>
        %add3A_298 = arith.addf %add3A_283, %mul3A_297 : vector<16xf32>
        %mul3A_299 = arith.mulf %bitcast3A_296, %gather3A_177 : vector<16xf32>
        %add3A_300 = arith.addf %add3A_285, %mul3A_299 : vector<16xf32>
        %add3A_301 = arith.constant 1568 : i32
        %add3A_302 = arith.addi %add3A_301, %scan3A_148 : i32
        %add3A_303 = vector.broadcast %add3A_302 : i32 to vector<16xi32>
        %add3A_304 = arith.addi %mul3A_7, %add3A_303 : vector<16xi32>
        tpu.vector_store_idx %arg10[%add3A_180, %add3A_304], %add3A_298 : memref<2x6272xf32, #tpu.memory_space<vmem>>[vector<16xi32>, vector<16xi32>], vector<16xf32>,
        %add3A_305 = arith.constant 49 : i32
        %add3A_306 = vector.broadcast %add3A_305 : i32 to vector<16xi32>
        %add3A_307 = arith.addi %add3A_304, %add3A_306 : vector<16xi32>
        tpu.vector_store_idx %arg10[%add3A_180, %add3A_307], %add3A_300 : memref<2x6272xf32, #tpu.memory_space<vmem>>[vector<16xi32>, vector<16xi32>], vector<16xf32>,
        %add3A_308 = arith.constant 0 : i32
        %add3A_309 = arith.addi %add3A_308, %scan3A_148 : i32
        %get3A_310 = arith.index_cast %add3A_309 : i32 to index
        %get3A_311 = arith.constant 32 : index
        %get3A_312 = tpu.vector_load %arg8[%get3A_310, %get3A_311] {strides = array<i32>} : memref<112x256xi32, #tpu.memory_space<vmem>>, vector<16xi32>,
        %shift_left3A_313 = arith.constant 16 : i32
        %shift_left3A_314 = vector.broadcast %shift_left3A_313 : i32 to vector<16xi32>
        %shift_left3A_315 = arith.shli %get3A_312, %shift_left3A_314 : vector<16xi32>
        %bitcast3A_316 = vector.bitcast %shift_left3A_315 : vector<16xi32> to vector<16xf32>
        %and3A_317 = arith.andi %get3A_312, %broadcast_in_dim3A_9 : vector<16xi32>
        %bitcast3A_318 = vector.bitcast %and3A_317 : vector<16xi32> to vector<16xf32>
        %mul3A_319 = arith.mulf %bitcast3A_316, %gather3A : vector<16xf32>
        %mul3A_320 = arith.mulf %bitcast3A_318, %gather3A : vector<16xf32>
        %add3A_321 = arith.constant 0 : i32
        %add3A_322 = arith.addi %add3A_321, %scan3A_148 : i32
        %get3A_323 = arith.index_cast %add3A_322 : i32 to index
        %get3A_324 = arith.constant 96 : index
        %get3A_325 = tpu.vector_load %arg8[%get3A_323, %get3A_324] {strides = array<i32>} : memref<112x256xi32, #tpu.memory_space<vmem>>, vector<16xi32>,
        %shift_left3A_326 = arith.constant 16 : i32
        %shift_left3A_327 = vector.broadcast %shift_left3A_326 : i32 to vector<16xi32>
        %shift_left3A_328 = arith.shli %get3A_325, %shift_left3A_327 : vector<16xi32>
        %bitcast3A_329 = vector.bitcast %shift_left3A_328 : vector<16xi32> to vector<16xf32>
        %and3A_330 = arith.andi %get3A_325, %broadcast_in_dim3A_9 : vector<16xi32>
        %bitcast3A_331 = vector.bitcast %and3A_330 : vector<16xi32> to vector<16xf32>
        %mul3A_332 = arith.mulf %bitcast3A_329, %gather3A_163 : vector<16xf32>
        %add3A_333 = arith.addf %mul3A_319, %mul3A_332 : vector<16xf32>
        %mul3A_334 = arith.mulf %bitcast3A_331, %gather3A_163 : vector<16xf32>
        %add3A_335 = arith.addf %mul3A_320, %mul3A_334 : vector<16xf32>
        %add3A_336 = arith.constant 0 : i32
        %add3A_337 = arith.addi %add3A_336, %scan3A_148 : i32
        %get3A_338 = arith.index_cast %add3A_337 : i32 to index
        %get3A_339 = arith.constant 160 : index
        %get3A_340 = tpu.vector_load %arg8[%get3A_338, %get3A_339] {strides = array<i32>} : memref<112x256xi32, #tpu.memory_space<vmem>>, vector<16xi32>,
        %shift_left3A_341 = arith.constant 16 : i32
        %shift_left3A_342 = vector.broadcast %shift_left3A_341 : i32 to vector<16xi32>
        %shift_left3A_343 = arith.shli %get3A_340, %shift_left3A_342 : vector<16xi32>
        %bitcast3A_344 = vector.bitcast %shift_left3A_343 : vector<16xi32> to vector<16xf32>
        %and3A_345 = arith.andi %get3A_340, %broadcast_in_dim3A_9 : vector<16xi32>
        %bitcast3A_346 = vector.bitcast %and3A_345 : vector<16xi32> to vector<16xf32>
        %mul3A_347 = arith.mulf %bitcast3A_344, %gather3A_170 : vector<16xf32>
        %add3A_348 = arith.addf %add3A_333, %mul3A_347 : vector<16xf32>
        %mul3A_349 = arith.mulf %bitcast3A_346, %gather3A_170 : vector<16xf32>
        %add3A_350 = arith.addf %add3A_335, %mul3A_349 : vector<16xf32>
        %add3A_351 = arith.constant 0 : i32
        %add3A_352 = arith.addi %add3A_351, %scan3A_148 : i32
        %get3A_353 = arith.index_cast %add3A_352 : i32 to index
        %get3A_354 = arith.constant 224 : index
        %get3A_355 = tpu.vector_load %arg8[%get3A_353, %get3A_354] {strides = array<i32>} : memref<112x256xi32, #tpu.memory_space<vmem>>, vector<16xi32>,
        %shift_left3A_356 = arith.constant 16 : i32
        %shift_left3A_357 = vector.broadcast %shift_left3A_356 : i32 to vector<16xi32>
        %shift_left3A_358 = arith.shli %get3A_355, %shift_left3A_357 : vector<16xi32>
        %bitcast3A_359 = vector.bitcast %shift_left3A_358 : vector<16xi32> to vector<16xf32>
        %and3A_360 = arith.andi %get3A_355, %broadcast_in_dim3A_9 : vector<16xi32>
        %bitcast3A_361 = vector.bitcast %and3A_360 : vector<16xi32> to vector<16xf32>
        %mul3A_362 = arith.mulf %bitcast3A_359, %gather3A_177 : vector<16xf32>
        %add3A_363 = arith.addf %add3A_348, %mul3A_362 : vector<16xf32>
        %mul3A_364 = arith.mulf %bitcast3A_361, %gather3A_177 : vector<16xf32>
        %add3A_365 = arith.addf %add3A_350, %mul3A_364 : vector<16xf32>
        %add3A_366 = arith.constant 3136 : i32
        %add3A_367 = arith.addi %add3A_366, %scan3A_148 : i32
        %add3A_368 = vector.broadcast %add3A_367 : i32 to vector<16xi32>
        %add3A_369 = arith.addi %mul3A_7, %add3A_368 : vector<16xi32>
        tpu.vector_store_idx %arg10[%add3A_180, %add3A_369], %add3A_363 : memref<2x6272xf32, #tpu.memory_space<vmem>>[vector<16xi32>, vector<16xi32>], vector<16xf32>,
        %add3A_370 = arith.constant 49 : i32
        %add3A_371 = vector.broadcast %add3A_370 : i32 to vector<16xi32>
        %add3A_372 = arith.addi %add3A_369, %add3A_371 : vector<16xi32>
        tpu.vector_store_idx %arg10[%add3A_180, %add3A_372], %add3A_365 : memref<2x6272xf32, #tpu.memory_space<vmem>>[vector<16xi32>, vector<16xi32>], vector<16xf32>,
        %add3A_373 = arith.constant 0 : i32
        %add3A_374 = arith.addi %add3A_373, %scan3A_148 : i32
        %get3A_375 = arith.index_cast %add3A_374 : i32 to index
        %get3A_376 = arith.constant 48 : index
        %get3A_377 = tpu.vector_load %arg8[%get3A_375, %get3A_376] {strides = array<i32>} : memref<112x256xi32, #tpu.memory_space<vmem>>, vector<16xi32>,
        %shift_left3A_378 = arith.constant 16 : i32
        %shift_left3A_379 = vector.broadcast %shift_left3A_378 : i32 to vector<16xi32>
        %shift_left3A_380 = arith.shli %get3A_377, %shift_left3A_379 : vector<16xi32>
        %bitcast3A_381 = vector.bitcast %shift_left3A_380 : vector<16xi32> to vector<16xf32>
        %and3A_382 = arith.andi %get3A_377, %broadcast_in_dim3A_9 : vector<16xi32>
        %bitcast3A_383 = vector.bitcast %and3A_382 : vector<16xi32> to vector<16xf32>
        %mul3A_384 = arith.mulf %bitcast3A_381, %gather3A : vector<16xf32>
        %mul3A_385 = arith.mulf %bitcast3A_383, %gather3A : vector<16xf32>
        %add3A_386 = arith.constant 0 : i32
        %add3A_387 = arith.addi %add3A_386, %scan3A_148 : i32
        %get3A_388 = arith.index_cast %add3A_387 : i32 to index
        %get3A_389 = arith.constant 112 : index
        %get3A_390 = tpu.vector_load %arg8[%get3A_388, %get3A_389] {strides = array<i32>} : memref<112x256xi32, #tpu.memory_space<vmem>>, vector<16xi32>,
        %shift_left3A_391 = arith.constant 16 : i32
        %shift_left3A_392 = vector.broadcast %shift_left3A_391 : i32 to vector<16xi32>
        %shift_left3A_393 = arith.shli %get3A_390, %shift_left3A_392 : vector<16xi32>
        %bitcast3A_394 = vector.bitcast %shift_left3A_393 : vector<16xi32> to vector<16xf32>
        %and3A_395 = arith.andi %get3A_390, %broadcast_in_dim3A_9 : vector<16xi32>
        %bitcast3A_396 = vector.bitcast %and3A_395 : vector<16xi32> to vector<16xf32>
        %mul3A_397 = arith.mulf %bitcast3A_394, %gather3A_163 : vector<16xf32>
        %add3A_398 = arith.addf %mul3A_384, %mul3A_397 : vector<16xf32>
        %mul3A_399 = arith.mulf %bitcast3A_396, %gather3A_163 : vector<16xf32>
        %add3A_400 = arith.addf %mul3A_385, %mul3A_399 : vector<16xf32>
        %add3A_401 = arith.constant 0 : i32
        %add3A_402 = arith.addi %add3A_401, %scan3A_148 : i32
        %get3A_403 = arith.index_cast %add3A_402 : i32 to index
        %get3A_404 = arith.constant 176 : index
        %get3A_405 = tpu.vector_load %arg8[%get3A_403, %get3A_404] {strides = array<i32>} : memref<112x256xi32, #tpu.memory_space<vmem>>, vector<16xi32>,
        %shift_left3A_406 = arith.constant 16 : i32
        %shift_left3A_407 = vector.broadcast %shift_left3A_406 : i32 to vector<16xi32>
        %shift_left3A_408 = arith.shli %get3A_405, %shift_left3A_407 : vector<16xi32>
        %bitcast3A_409 = vector.bitcast %shift_left3A_408 : vector<16xi32> to vector<16xf32>
        %and3A_410 = arith.andi %get3A_405, %broadcast_in_dim3A_9 : vector<16xi32>
        %bitcast3A_411 = vector.bitcast %and3A_410 : vector<16xi32> to vector<16xf32>
        %mul3A_412 = arith.mulf %bitcast3A_409, %gather3A_170 : vector<16xf32>
        %add3A_413 = arith.addf %add3A_398, %mul3A_412 : vector<16xf32>
        %mul3A_414 = arith.mulf %bitcast3A_411, %gather3A_170 : vector<16xf32>
        %add3A_415 = arith.addf %add3A_400, %mul3A_414 : vector<16xf32>
        %add3A_416 = arith.constant 0 : i32
        %add3A_417 = arith.addi %add3A_416, %scan3A_148 : i32
        %get3A_418 = arith.index_cast %add3A_417 : i32 to index
        %get3A_419 = arith.constant 240 : index
        %get3A_420 = tpu.vector_load %arg8[%get3A_418, %get3A_419] {strides = array<i32>} : memref<112x256xi32, #tpu.memory_space<vmem>>, vector<16xi32>,
        %shift_left3A_421 = arith.constant 16 : i32
        %shift_left3A_422 = vector.broadcast %shift_left3A_421 : i32 to vector<16xi32>
        %shift_left3A_423 = arith.shli %get3A_420, %shift_left3A_422 : vector<16xi32>
        %bitcast3A_424 = vector.bitcast %shift_left3A_423 : vector<16xi32> to vector<16xf32>
        %and3A_425 = arith.andi %get3A_420, %broadcast_in_dim3A_9 : vector<16xi32>
        %bitcast3A_426 = vector.bitcast %and3A_425 : vector<16xi32> to vector<16xf32>
        %mul3A_427 = arith.mulf %bitcast3A_424, %gather3A_177 : vector<16xf32>
        %add3A_428 = arith.addf %add3A_413, %mul3A_427 : vector<16xf32>
        %mul3A_429 = arith.mulf %bitcast3A_426, %gather3A_177 : vector<16xf32>
        %add3A_430 = arith.addf %add3A_415, %mul3A_429 : vector<16xf32>
        %add3A_431 = arith.constant 4704 : i32
        %add3A_432 = arith.addi %add3A_431, %scan3A_148 : i32
        %add3A_433 = vector.broadcast %add3A_432 : i32 to vector<16xi32>
        %add3A_434 = arith.addi %mul3A_7, %add3A_433 : vector<16xi32>
        tpu.vector_store_idx %arg10[%add3A_180, %add3A_434], %add3A_428 : memref<2x6272xf32, #tpu.memory_space<vmem>>[vector<16xi32>, vector<16xi32>], vector<16xf32>,
        %add3A_435 = arith.constant 49 : i32
        %add3A_436 = vector.broadcast %add3A_435 : i32 to vector<16xi32>
        %add3A_437 = arith.addi %add3A_434, %add3A_436 : vector<16xi32>
        tpu.vector_store_idx %arg10[%add3A_180, %add3A_437], %add3A_430 : memref<2x6272xf32, #tpu.memory_space<vmem>>[vector<16xi32>, vector<16xi32>], vector<16xf32>,
      }
      %scan3A_77 = arith.constant 49 : i32
      %mul3A_78 = arith.constant 2 : i32
      %mul3A_79 = arith.muli %mul3A_42, %mul3A_78 : i32
      %add3A_80 = arith.constant 1 : i32
      %add3A_81 = arith.addi %mul3A_79, %add3A_80 : i32
      %scan3A_82 = arith.constant 0 : i32
      %scan3A_83 = arith.constant 0 : i32
      %scan3A_84 = arith.constant 49 : i32
      %scan3A_85 = arith.addi %scan3A_83, %scan3A_84 : i32
      %scan3A_86 = arith.constant 1 : i32
      scf.for %scan3A_148 = %scan3A_83 to %scan3A_85 step %scan3A_86  : i32 {
        %mul3A_149 = arith.constant 4 : i32
        %mul3A_150 = arith.muli %scan3A_148, %mul3A_149 : i32
        %add3A_151 = vector.broadcast %add3A_81 : i32 to vector<16xi32>
        %add3A_152 = arith.addi %broadcast_in_dim3A_1, %add3A_151 : vector<16xi32>
        %add3A_153 = arith.constant 0 : i32
        %add3A_154 = arith.addi %mul3A_150, %add3A_153 : i32
        %add3A_155 = vector.broadcast %add3A_154 : i32 to vector<16xi32>
        %add3A_156 = arith.addi %broadcast_in_dim3A_1, %add3A_155 : vector<16xi32>
        %gather3A = tpu.vector_load_idx %arg7[%add3A_152, %add3A_156] : memref<64x208xf32, #tpu.memory_space<vmem>>[vector<16xi32>, vector<16xi32>], vector<16xf32>,
        %add3A_157 = vector.broadcast %add3A_81 : i32 to vector<16xi32>
        %add3A_158 = arith.addi %broadcast_in_dim3A_1, %add3A_157 : vector<16xi32>
        %add3A_159 = arith.constant 1 : i32
        %add3A_160 = arith.addi %mul3A_150, %add3A_159 : i32
        %add3A_161 = vector.broadcast %add3A_160 : i32 to vector<16xi32>
        %add3A_162 = arith.addi %broadcast_in_dim3A_1, %add3A_161 : vector<16xi32>
        %gather3A_163 = tpu.vector_load_idx %arg7[%add3A_158, %add3A_162] : memref<64x208xf32, #tpu.memory_space<vmem>>[vector<16xi32>, vector<16xi32>], vector<16xf32>,
        %add3A_164 = vector.broadcast %add3A_81 : i32 to vector<16xi32>
        %add3A_165 = arith.addi %broadcast_in_dim3A_1, %add3A_164 : vector<16xi32>
        %add3A_166 = arith.constant 2 : i32
        %add3A_167 = arith.addi %mul3A_150, %add3A_166 : i32
        %add3A_168 = vector.broadcast %add3A_167 : i32 to vector<16xi32>
        %add3A_169 = arith.addi %broadcast_in_dim3A_1, %add3A_168 : vector<16xi32>
        %gather3A_170 = tpu.vector_load_idx %arg7[%add3A_165, %add3A_169] : memref<64x208xf32, #tpu.memory_space<vmem>>[vector<16xi32>, vector<16xi32>], vector<16xf32>,
        %add3A_171 = vector.broadcast %add3A_81 : i32 to vector<16xi32>
        %add3A_172 = arith.addi %broadcast_in_dim3A_1, %add3A_171 : vector<16xi32>
        %add3A_173 = arith.constant 3 : i32
        %add3A_174 = arith.addi %mul3A_150, %add3A_173 : i32
        %add3A_175 = vector.broadcast %add3A_174 : i32 to vector<16xi32>
        %add3A_176 = arith.addi %broadcast_in_dim3A_1, %add3A_175 : vector<16xi32>
        %gather3A_177 = tpu.vector_load_idx %arg7[%add3A_172, %add3A_176] : memref<64x208xf32, #tpu.memory_space<vmem>>[vector<16xi32>, vector<16xi32>], vector<16xf32>,
        %add3A_178 = arith.constant 1 : i32
        %add3A_179 = vector.broadcast %add3A_178 : i32 to vector<16xi32>
        %add3A_180 = arith.addi %broadcast_in_dim3A_1, %add3A_179 : vector<16xi32>
        %add3A_181 = arith.constant 56 : i32
        %add3A_182 = arith.addi %add3A_181, %scan3A_148 : i32
        %get3A = arith.index_cast %add3A_182 : i32 to index
        %get3A_183 = arith.constant 0 : index
        %get3A_184 = tpu.vector_load %arg8[%get3A, %get3A_183] {strides = array<i32>} : memref<112x256xi32, #tpu.memory_space<vmem>>, vector<16xi32>,
        %shift_left3A = arith.constant 16 : i32
        %shift_left3A_185 = vector.broadcast %shift_left3A : i32 to vector<16xi32>
        %shift_left3A_186 = arith.shli %get3A_184, %shift_left3A_185 : vector<16xi32>
        %bitcast3A = vector.bitcast %shift_left3A_186 : vector<16xi32> to vector<16xf32>
        %and3A_187 = arith.andi %get3A_184, %broadcast_in_dim3A_9 : vector<16xi32>
        %bitcast3A_188 = vector.bitcast %and3A_187 : vector<16xi32> to vector<16xf32>
        %mul3A_189 = arith.mulf %bitcast3A, %gather3A : vector<16xf32>
        %mul3A_190 = arith.mulf %bitcast3A_188, %gather3A : vector<16xf32>
        %add3A_191 = arith.constant 56 : i32
        %add3A_192 = arith.addi %add3A_191, %scan3A_148 : i32
        %get3A_193 = arith.index_cast %add3A_192 : i32 to index
        %get3A_194 = arith.constant 64 : index
        %get3A_195 = tpu.vector_load %arg8[%get3A_193, %get3A_194] {strides = array<i32>} : memref<112x256xi32, #tpu.memory_space<vmem>>, vector<16xi32>,
        %shift_left3A_196 = arith.constant 16 : i32
        %shift_left3A_197 = vector.broadcast %shift_left3A_196 : i32 to vector<16xi32>
        %shift_left3A_198 = arith.shli %get3A_195, %shift_left3A_197 : vector<16xi32>
        %bitcast3A_199 = vector.bitcast %shift_left3A_198 : vector<16xi32> to vector<16xf32>
        %and3A_200 = arith.andi %get3A_195, %broadcast_in_dim3A_9 : vector<16xi32>
        %bitcast3A_201 = vector.bitcast %and3A_200 : vector<16xi32> to vector<16xf32>
        %mul3A_202 = arith.mulf %bitcast3A_199, %gather3A_163 : vector<16xf32>
        %add3A_203 = arith.addf %mul3A_189, %mul3A_202 : vector<16xf32>
        %mul3A_204 = arith.mulf %bitcast3A_201, %gather3A_163 : vector<16xf32>
        %add3A_205 = arith.addf %mul3A_190, %mul3A_204 : vector<16xf32>
        %add3A_206 = arith.constant 56 : i32
        %add3A_207 = arith.addi %add3A_206, %scan3A_148 : i32
        %get3A_208 = arith.index_cast %add3A_207 : i32 to index
        %get3A_209 = arith.constant 128 : index
        %get3A_210 = tpu.vector_load %arg8[%get3A_208, %get3A_209] {strides = array<i32>} : memref<112x256xi32, #tpu.memory_space<vmem>>, vector<16xi32>,
        %shift_left3A_211 = arith.constant 16 : i32
        %shift_left3A_212 = vector.broadcast %shift_left3A_211 : i32 to vector<16xi32>
        %shift_left3A_213 = arith.shli %get3A_210, %shift_left3A_212 : vector<16xi32>
        %bitcast3A_214 = vector.bitcast %shift_left3A_213 : vector<16xi32> to vector<16xf32>
        %and3A_215 = arith.andi %get3A_210, %broadcast_in_dim3A_9 : vector<16xi32>
        %bitcast3A_216 = vector.bitcast %and3A_215 : vector<16xi32> to vector<16xf32>
        %mul3A_217 = arith.mulf %bitcast3A_214, %gather3A_170 : vector<16xf32>
        %add3A_218 = arith.addf %add3A_203, %mul3A_217 : vector<16xf32>
        %mul3A_219 = arith.mulf %bitcast3A_216, %gather3A_170 : vector<16xf32>
        %add3A_220 = arith.addf %add3A_205, %mul3A_219 : vector<16xf32>
        %add3A_221 = arith.constant 56 : i32
        %add3A_222 = arith.addi %add3A_221, %scan3A_148 : i32
        %get3A_223 = arith.index_cast %add3A_222 : i32 to index
        %get3A_224 = arith.constant 192 : index
        %get3A_225 = tpu.vector_load %arg8[%get3A_223, %get3A_224] {strides = array<i32>} : memref<112x256xi32, #tpu.memory_space<vmem>>, vector<16xi32>,
        %shift_left3A_226 = arith.constant 16 : i32
        %shift_left3A_227 = vector.broadcast %shift_left3A_226 : i32 to vector<16xi32>
        %shift_left3A_228 = arith.shli %get3A_225, %shift_left3A_227 : vector<16xi32>
        %bitcast3A_229 = vector.bitcast %shift_left3A_228 : vector<16xi32> to vector<16xf32>
        %and3A_230 = arith.andi %get3A_225, %broadcast_in_dim3A_9 : vector<16xi32>
        %bitcast3A_231 = vector.bitcast %and3A_230 : vector<16xi32> to vector<16xf32>
        %mul3A_232 = arith.mulf %bitcast3A_229, %gather3A_177 : vector<16xf32>
        %add3A_233 = arith.addf %add3A_218, %mul3A_232 : vector<16xf32>
        %mul3A_234 = arith.mulf %bitcast3A_231, %gather3A_177 : vector<16xf32>
        %add3A_235 = arith.addf %add3A_220, %mul3A_234 : vector<16xf32>
        %add3A_236 = arith.constant 0 : i32
        %add3A_237 = arith.addi %add3A_236, %scan3A_148 : i32
        %add3A_238 = vector.broadcast %add3A_237 : i32 to vector<16xi32>
        %add3A_239 = arith.addi %mul3A_7, %add3A_238 : vector<16xi32>
        tpu.vector_store_idx %arg10[%add3A_180, %add3A_239], %add3A_233 : memref<2x6272xf32, #tpu.memory_space<vmem>>[vector<16xi32>, vector<16xi32>], vector<16xf32>,
        %add3A_240 = arith.constant 49 : i32
        %add3A_241 = vector.broadcast %add3A_240 : i32 to vector<16xi32>
        %add3A_242 = arith.addi %add3A_239, %add3A_241 : vector<16xi32>
        tpu.vector_store_idx %arg10[%add3A_180, %add3A_242], %add3A_235 : memref<2x6272xf32, #tpu.memory_space<vmem>>[vector<16xi32>, vector<16xi32>], vector<16xf32>,
        %add3A_243 = arith.constant 56 : i32
        %add3A_244 = arith.addi %add3A_243, %scan3A_148 : i32
        %get3A_245 = arith.index_cast %add3A_244 : i32 to index
        %get3A_246 = arith.constant 16 : index
        %get3A_247 = tpu.vector_load %arg8[%get3A_245, %get3A_246] {strides = array<i32>} : memref<112x256xi32, #tpu.memory_space<vmem>>, vector<16xi32>,
        %shift_left3A_248 = arith.constant 16 : i32
        %shift_left3A_249 = vector.broadcast %shift_left3A_248 : i32 to vector<16xi32>
        %shift_left3A_250 = arith.shli %get3A_247, %shift_left3A_249 : vector<16xi32>
        %bitcast3A_251 = vector.bitcast %shift_left3A_250 : vector<16xi32> to vector<16xf32>
        %and3A_252 = arith.andi %get3A_247, %broadcast_in_dim3A_9 : vector<16xi32>
        %bitcast3A_253 = vector.bitcast %and3A_252 : vector<16xi32> to vector<16xf32>
        %mul3A_254 = arith.mulf %bitcast3A_251, %gather3A : vector<16xf32>
        %mul3A_255 = arith.mulf %bitcast3A_253, %gather3A : vector<16xf32>
        %add3A_256 = arith.constant 56 : i32
        %add3A_257 = arith.addi %add3A_256, %scan3A_148 : i32
        %get3A_258 = arith.index_cast %add3A_257 : i32 to index
        %get3A_259 = arith.constant 80 : index
        %get3A_260 = tpu.vector_load %arg8[%get3A_258, %get3A_259] {strides = array<i32>} : memref<112x256xi32, #tpu.memory_space<vmem>>, vector<16xi32>,
        %shift_left3A_261 = arith.constant 16 : i32
        %shift_left3A_262 = vector.broadcast %shift_left3A_261 : i32 to vector<16xi32>
        %shift_left3A_263 = arith.shli %get3A_260, %shift_left3A_262 : vector<16xi32>
        %bitcast3A_264 = vector.bitcast %shift_left3A_263 : vector<16xi32> to vector<16xf32>
        %and3A_265 = arith.andi %get3A_260, %broadcast_in_dim3A_9 : vector<16xi32>
        %bitcast3A_266 = vector.bitcast %and3A_265 : vector<16xi32> to vector<16xf32>
        %mul3A_267 = arith.mulf %bitcast3A_264, %gather3A_163 : vector<16xf32>
        %add3A_268 = arith.addf %mul3A_254, %mul3A_267 : vector<16xf32>
        %mul3A_269 = arith.mulf %bitcast3A_266, %gather3A_163 : vector<16xf32>
        %add3A_270 = arith.addf %mul3A_255, %mul3A_269 : vector<16xf32>
        %add3A_271 = arith.constant 56 : i32
        %add3A_272 = arith.addi %add3A_271, %scan3A_148 : i32
        %get3A_273 = arith.index_cast %add3A_272 : i32 to index
        %get3A_274 = arith.constant 144 : index
        %get3A_275 = tpu.vector_load %arg8[%get3A_273, %get3A_274] {strides = array<i32>} : memref<112x256xi32, #tpu.memory_space<vmem>>, vector<16xi32>,
        %shift_left3A_276 = arith.constant 16 : i32
        %shift_left3A_277 = vector.broadcast %shift_left3A_276 : i32 to vector<16xi32>
        %shift_left3A_278 = arith.shli %get3A_275, %shift_left3A_277 : vector<16xi32>
        %bitcast3A_279 = vector.bitcast %shift_left3A_278 : vector<16xi32> to vector<16xf32>
        %and3A_280 = arith.andi %get3A_275, %broadcast_in_dim3A_9 : vector<16xi32>
        %bitcast3A_281 = vector.bitcast %and3A_280 : vector<16xi32> to vector<16xf32>
        %mul3A_282 = arith.mulf %bitcast3A_279, %gather3A_170 : vector<16xf32>
        %add3A_283 = arith.addf %add3A_268, %mul3A_282 : vector<16xf32>
        %mul3A_284 = arith.mulf %bitcast3A_281, %gather3A_170 : vector<16xf32>
        %add3A_285 = arith.addf %add3A_270, %mul3A_284 : vector<16xf32>
        %add3A_286 = arith.constant 56 : i32
        %add3A_287 = arith.addi %add3A_286, %scan3A_148 : i32
        %get3A_288 = arith.index_cast %add3A_287 : i32 to index
        %get3A_289 = arith.constant 208 : index
        %get3A_290 = tpu.vector_load %arg8[%get3A_288, %get3A_289] {strides = array<i32>} : memref<112x256xi32, #tpu.memory_space<vmem>>, vector<16xi32>,
        %shift_left3A_291 = arith.constant 16 : i32
        %shift_left3A_292 = vector.broadcast %shift_left3A_291 : i32 to vector<16xi32>
        %shift_left3A_293 = arith.shli %get3A_290, %shift_left3A_292 : vector<16xi32>
        %bitcast3A_294 = vector.bitcast %shift_left3A_293 : vector<16xi32> to vector<16xf32>
        %and3A_295 = arith.andi %get3A_290, %broadcast_in_dim3A_9 : vector<16xi32>
        %bitcast3A_296 = vector.bitcast %and3A_295 : vector<16xi32> to vector<16xf32>
        %mul3A_297 = arith.mulf %bitcast3A_294, %gather3A_177 : vector<16xf32>
        %add3A_298 = arith.addf %add3A_283, %mul3A_297 : vector<16xf32>
        %mul3A_299 = arith.mulf %bitcast3A_296, %gather3A_177 : vector<16xf32>
        %add3A_300 = arith.addf %add3A_285, %mul3A_299 : vector<16xf32>
        %add3A_301 = arith.constant 1568 : i32
        %add3A_302 = arith.addi %add3A_301, %scan3A_148 : i32
        %add3A_303 = vector.broadcast %add3A_302 : i32 to vector<16xi32>
        %add3A_304 = arith.addi %mul3A_7, %add3A_303 : vector<16xi32>
        tpu.vector_store_idx %arg10[%add3A_180, %add3A_304], %add3A_298 : memref<2x6272xf32, #tpu.memory_space<vmem>>[vector<16xi32>, vector<16xi32>], vector<16xf32>,
        %add3A_305 = arith.constant 49 : i32
        %add3A_306 = vector.broadcast %add3A_305 : i32 to vector<16xi32>
        %add3A_307 = arith.addi %add3A_304, %add3A_306 : vector<16xi32>
        tpu.vector_store_idx %arg10[%add3A_180, %add3A_307], %add3A_300 : memref<2x6272xf32, #tpu.memory_space<vmem>>[vector<16xi32>, vector<16xi32>], vector<16xf32>,
        %add3A_308 = arith.constant 56 : i32
        %add3A_309 = arith.addi %add3A_308, %scan3A_148 : i32
        %get3A_310 = arith.index_cast %add3A_309 : i32 to index
        %get3A_311 = arith.constant 32 : index
        %get3A_312 = tpu.vector_load %arg8[%get3A_310, %get3A_311] {strides = array<i32>} : memref<112x256xi32, #tpu.memory_space<vmem>>, vector<16xi32>,
        %shift_left3A_313 = arith.constant 16 : i32
        %shift_left3A_314 = vector.broadcast %shift_left3A_313 : i32 to vector<16xi32>
        %shift_left3A_315 = arith.shli %get3A_312, %shift_left3A_314 : vector<16xi32>
        %bitcast3A_316 = vector.bitcast %shift_left3A_315 : vector<16xi32> to vector<16xf32>
        %and3A_317 = arith.andi %get3A_312, %broadcast_in_dim3A_9 : vector<16xi32>
        %bitcast3A_318 = vector.bitcast %and3A_317 : vector<16xi32> to vector<16xf32>
        %mul3A_319 = arith.mulf %bitcast3A_316, %gather3A : vector<16xf32>
        %mul3A_320 = arith.mulf %bitcast3A_318, %gather3A : vector<16xf32>
        %add3A_321 = arith.constant 56 : i32
        %add3A_322 = arith.addi %add3A_321, %scan3A_148 : i32
        %get3A_323 = arith.index_cast %add3A_322 : i32 to index
        %get3A_324 = arith.constant 96 : index
        %get3A_325 = tpu.vector_load %arg8[%get3A_323, %get3A_324] {strides = array<i32>} : memref<112x256xi32, #tpu.memory_space<vmem>>, vector<16xi32>,
        %shift_left3A_326 = arith.constant 16 : i32
        %shift_left3A_327 = vector.broadcast %shift_left3A_326 : i32 to vector<16xi32>
        %shift_left3A_328 = arith.shli %get3A_325, %shift_left3A_327 : vector<16xi32>
        %bitcast3A_329 = vector.bitcast %shift_left3A_328 : vector<16xi32> to vector<16xf32>
        %and3A_330 = arith.andi %get3A_325, %broadcast_in_dim3A_9 : vector<16xi32>
        %bitcast3A_331 = vector.bitcast %and3A_330 : vector<16xi32> to vector<16xf32>
        %mul3A_332 = arith.mulf %bitcast3A_329, %gather3A_163 : vector<16xf32>
        %add3A_333 = arith.addf %mul3A_319, %mul3A_332 : vector<16xf32>
        %mul3A_334 = arith.mulf %bitcast3A_331, %gather3A_163 : vector<16xf32>
        %add3A_335 = arith.addf %mul3A_320, %mul3A_334 : vector<16xf32>
        %add3A_336 = arith.constant 56 : i32
        %add3A_337 = arith.addi %add3A_336, %scan3A_148 : i32
        %get3A_338 = arith.index_cast %add3A_337 : i32 to index
        %get3A_339 = arith.constant 160 : index
        %get3A_340 = tpu.vector_load %arg8[%get3A_338, %get3A_339] {strides = array<i32>} : memref<112x256xi32, #tpu.memory_space<vmem>>, vector<16xi32>,
        %shift_left3A_341 = arith.constant 16 : i32
        %shift_left3A_342 = vector.broadcast %shift_left3A_341 : i32 to vector<16xi32>
        %shift_left3A_343 = arith.shli %get3A_340, %shift_left3A_342 : vector<16xi32>
        %bitcast3A_344 = vector.bitcast %shift_left3A_343 : vector<16xi32> to vector<16xf32>
        %and3A_345 = arith.andi %get3A_340, %broadcast_in_dim3A_9 : vector<16xi32>
        %bitcast3A_346 = vector.bitcast %and3A_345 : vector<16xi32> to vector<16xf32>
        %mul3A_347 = arith.mulf %bitcast3A_344, %gather3A_170 : vector<16xf32>
        %add3A_348 = arith.addf %add3A_333, %mul3A_347 : vector<16xf32>
        %mul3A_349 = arith.mulf %bitcast3A_346, %gather3A_170 : vector<16xf32>
        %add3A_350 = arith.addf %add3A_335, %mul3A_349 : vector<16xf32>
        %add3A_351 = arith.constant 56 : i32
        %add3A_352 = arith.addi %add3A_351, %scan3A_148 : i32
        %get3A_353 = arith.index_cast %add3A_352 : i32 to index
        %get3A_354 = arith.constant 224 : index
        %get3A_355 = tpu.vector_load %arg8[%get3A_353, %get3A_354] {strides = array<i32>} : memref<112x256xi32, #tpu.memory_space<vmem>>, vector<16xi32>,
        %shift_left3A_356 = arith.constant 16 : i32
        %shift_left3A_357 = vector.broadcast %shift_left3A_356 : i32 to vector<16xi32>
        %shift_left3A_358 = arith.shli %get3A_355, %shift_left3A_357 : vector<16xi32>
        %bitcast3A_359 = vector.bitcast %shift_left3A_358 : vector<16xi32> to vector<16xf32>
        %and3A_360 = arith.andi %get3A_355, %broadcast_in_dim3A_9 : vector<16xi32>
        %bitcast3A_361 = vector.bitcast %and3A_360 : vector<16xi32> to vector<16xf32>
        %mul3A_362 = arith.mulf %bitcast3A_359, %gather3A_177 : vector<16xf32>
        %add3A_363 = arith.addf %add3A_348, %mul3A_362 : vector<16xf32>
        %mul3A_364 = arith.mulf %bitcast3A_361, %gather3A_177 : vector<16xf32>
        %add3A_365 = arith.addf %add3A_350, %mul3A_364 : vector<16xf32>
        %add3A_366 = arith.constant 3136 : i32
        %add3A_367 = arith.addi %add3A_366, %scan3A_148 : i32
        %add3A_368 = vector.broadcast %add3A_367 : i32 to vector<16xi32>
        %add3A_369 = arith.addi %mul3A_7, %add3A_368 : vector<16xi32>
        tpu.vector_store_idx %arg10[%add3A_180, %add3A_369], %add3A_363 : memref<2x6272xf32, #tpu.memory_space<vmem>>[vector<16xi32>, vector<16xi32>], vector<16xf32>,
        %add3A_370 = arith.constant 49 : i32
        %add3A_371 = vector.broadcast %add3A_370 : i32 to vector<16xi32>
        %add3A_372 = arith.addi %add3A_369, %add3A_371 : vector<16xi32>
        tpu.vector_store_idx %arg10[%add3A_180, %add3A_372], %add3A_365 : memref<2x6272xf32, #tpu.memory_space<vmem>>[vector<16xi32>, vector<16xi32>], vector<16xf32>,
        %add3A_373 = arith.constant 56 : i32
        %add3A_374 = arith.addi %add3A_373, %scan3A_148 : i32
        %get3A_375 = arith.index_cast %add3A_374 : i32 to index
        %get3A_376 = arith.constant 48 : index
        %get3A_377 = tpu.vector_load %arg8[%get3A_375, %get3A_376] {strides = array<i32>} : memref<112x256xi32, #tpu.memory_space<vmem>>, vector<16xi32>,
        %shift_left3A_378 = arith.constant 16 : i32
        %shift_left3A_379 = vector.broadcast %shift_left3A_378 : i32 to vector<16xi32>
        %shift_left3A_380 = arith.shli %get3A_377, %shift_left3A_379 : vector<16xi32>
        %bitcast3A_381 = vector.bitcast %shift_left3A_380 : vector<16xi32> to vector<16xf32>
        %and3A_382 = arith.andi %get3A_377, %broadcast_in_dim3A_9 : vector<16xi32>
        %bitcast3A_383 = vector.bitcast %and3A_382 : vector<16xi32> to vector<16xf32>
        %mul3A_384 = arith.mulf %bitcast3A_381, %gather3A : vector<16xf32>
        %mul3A_385 = arith.mulf %bitcast3A_383, %gather3A : vector<16xf32>
        %add3A_386 = arith.constant 56 : i32
        %add3A_387 = arith.addi %add3A_386, %scan3A_148 : i32
        %get3A_388 = arith.index_cast %add3A_387 : i32 to index
        %get3A_389 = arith.constant 112 : index
        %get3A_390 = tpu.vector_load %arg8[%get3A_388, %get3A_389] {strides = array<i32>} : memref<112x256xi32, #tpu.memory_space<vmem>>, vector<16xi32>,
        %shift_left3A_391 = arith.constant 16 : i32
        %shift_left3A_392 = vector.broadcast %shift_left3A_391 : i32 to vector<16xi32>
        %shift_left3A_393 = arith.shli %get3A_390, %shift_left3A_392 : vector<16xi32>
        %bitcast3A_394 = vector.bitcast %shift_left3A_393 : vector<16xi32> to vector<16xf32>
        %and3A_395 = arith.andi %get3A_390, %broadcast_in_dim3A_9 : vector<16xi32>
        %bitcast3A_396 = vector.bitcast %and3A_395 : vector<16xi32> to vector<16xf32>
        %mul3A_397 = arith.mulf %bitcast3A_394, %gather3A_163 : vector<16xf32>
        %add3A_398 = arith.addf %mul3A_384, %mul3A_397 : vector<16xf32>
        %mul3A_399 = arith.mulf %bitcast3A_396, %gather3A_163 : vector<16xf32>
        %add3A_400 = arith.addf %mul3A_385, %mul3A_399 : vector<16xf32>
        %add3A_401 = arith.constant 56 : i32
        %add3A_402 = arith.addi %add3A_401, %scan3A_148 : i32
        %get3A_403 = arith.index_cast %add3A_402 : i32 to index
        %get3A_404 = arith.constant 176 : index
        %get3A_405 = tpu.vector_load %arg8[%get3A_403, %get3A_404] {strides = array<i32>} : memref<112x256xi32, #tpu.memory_space<vmem>>, vector<16xi32>,
        %shift_left3A_406 = arith.constant 16 : i32
        %shift_left3A_407 = vector.broadcast %shift_left3A_406 : i32 to vector<16xi32>
        %shift_left3A_408 = arith.shli %get3A_405, %shift_left3A_407 : vector<16xi32>
        %bitcast3A_409 = vector.bitcast %shift_left3A_408 : vector<16xi32> to vector<16xf32>
        %and3A_410 = arith.andi %get3A_405, %broadcast_in_dim3A_9 : vector<16xi32>
        %bitcast3A_411 = vector.bitcast %and3A_410 : vector<16xi32> to vector<16xf32>
        %mul3A_412 = arith.mulf %bitcast3A_409, %gather3A_170 : vector<16xf32>
        %add3A_413 = arith.addf %add3A_398, %mul3A_412 : vector<16xf32>
        %mul3A_414 = arith.mulf %bitcast3A_411, %gather3A_170 : vector<16xf32>
        %add3A_415 = arith.addf %add3A_400, %mul3A_414 : vector<16xf32>
        %add3A_416 = arith.constant 56 : i32
        %add3A_417 = arith.addi %add3A_416, %scan3A_148 : i32
        %get3A_418 = arith.index_cast %add3A_417 : i32 to index
        %get3A_419 = arith.constant 240 : index
        %get3A_420 = tpu.vector_load %arg8[%get3A_418, %get3A_419] {strides = array<i32>} : memref<112x256xi32, #tpu.memory_space<vmem>>, vector<16xi32>,
        %shift_left3A_421 = arith.constant 16 : i32
        %shift_left3A_422 = vector.broadcast %shift_left3A_421 : i32 to vector<16xi32>
        %shift_left3A_423 = arith.shli %get3A_420, %shift_left3A_422 : vector<16xi32>
        %bitcast3A_424 = vector.bitcast %shift_left3A_423 : vector<16xi32> to vector<16xf32>
        %and3A_425 = arith.andi %get3A_420, %broadcast_in_dim3A_9 : vector<16xi32>
        %bitcast3A_426 = vector.bitcast %and3A_425 : vector<16xi32> to vector<16xf32>
        %mul3A_427 = arith.mulf %bitcast3A_424, %gather3A_177 : vector<16xf32>
        %add3A_428 = arith.addf %add3A_413, %mul3A_427 : vector<16xf32>
        %mul3A_429 = arith.mulf %bitcast3A_426, %gather3A_177 : vector<16xf32>
        %add3A_430 = arith.addf %add3A_415, %mul3A_429 : vector<16xf32>
        %add3A_431 = arith.constant 4704 : i32
        %add3A_432 = arith.addi %add3A_431, %scan3A_148 : i32
        %add3A_433 = vector.broadcast %add3A_432 : i32 to vector<16xi32>
        %add3A_434 = arith.addi %mul3A_7, %add3A_433 : vector<16xi32>
        tpu.vector_store_idx %arg10[%add3A_180, %add3A_434], %add3A_428 : memref<2x6272xf32, #tpu.memory_space<vmem>>[vector<16xi32>, vector<16xi32>], vector<16xf32>,
        %add3A_435 = arith.constant 49 : i32
        %add3A_436 = vector.broadcast %add3A_435 : i32 to vector<16xi32>
        %add3A_437 = arith.addi %add3A_434, %add3A_436 : vector<16xi32>
        tpu.vector_store_idx %arg10[%add3A_180, %add3A_437], %add3A_430 : memref<2x6272xf32, #tpu.memory_space<vmem>>[vector<16xi32>, vector<16xi32>], vector<16xf32>,
      }
      %scan3A_87 = arith.constant 49 : i32
      %lt3A_88 = arith.constant 2000 : i32
      %lt3A_89 = arith.cmpi slt, %add3A_60, %lt3A_88 : i32
      %convert_element_type3A_90 = arith.extui %lt3A_89 : i1 to i32
      %cond3A_91 = arith.constant 0 : i32
      %cond3A_92 = arith.cmpi ne, %convert_element_type3A_90, %cond3A_91 : i32
      scf.if %cond3A_92 {
        %dma_start3A_148 = arith.constant 0 : i32
        %dma_start3A_149 = tpu.memref_slice %arg5[%add3A_60, %dma_start3A_148] : memref<2000x6272xf32, #tpu.memory_space<hbm>> -> memref<2x6272xf32, #tpu.memory_space<hbm>>
        %dma_start3A_150 = arith.constant 0 : i32
        %dma_start3A_151 = tpu.memref_slice %arg5[%add3A_60, %dma_start3A_150] : memref<2000x6272xf32, #tpu.memory_space<hbm>> -> memref<2x6272xf32, #tpu.memory_space<hbm>>
        tpu.enqueue_dma source(%arg10 : memref<2x6272xf32, #tpu.memory_space<vmem>>) target(%dma_start3A_151 : memref<2x6272xf32, #tpu.memory_space<hbm>>) target_semaphore(%arg14 : memref<!tpu.dma_semaphore, #tpu.memory_space<semaphore_mem>>)
      } else {
      }
      %add3A_93 = arith.constant 1 : i32
      %add3A_94 = arith.addi %mul3A_42, %add3A_93 : i32
      %dma_wait3A_95 = arith.constant 0 : i32
      %dma_wait3A_96 = tpu.memref_slice %arg6[%add3A_94, %dma_wait3A_95] : memref<32x112xi32, #tpu.memory_space<vmem>> -> memref<1x112xi32, #tpu.memory_space<vmem>>
      %dma_wait3A_97 = tpu.memref_squeeze %dma_wait3A_96 : memref<1x112xi32, #tpu.memory_space<vmem>> -> memref<112xi32, #tpu.memory_space<vmem>>
      %dma_wait3A_98 = arith.constant 0 : i32
      %dma_wait3A_99 = arith.constant 0 : i32
      %dma_wait3A_100 = tpu.memref_slice %arg2[%dma_wait3A_98, %dma_wait3A_99] : memref<8450x256xi32, #tpu.memory_space<hbm>> -> memref<8450x256xi32, #tpu.memory_space<hbm>>
      tpu.wait_indirect_dma semaphore(%arg13 : memref<!tpu.dma_semaphore, #tpu.memory_space<semaphore_mem>>) src(%dma_wait3A_100 : memref<8450x256xi32, #tpu.memory_space<hbm>>) dst(%arg9 : memref<112x256xi32, #tpu.memory_space<vmem>>)
      %lt3A_101 = arith.constant 15 : i32
      %lt3A_102 = arith.cmpi slt, %scan3A_40, %lt3A_101 : i32
      %convert_element_type3A_103 = arith.extui %lt3A_102 : i1 to i32
      %cond3A_104 = arith.constant 0 : i32
      %cond3A_105 = arith.cmpi ne, %convert_element_type3A_103, %cond3A_104 : i32
      scf.if %cond3A_105 {
        %add3A_148 = arith.constant 2 : i32
        %add3A_149 = arith.addi %mul3A_42, %add3A_148 : i32
        %dma_start3A_150 = arith.constant 0 : i32
        %dma_start3A_151 = tpu.memref_slice %arg6[%add3A_149, %dma_start3A_150] : memref<32x112xi32, #tpu.memory_space<vmem>> -> memref<1x112xi32, #tpu.memory_space<vmem>>
        %dma_start3A_152 = tpu.memref_squeeze %dma_start3A_151 : memref<1x112xi32, #tpu.memory_space<vmem>> -> memref<112xi32, #tpu.memory_space<vmem>>
        %dma_start3A_153 = arith.constant 0 : i32
        %dma_start3A_154 = arith.constant 0 : i32
        %dma_start3A_155 = tpu.memref_slice %arg2[%dma_start3A_153, %dma_start3A_154] : memref<8450x256xi32, #tpu.memory_space<hbm>> -> memref<8450x256xi32, #tpu.memory_space<hbm>>
        tpu.enqueue_indirect_dma source(%dma_start3A_155 : memref<8450x256xi32, #tpu.memory_space<hbm>>) target(%arg8 : memref<112x256xi32, #tpu.memory_space<vmem>>) offsets(%dma_start3A_152 : memref<112xi32, #tpu.memory_space<vmem>>) semaphore(%arg12 : memref<!tpu.dma_semaphore, #tpu.memory_space<semaphore_mem>>)
      } else {
      }
      %add3A_106 = arith.constant 1 : i32
      %add3A_107 = arith.addi %mul3A_42, %add3A_106 : i32
      %mul3A_108 = arith.constant 64 : i32
      %mul3A_109 = arith.muli %add3A, %mul3A_108 : i32
      %mul3A_110 = arith.constant 2 : i32
      %mul3A_111 = arith.muli %add3A_107, %mul3A_110 : i32
      %add3A_112 = arith.addi %mul3A_109, %mul3A_111 : i32
      %sub3A_113 = arith.constant 4 : i32
      %sub3A_114 = arith.subi %add3A_112, %sub3A_113 : i32
      %gt3A_115 = arith.constant 0 : i32
      %gt3A_116 = arith.cmpi sgt, %scan3A_40, %gt3A_115 : i32
      %lt3A_117 = arith.constant 2000 : i32
      %lt3A_118 = arith.cmpi slt, %sub3A_114, %lt3A_117 : i32
      %and3A_119 = arith.andi %gt3A_116, %lt3A_118 : i1
      %convert_element_type3A_120 = arith.extui %and3A_119 : i1 to i32
      %cond3A_121 = arith.constant 0 : i32
      %cond3A_122 = arith.cmpi ne, %convert_element_type3A_120, %cond3A_121 : i32
      scf.if %cond3A_122 {
        %dma_wait3A_148 = arith.constant 0 : i32
        %dma_wait3A_149 = tpu.memref_slice %arg5[%sub3A_114, %dma_wait3A_148] : memref<2000x6272xf32, #tpu.memory_space<hbm>> -> memref<2x6272xf32, #tpu.memory_space<hbm>>
        %dma_wait3A_150 = arith.constant 0 : i32
        %dma_wait3A_151 = tpu.memref_slice %arg5[%sub3A_114, %dma_wait3A_150] : memref<2000x6272xf32, #tpu.memory_space<hbm>> -> memref<2x6272xf32, #tpu.memory_space<hbm>>
        tpu.wait_dma2 semaphore(%arg15 : memref<!tpu.dma_semaphore, #tpu.memory_space<semaphore_mem>>) src(%arg11 : memref<2x6272xf32, #tpu.memory_space<vmem>>) dst(%dma_wait3A_151 : memref<2x6272xf32, #tpu.memory_space<hbm>>)
      } else {
      }
      %mul3A_123 = arith.constant 2 : i32
      %mul3A_124 = arith.muli %add3A_107, %mul3A_123 : i32
      %add3A_125 = arith.constant 0 : i32
      %add3A_126 = arith.addi %mul3A_124, %add3A_125 : i32
      %scan3A_127 = arith.constant 0 : i32
      %scan3A_128 = arith.constant 0 : i32
      %scan3A_129 = arith.constant 49 : i32
      %scan3A_130 = arith.addi %scan3A_128, %scan3A_129 : i32
      %scan3A_131 = arith.constant 1 : i32
      scf.for %scan3A_148 = %scan3A_128 to %scan3A_130 step %scan3A_131  : i32 {
        %mul3A_149 = arith.constant 4 : i32
        %mul3A_150 = arith.muli %scan3A_148, %mul3A_149 : i32
        %add3A_151 = vector.broadcast %add3A_126 : i32 to vector<16xi32>
        %add3A_152 = arith.addi %broadcast_in_dim3A_1, %add3A_151 : vector<16xi32>
        %add3A_153 = arith.constant 0 : i32
        %add3A_154 = arith.addi %mul3A_150, %add3A_153 : i32
        %add3A_155 = vector.broadcast %add3A_154 : i32 to vector<16xi32>
        %add3A_156 = arith.addi %broadcast_in_dim3A_1, %add3A_155 : vector<16xi32>
        %gather3A = tpu.vector_load_idx %arg7[%add3A_152, %add3A_156] : memref<64x208xf32, #tpu.memory_space<vmem>>[vector<16xi32>, vector<16xi32>], vector<16xf32>,
        %add3A_157 = vector.broadcast %add3A_126 : i32 to vector<16xi32>
        %add3A_158 = arith.addi %broadcast_in_dim3A_1, %add3A_157 : vector<16xi32>
        %add3A_159 = arith.constant 1 : i32
        %add3A_160 = arith.addi %mul3A_150, %add3A_159 : i32
        %add3A_161 = vector.broadcast %add3A_160 : i32 to vector<16xi32>
        %add3A_162 = arith.addi %broadcast_in_dim3A_1, %add3A_161 : vector<16xi32>
        %gather3A_163 = tpu.vector_load_idx %arg7[%add3A_158, %add3A_162] : memref<64x208xf32, #tpu.memory_space<vmem>>[vector<16xi32>, vector<16xi32>], vector<16xf32>,
        %add3A_164 = vector.broadcast %add3A_126 : i32 to vector<16xi32>
        %add3A_165 = arith.addi %broadcast_in_dim3A_1, %add3A_164 : vector<16xi32>
        %add3A_166 = arith.constant 2 : i32
        %add3A_167 = arith.addi %mul3A_150, %add3A_166 : i32
        %add3A_168 = vector.broadcast %add3A_167 : i32 to vector<16xi32>
        %add3A_169 = arith.addi %broadcast_in_dim3A_1, %add3A_168 : vector<16xi32>
        %gather3A_170 = tpu.vector_load_idx %arg7[%add3A_165, %add3A_169] : memref<64x208xf32, #tpu.memory_space<vmem>>[vector<16xi32>, vector<16xi32>], vector<16xf32>,
        %add3A_171 = vector.broadcast %add3A_126 : i32 to vector<16xi32>
        %add3A_172 = arith.addi %broadcast_in_dim3A_1, %add3A_171 : vector<16xi32>
        %add3A_173 = arith.constant 3 : i32
        %add3A_174 = arith.addi %mul3A_150, %add3A_173 : i32
        %add3A_175 = vector.broadcast %add3A_174 : i32 to vector<16xi32>
        %add3A_176 = arith.addi %broadcast_in_dim3A_1, %add3A_175 : vector<16xi32>
        %gather3A_177 = tpu.vector_load_idx %arg7[%add3A_172, %add3A_176] : memref<64x208xf32, #tpu.memory_space<vmem>>[vector<16xi32>, vector<16xi32>], vector<16xf32>,
        %add3A_178 = arith.constant 0 : i32
        %add3A_179 = vector.broadcast %add3A_178 : i32 to vector<16xi32>
        %add3A_180 = arith.addi %broadcast_in_dim3A_1, %add3A_179 : vector<16xi32>
        %add3A_181 = arith.constant 0 : i32
        %add3A_182 = arith.addi %add3A_181, %scan3A_148 : i32
        %get3A = arith.index_cast %add3A_182 : i32 to index
        %get3A_183 = arith.constant 0 : index
        %get3A_184 = tpu.vector_load %arg9[%get3A, %get3A_183] {strides = array<i32>} : memref<112x256xi32, #tpu.memory_space<vmem>>, vector<16xi32>,
        %shift_left3A = arith.constant 16 : i32
        %shift_left3A_185 = vector.broadcast %shift_left3A : i32 to vector<16xi32>
        %shift_left3A_186 = arith.shli %get3A_184, %shift_left3A_185 : vector<16xi32>
        %bitcast3A = vector.bitcast %shift_left3A_186 : vector<16xi32> to vector<16xf32>
        %and3A_187 = arith.andi %get3A_184, %broadcast_in_dim3A_9 : vector<16xi32>
        %bitcast3A_188 = vector.bitcast %and3A_187 : vector<16xi32> to vector<16xf32>
        %mul3A_189 = arith.mulf %bitcast3A, %gather3A : vector<16xf32>
        %mul3A_190 = arith.mulf %bitcast3A_188, %gather3A : vector<16xf32>
        %add3A_191 = arith.constant 0 : i32
        %add3A_192 = arith.addi %add3A_191, %scan3A_148 : i32
        %get3A_193 = arith.index_cast %add3A_192 : i32 to index
        %get3A_194 = arith.constant 64 : index
        %get3A_195 = tpu.vector_load %arg9[%get3A_193, %get3A_194] {strides = array<i32>} : memref<112x256xi32, #tpu.memory_space<vmem>>, vector<16xi32>,
        %shift_left3A_196 = arith.constant 16 : i32
        %shift_left3A_197 = vector.broadcast %shift_left3A_196 : i32 to vector<16xi32>
        %shift_left3A_198 = arith.shli %get3A_195, %shift_left3A_197 : vector<16xi32>
        %bitcast3A_199 = vector.bitcast %shift_left3A_198 : vector<16xi32> to vector<16xf32>
        %and3A_200 = arith.andi %get3A_195, %broadcast_in_dim3A_9 : vector<16xi32>
        %bitcast3A_201 = vector.bitcast %and3A_200 : vector<16xi32> to vector<16xf32>
        %mul3A_202 = arith.mulf %bitcast3A_199, %gather3A_163 : vector<16xf32>
        %add3A_203 = arith.addf %mul3A_189, %mul3A_202 : vector<16xf32>
        %mul3A_204 = arith.mulf %bitcast3A_201, %gather3A_163 : vector<16xf32>
        %add3A_205 = arith.addf %mul3A_190, %mul3A_204 : vector<16xf32>
        %add3A_206 = arith.constant 0 : i32
        %add3A_207 = arith.addi %add3A_206, %scan3A_148 : i32
        %get3A_208 = arith.index_cast %add3A_207 : i32 to index
        %get3A_209 = arith.constant 128 : index
        %get3A_210 = tpu.vector_load %arg9[%get3A_208, %get3A_209] {strides = array<i32>} : memref<112x256xi32, #tpu.memory_space<vmem>>, vector<16xi32>,
        %shift_left3A_211 = arith.constant 16 : i32
        %shift_left3A_212 = vector.broadcast %shift_left3A_211 : i32 to vector<16xi32>
        %shift_left3A_213 = arith.shli %get3A_210, %shift_left3A_212 : vector<16xi32>
        %bitcast3A_214 = vector.bitcast %shift_left3A_213 : vector<16xi32> to vector<16xf32>
        %and3A_215 = arith.andi %get3A_210, %broadcast_in_dim3A_9 : vector<16xi32>
        %bitcast3A_216 = vector.bitcast %and3A_215 : vector<16xi32> to vector<16xf32>
        %mul3A_217 = arith.mulf %bitcast3A_214, %gather3A_170 : vector<16xf32>
        %add3A_218 = arith.addf %add3A_203, %mul3A_217 : vector<16xf32>
        %mul3A_219 = arith.mulf %bitcast3A_216, %gather3A_170 : vector<16xf32>
        %add3A_220 = arith.addf %add3A_205, %mul3A_219 : vector<16xf32>
        %add3A_221 = arith.constant 0 : i32
        %add3A_222 = arith.addi %add3A_221, %scan3A_148 : i32
        %get3A_223 = arith.index_cast %add3A_222 : i32 to index
        %get3A_224 = arith.constant 192 : index
        %get3A_225 = tpu.vector_load %arg9[%get3A_223, %get3A_224] {strides = array<i32>} : memref<112x256xi32, #tpu.memory_space<vmem>>, vector<16xi32>,
        %shift_left3A_226 = arith.constant 16 : i32
        %shift_left3A_227 = vector.broadcast %shift_left3A_226 : i32 to vector<16xi32>
        %shift_left3A_228 = arith.shli %get3A_225, %shift_left3A_227 : vector<16xi32>
        %bitcast3A_229 = vector.bitcast %shift_left3A_228 : vector<16xi32> to vector<16xf32>
        %and3A_230 = arith.andi %get3A_225, %broadcast_in_dim3A_9 : vector<16xi32>
        %bitcast3A_231 = vector.bitcast %and3A_230 : vector<16xi32> to vector<16xf32>
        %mul3A_232 = arith.mulf %bitcast3A_229, %gather3A_177 : vector<16xf32>
        %add3A_233 = arith.addf %add3A_218, %mul3A_232 : vector<16xf32>
        %mul3A_234 = arith.mulf %bitcast3A_231, %gather3A_177 : vector<16xf32>
        %add3A_235 = arith.addf %add3A_220, %mul3A_234 : vector<16xf32>
        %add3A_236 = arith.constant 0 : i32
        %add3A_237 = arith.addi %add3A_236, %scan3A_148 : i32
        %add3A_238 = vector.broadcast %add3A_237 : i32 to vector<16xi32>
        %add3A_239 = arith.addi %mul3A_7, %add3A_238 : vector<16xi32>
        tpu.vector_store_idx %arg11[%add3A_180, %add3A_239], %add3A_233 : memref<2x6272xf32, #tpu.memory_space<vmem>>[vector<16xi32>, vector<16xi32>], vector<16xf32>,
        %add3A_240 = arith.constant 49 : i32
        %add3A_241 = vector.broadcast %add3A_240 : i32 to vector<16xi32>
        %add3A_242 = arith.addi %add3A_239, %add3A_241 : vector<16xi32>
        tpu.vector_store_idx %arg11[%add3A_180, %add3A_242], %add3A_235 : memref<2x6272xf32, #tpu.memory_space<vmem>>[vector<16xi32>, vector<16xi32>], vector<16xf32>,
        %add3A_243 = arith.constant 0 : i32
        %add3A_244 = arith.addi %add3A_243, %scan3A_148 : i32
        %get3A_245 = arith.index_cast %add3A_244 : i32 to index
        %get3A_246 = arith.constant 16 : index
        %get3A_247 = tpu.vector_load %arg9[%get3A_245, %get3A_246] {strides = array<i32>} : memref<112x256xi32, #tpu.memory_space<vmem>>, vector<16xi32>,
        %shift_left3A_248 = arith.constant 16 : i32
        %shift_left3A_249 = vector.broadcast %shift_left3A_248 : i32 to vector<16xi32>
        %shift_left3A_250 = arith.shli %get3A_247, %shift_left3A_249 : vector<16xi32>
        %bitcast3A_251 = vector.bitcast %shift_left3A_250 : vector<16xi32> to vector<16xf32>
        %and3A_252 = arith.andi %get3A_247, %broadcast_in_dim3A_9 : vector<16xi32>
        %bitcast3A_253 = vector.bitcast %and3A_252 : vector<16xi32> to vector<16xf32>
        %mul3A_254 = arith.mulf %bitcast3A_251, %gather3A : vector<16xf32>
        %mul3A_255 = arith.mulf %bitcast3A_253, %gather3A : vector<16xf32>
        %add3A_256 = arith.constant 0 : i32
        %add3A_257 = arith.addi %add3A_256, %scan3A_148 : i32
        %get3A_258 = arith.index_cast %add3A_257 : i32 to index
        %get3A_259 = arith.constant 80 : index
        %get3A_260 = tpu.vector_load %arg9[%get3A_258, %get3A_259] {strides = array<i32>} : memref<112x256xi32, #tpu.memory_space<vmem>>, vector<16xi32>,
        %shift_left3A_261 = arith.constant 16 : i32
        %shift_left3A_262 = vector.broadcast %shift_left3A_261 : i32 to vector<16xi32>
        %shift_left3A_263 = arith.shli %get3A_260, %shift_left3A_262 : vector<16xi32>
        %bitcast3A_264 = vector.bitcast %shift_left3A_263 : vector<16xi32> to vector<16xf32>
        %and3A_265 = arith.andi %get3A_260, %broadcast_in_dim3A_9 : vector<16xi32>
        %bitcast3A_266 = vector.bitcast %and3A_265 : vector<16xi32> to vector<16xf32>
        %mul3A_267 = arith.mulf %bitcast3A_264, %gather3A_163 : vector<16xf32>
        %add3A_268 = arith.addf %mul3A_254, %mul3A_267 : vector<16xf32>
        %mul3A_269 = arith.mulf %bitcast3A_266, %gather3A_163 : vector<16xf32>
        %add3A_270 = arith.addf %mul3A_255, %mul3A_269 : vector<16xf32>
        %add3A_271 = arith.constant 0 : i32
        %add3A_272 = arith.addi %add3A_271, %scan3A_148 : i32
        %get3A_273 = arith.index_cast %add3A_272 : i32 to index
        %get3A_274 = arith.constant 144 : index
        %get3A_275 = tpu.vector_load %arg9[%get3A_273, %get3A_274] {strides = array<i32>} : memref<112x256xi32, #tpu.memory_space<vmem>>, vector<16xi32>,
        %shift_left3A_276 = arith.constant 16 : i32
        %shift_left3A_277 = vector.broadcast %shift_left3A_276 : i32 to vector<16xi32>
        %shift_left3A_278 = arith.shli %get3A_275, %shift_left3A_277 : vector<16xi32>
        %bitcast3A_279 = vector.bitcast %shift_left3A_278 : vector<16xi32> to vector<16xf32>
        %and3A_280 = arith.andi %get3A_275, %broadcast_in_dim3A_9 : vector<16xi32>
        %bitcast3A_281 = vector.bitcast %and3A_280 : vector<16xi32> to vector<16xf32>
        %mul3A_282 = arith.mulf %bitcast3A_279, %gather3A_170 : vector<16xf32>
        %add3A_283 = arith.addf %add3A_268, %mul3A_282 : vector<16xf32>
        %mul3A_284 = arith.mulf %bitcast3A_281, %gather3A_170 : vector<16xf32>
        %add3A_285 = arith.addf %add3A_270, %mul3A_284 : vector<16xf32>
        %add3A_286 = arith.constant 0 : i32
        %add3A_287 = arith.addi %add3A_286, %scan3A_148 : i32
        %get3A_288 = arith.index_cast %add3A_287 : i32 to index
        %get3A_289 = arith.constant 208 : index
        %get3A_290 = tpu.vector_load %arg9[%get3A_288, %get3A_289] {strides = array<i32>} : memref<112x256xi32, #tpu.memory_space<vmem>>, vector<16xi32>,
        %shift_left3A_291 = arith.constant 16 : i32
        %shift_left3A_292 = vector.broadcast %shift_left3A_291 : i32 to vector<16xi32>
        %shift_left3A_293 = arith.shli %get3A_290, %shift_left3A_292 : vector<16xi32>
        %bitcast3A_294 = vector.bitcast %shift_left3A_293 : vector<16xi32> to vector<16xf32>
        %and3A_295 = arith.andi %get3A_290, %broadcast_in_dim3A_9 : vector<16xi32>
        %bitcast3A_296 = vector.bitcast %and3A_295 : vector<16xi32> to vector<16xf32>
        %mul3A_297 = arith.mulf %bitcast3A_294, %gather3A_177 : vector<16xf32>
        %add3A_298 = arith.addf %add3A_283, %mul3A_297 : vector<16xf32>
        %mul3A_299 = arith.mulf %bitcast3A_296, %gather3A_177 : vector<16xf32>
        %add3A_300 = arith.addf %add3A_285, %mul3A_299 : vector<16xf32>
        %add3A_301 = arith.constant 1568 : i32
        %add3A_302 = arith.addi %add3A_301, %scan3A_148 : i32
        %add3A_303 = vector.broadcast %add3A_302 : i32 to vector<16xi32>
        %add3A_304 = arith.addi %mul3A_7, %add3A_303 : vector<16xi32>
        tpu.vector_store_idx %arg11[%add3A_180, %add3A_304], %add3A_298 : memref<2x6272xf32, #tpu.memory_space<vmem>>[vector<16xi32>, vector<16xi32>], vector<16xf32>,
        %add3A_305 = arith.constant 49 : i32
        %add3A_306 = vector.broadcast %add3A_305 : i32 to vector<16xi32>
        %add3A_307 = arith.addi %add3A_304, %add3A_306 : vector<16xi32>
        tpu.vector_store_idx %arg11[%add3A_180, %add3A_307], %add3A_300 : memref<2x6272xf32, #tpu.memory_space<vmem>>[vector<16xi32>, vector<16xi32>], vector<16xf32>,
        %add3A_308 = arith.constant 0 : i32
        %add3A_309 = arith.addi %add3A_308, %scan3A_148 : i32
        %get3A_310 = arith.index_cast %add3A_309 : i32 to index
        %get3A_311 = arith.constant 32 : index
        %get3A_312 = tpu.vector_load %arg9[%get3A_310, %get3A_311] {strides = array<i32>} : memref<112x256xi32, #tpu.memory_space<vmem>>, vector<16xi32>,
        %shift_left3A_313 = arith.constant 16 : i32
        %shift_left3A_314 = vector.broadcast %shift_left3A_313 : i32 to vector<16xi32>
        %shift_left3A_315 = arith.shli %get3A_312, %shift_left3A_314 : vector<16xi32>
        %bitcast3A_316 = vector.bitcast %shift_left3A_315 : vector<16xi32> to vector<16xf32>
        %and3A_317 = arith.andi %get3A_312, %broadcast_in_dim3A_9 : vector<16xi32>
        %bitcast3A_318 = vector.bitcast %and3A_317 : vector<16xi32> to vector<16xf32>
        %mul3A_319 = arith.mulf %bitcast3A_316, %gather3A : vector<16xf32>
        %mul3A_320 = arith.mulf %bitcast3A_318, %gather3A : vector<16xf32>
        %add3A_321 = arith.constant 0 : i32
        %add3A_322 = arith.addi %add3A_321, %scan3A_148 : i32
        %get3A_323 = arith.index_cast %add3A_322 : i32 to index
        %get3A_324 = arith.constant 96 : index
        %get3A_325 = tpu.vector_load %arg9[%get3A_323, %get3A_324] {strides = array<i32>} : memref<112x256xi32, #tpu.memory_space<vmem>>, vector<16xi32>,
        %shift_left3A_326 = arith.constant 16 : i32
        %shift_left3A_327 = vector.broadcast %shift_left3A_326 : i32 to vector<16xi32>
        %shift_left3A_328 = arith.shli %get3A_325, %shift_left3A_327 : vector<16xi32>
        %bitcast3A_329 = vector.bitcast %shift_left3A_328 : vector<16xi32> to vector<16xf32>
        %and3A_330 = arith.andi %get3A_325, %broadcast_in_dim3A_9 : vector<16xi32>
        %bitcast3A_331 = vector.bitcast %and3A_330 : vector<16xi32> to vector<16xf32>
        %mul3A_332 = arith.mulf %bitcast3A_329, %gather3A_163 : vector<16xf32>
        %add3A_333 = arith.addf %mul3A_319, %mul3A_332 : vector<16xf32>
        %mul3A_334 = arith.mulf %bitcast3A_331, %gather3A_163 : vector<16xf32>
        %add3A_335 = arith.addf %mul3A_320, %mul3A_334 : vector<16xf32>
        %add3A_336 = arith.constant 0 : i32
        %add3A_337 = arith.addi %add3A_336, %scan3A_148 : i32
        %get3A_338 = arith.index_cast %add3A_337 : i32 to index
        %get3A_339 = arith.constant 160 : index
        %get3A_340 = tpu.vector_load %arg9[%get3A_338, %get3A_339] {strides = array<i32>} : memref<112x256xi32, #tpu.memory_space<vmem>>, vector<16xi32>,
        %shift_left3A_341 = arith.constant 16 : i32
        %shift_left3A_342 = vector.broadcast %shift_left3A_341 : i32 to vector<16xi32>
        %shift_left3A_343 = arith.shli %get3A_340, %shift_left3A_342 : vector<16xi32>
        %bitcast3A_344 = vector.bitcast %shift_left3A_343 : vector<16xi32> to vector<16xf32>
        %and3A_345 = arith.andi %get3A_340, %broadcast_in_dim3A_9 : vector<16xi32>
        %bitcast3A_346 = vector.bitcast %and3A_345 : vector<16xi32> to vector<16xf32>
        %mul3A_347 = arith.mulf %bitcast3A_344, %gather3A_170 : vector<16xf32>
        %add3A_348 = arith.addf %add3A_333, %mul3A_347 : vector<16xf32>
        %mul3A_349 = arith.mulf %bitcast3A_346, %gather3A_170 : vector<16xf32>
        %add3A_350 = arith.addf %add3A_335, %mul3A_349 : vector<16xf32>
        %add3A_351 = arith.constant 0 : i32
        %add3A_352 = arith.addi %add3A_351, %scan3A_148 : i32
        %get3A_353 = arith.index_cast %add3A_352 : i32 to index
        %get3A_354 = arith.constant 224 : index
        %get3A_355 = tpu.vector_load %arg9[%get3A_353, %get3A_354] {strides = array<i32>} : memref<112x256xi32, #tpu.memory_space<vmem>>, vector<16xi32>,
        %shift_left3A_356 = arith.constant 16 : i32
        %shift_left3A_357 = vector.broadcast %shift_left3A_356 : i32 to vector<16xi32>
        %shift_left3A_358 = arith.shli %get3A_355, %shift_left3A_357 : vector<16xi32>
        %bitcast3A_359 = vector.bitcast %shift_left3A_358 : vector<16xi32> to vector<16xf32>
        %and3A_360 = arith.andi %get3A_355, %broadcast_in_dim3A_9 : vector<16xi32>
        %bitcast3A_361 = vector.bitcast %and3A_360 : vector<16xi32> to vector<16xf32>
        %mul3A_362 = arith.mulf %bitcast3A_359, %gather3A_177 : vector<16xf32>
        %add3A_363 = arith.addf %add3A_348, %mul3A_362 : vector<16xf32>
        %mul3A_364 = arith.mulf %bitcast3A_361, %gather3A_177 : vector<16xf32>
        %add3A_365 = arith.addf %add3A_350, %mul3A_364 : vector<16xf32>
        %add3A_366 = arith.constant 3136 : i32
        %add3A_367 = arith.addi %add3A_366, %scan3A_148 : i32
        %add3A_368 = vector.broadcast %add3A_367 : i32 to vector<16xi32>
        %add3A_369 = arith.addi %mul3A_7, %add3A_368 : vector<16xi32>
        tpu.vector_store_idx %arg11[%add3A_180, %add3A_369], %add3A_363 : memref<2x6272xf32, #tpu.memory_space<vmem>>[vector<16xi32>, vector<16xi32>], vector<16xf32>,
        %add3A_370 = arith.constant 49 : i32
        %add3A_371 = vector.broadcast %add3A_370 : i32 to vector<16xi32>
        %add3A_372 = arith.addi %add3A_369, %add3A_371 : vector<16xi32>
        tpu.vector_store_idx %arg11[%add3A_180, %add3A_372], %add3A_365 : memref<2x6272xf32, #tpu.memory_space<vmem>>[vector<16xi32>, vector<16xi32>], vector<16xf32>,
        %add3A_373 = arith.constant 0 : i32
        %add3A_374 = arith.addi %add3A_373, %scan3A_148 : i32
        %get3A_375 = arith.index_cast %add3A_374 : i32 to index
        %get3A_376 = arith.constant 48 : index
        %get3A_377 = tpu.vector_load %arg9[%get3A_375, %get3A_376] {strides = array<i32>} : memref<112x256xi32, #tpu.memory_space<vmem>>, vector<16xi32>,
        %shift_left3A_378 = arith.constant 16 : i32
        %shift_left3A_379 = vector.broadcast %shift_left3A_378 : i32 to vector<16xi32>
        %shift_left3A_380 = arith.shli %get3A_377, %shift_left3A_379 : vector<16xi32>
        %bitcast3A_381 = vector.bitcast %shift_left3A_380 : vector<16xi32> to vector<16xf32>
        %and3A_382 = arith.andi %get3A_377, %broadcast_in_dim3A_9 : vector<16xi32>
        %bitcast3A_383 = vector.bitcast %and3A_382 : vector<16xi32> to vector<16xf32>
        %mul3A_384 = arith.mulf %bitcast3A_381, %gather3A : vector<16xf32>
        %mul3A_385 = arith.mulf %bitcast3A_383, %gather3A : vector<16xf32>
        %add3A_386 = arith.constant 0 : i32
        %add3A_387 = arith.addi %add3A_386, %scan3A_148 : i32
        %get3A_388 = arith.index_cast %add3A_387 : i32 to index
        %get3A_389 = arith.constant 112 : index
        %get3A_390 = tpu.vector_load %arg9[%get3A_388, %get3A_389] {strides = array<i32>} : memref<112x256xi32, #tpu.memory_space<vmem>>, vector<16xi32>,
        %shift_left3A_391 = arith.constant 16 : i32
        %shift_left3A_392 = vector.broadcast %shift_left3A_391 : i32 to vector<16xi32>
        %shift_left3A_393 = arith.shli %get3A_390, %shift_left3A_392 : vector<16xi32>
        %bitcast3A_394 = vector.bitcast %shift_left3A_393 : vector<16xi32> to vector<16xf32>
        %and3A_395 = arith.andi %get3A_390, %broadcast_in_dim3A_9 : vector<16xi32>
        %bitcast3A_396 = vector.bitcast %and3A_395 : vector<16xi32> to vector<16xf32>
        %mul3A_397 = arith.mulf %bitcast3A_394, %gather3A_163 : vector<16xf32>
        %add3A_398 = arith.addf %mul3A_384, %mul3A_397 : vector<16xf32>
        %mul3A_399 = arith.mulf %bitcast3A_396, %gather3A_163 : vector<16xf32>
        %add3A_400 = arith.addf %mul3A_385, %mul3A_399 : vector<16xf32>
        %add3A_401 = arith.constant 0 : i32
        %add3A_402 = arith.addi %add3A_401, %scan3A_148 : i32
        %get3A_403 = arith.index_cast %add3A_402 : i32 to index
        %get3A_404 = arith.constant 176 : index
        %get3A_405 = tpu.vector_load %arg9[%get3A_403, %get3A_404] {strides = array<i32>} : memref<112x256xi32, #tpu.memory_space<vmem>>, vector<16xi32>,
        %shift_left3A_406 = arith.constant 16 : i32
        %shift_left3A_407 = vector.broadcast %shift_left3A_406 : i32 to vector<16xi32>
        %shift_left3A_408 = arith.shli %get3A_405, %shift_left3A_407 : vector<16xi32>
        %bitcast3A_409 = vector.bitcast %shift_left3A_408 : vector<16xi32> to vector<16xf32>
        %and3A_410 = arith.andi %get3A_405, %broadcast_in_dim3A_9 : vector<16xi32>
        %bitcast3A_411 = vector.bitcast %and3A_410 : vector<16xi32> to vector<16xf32>
        %mul3A_412 = arith.mulf %bitcast3A_409, %gather3A_170 : vector<16xf32>
        %add3A_413 = arith.addf %add3A_398, %mul3A_412 : vector<16xf32>
        %mul3A_414 = arith.mulf %bitcast3A_411, %gather3A_170 : vector<16xf32>
        %add3A_415 = arith.addf %add3A_400, %mul3A_414 : vector<16xf32>
        %add3A_416 = arith.constant 0 : i32
        %add3A_417 = arith.addi %add3A_416, %scan3A_148 : i32
        %get3A_418 = arith.index_cast %add3A_417 : i32 to index
        %get3A_419 = arith.constant 240 : index
        %get3A_420 = tpu.vector_load %arg9[%get3A_418, %get3A_419] {strides = array<i32>} : memref<112x256xi32, #tpu.memory_space<vmem>>, vector<16xi32>,
        %shift_left3A_421 = arith.constant 16 : i32
        %shift_left3A_422 = vector.broadcast %shift_left3A_421 : i32 to vector<16xi32>
        %shift_left3A_423 = arith.shli %get3A_420, %shift_left3A_422 : vector<16xi32>
        %bitcast3A_424 = vector.bitcast %shift_left3A_423 : vector<16xi32> to vector<16xf32>
        %and3A_425 = arith.andi %get3A_420, %broadcast_in_dim3A_9 : vector<16xi32>
        %bitcast3A_426 = vector.bitcast %and3A_425 : vector<16xi32> to vector<16xf32>
        %mul3A_427 = arith.mulf %bitcast3A_424, %gather3A_177 : vector<16xf32>
        %add3A_428 = arith.addf %add3A_413, %mul3A_427 : vector<16xf32>
        %mul3A_429 = arith.mulf %bitcast3A_426, %gather3A_177 : vector<16xf32>
        %add3A_430 = arith.addf %add3A_415, %mul3A_429 : vector<16xf32>
        %add3A_431 = arith.constant 4704 : i32
        %add3A_432 = arith.addi %add3A_431, %scan3A_148 : i32
        %add3A_433 = vector.broadcast %add3A_432 : i32 to vector<16xi32>
        %add3A_434 = arith.addi %mul3A_7, %add3A_433 : vector<16xi32>
        tpu.vector_store_idx %arg11[%add3A_180, %add3A_434], %add3A_428 : memref<2x6272xf32, #tpu.memory_space<vmem>>[vector<16xi32>, vector<16xi32>], vector<16xf32>,
        %add3A_435 = arith.constant 49 : i32
        %add3A_436 = vector.broadcast %add3A_435 : i32 to vector<16xi32>
        %add3A_437 = arith.addi %add3A_434, %add3A_436 : vector<16xi32>
        tpu.vector_store_idx %arg11[%add3A_180, %add3A_437], %add3A_430 : memref<2x6272xf32, #tpu.memory_space<vmem>>[vector<16xi32>, vector<16xi32>], vector<16xf32>,
      }
      %scan3A_132 = arith.constant 49 : i32
      %mul3A_133 = arith.constant 2 : i32
      %mul3A_134 = arith.muli %add3A_107, %mul3A_133 : i32
      %add3A_135 = arith.constant 1 : i32
      %add3A_136 = arith.addi %mul3A_134, %add3A_135 : i32
      %scan3A_137 = arith.constant 0 : i32
      %scan3A_138 = arith.constant 0 : i32
      %scan3A_139 = arith.constant 49 : i32
      %scan3A_140 = arith.addi %scan3A_138, %scan3A_139 : i32
      %scan3A_141 = arith.constant 1 : i32
      scf.for %scan3A_148 = %scan3A_138 to %scan3A_140 step %scan3A_141  : i32 {
        %mul3A_149 = arith.constant 4 : i32
        %mul3A_150 = arith.muli %scan3A_148, %mul3A_149 : i32
        %add3A_151 = vector.broadcast %add3A_136 : i32 to vector<16xi32>
        %add3A_152 = arith.addi %broadcast_in_dim3A_1, %add3A_151 : vector<16xi32>
        %add3A_153 = arith.constant 0 : i32
        %add3A_154 = arith.addi %mul3A_150, %add3A_153 : i32
        %add3A_155 = vector.broadcast %add3A_154 : i32 to vector<16xi32>
        %add3A_156 = arith.addi %broadcast_in_dim3A_1, %add3A_155 : vector<16xi32>
        %gather3A = tpu.vector_load_idx %arg7[%add3A_152, %add3A_156] : memref<64x208xf32, #tpu.memory_space<vmem>>[vector<16xi32>, vector<16xi32>], vector<16xf32>,
        %add3A_157 = vector.broadcast %add3A_136 : i32 to vector<16xi32>
        %add3A_158 = arith.addi %broadcast_in_dim3A_1, %add3A_157 : vector<16xi32>
        %add3A_159 = arith.constant 1 : i32
        %add3A_160 = arith.addi %mul3A_150, %add3A_159 : i32
        %add3A_161 = vector.broadcast %add3A_160 : i32 to vector<16xi32>
        %add3A_162 = arith.addi %broadcast_in_dim3A_1, %add3A_161 : vector<16xi32>
        %gather3A_163 = tpu.vector_load_idx %arg7[%add3A_158, %add3A_162] : memref<64x208xf32, #tpu.memory_space<vmem>>[vector<16xi32>, vector<16xi32>], vector<16xf32>,
        %add3A_164 = vector.broadcast %add3A_136 : i32 to vector<16xi32>
        %add3A_165 = arith.addi %broadcast_in_dim3A_1, %add3A_164 : vector<16xi32>
        %add3A_166 = arith.constant 2 : i32
        %add3A_167 = arith.addi %mul3A_150, %add3A_166 : i32
        %add3A_168 = vector.broadcast %add3A_167 : i32 to vector<16xi32>
        %add3A_169 = arith.addi %broadcast_in_dim3A_1, %add3A_168 : vector<16xi32>
        %gather3A_170 = tpu.vector_load_idx %arg7[%add3A_165, %add3A_169] : memref<64x208xf32, #tpu.memory_space<vmem>>[vector<16xi32>, vector<16xi32>], vector<16xf32>,
        %add3A_171 = vector.broadcast %add3A_136 : i32 to vector<16xi32>
        %add3A_172 = arith.addi %broadcast_in_dim3A_1, %add3A_171 : vector<16xi32>
        %add3A_173 = arith.constant 3 : i32
        %add3A_174 = arith.addi %mul3A_150, %add3A_173 : i32
        %add3A_175 = vector.broadcast %add3A_174 : i32 to vector<16xi32>
        %add3A_176 = arith.addi %broadcast_in_dim3A_1, %add3A_175 : vector<16xi32>
        %gather3A_177 = tpu.vector_load_idx %arg7[%add3A_172, %add3A_176] : memref<64x208xf32, #tpu.memory_space<vmem>>[vector<16xi32>, vector<16xi32>], vector<16xf32>,
        %add3A_178 = arith.constant 1 : i32
        %add3A_179 = vector.broadcast %add3A_178 : i32 to vector<16xi32>
        %add3A_180 = arith.addi %broadcast_in_dim3A_1, %add3A_179 : vector<16xi32>
        %add3A_181 = arith.constant 56 : i32
        %add3A_182 = arith.addi %add3A_181, %scan3A_148 : i32
        %get3A = arith.index_cast %add3A_182 : i32 to index
        %get3A_183 = arith.constant 0 : index
        %get3A_184 = tpu.vector_load %arg9[%get3A, %get3A_183] {strides = array<i32>} : memref<112x256xi32, #tpu.memory_space<vmem>>, vector<16xi32>,
        %shift_left3A = arith.constant 16 : i32
        %shift_left3A_185 = vector.broadcast %shift_left3A : i32 to vector<16xi32>
        %shift_left3A_186 = arith.shli %get3A_184, %shift_left3A_185 : vector<16xi32>
        %bitcast3A = vector.bitcast %shift_left3A_186 : vector<16xi32> to vector<16xf32>
        %and3A_187 = arith.andi %get3A_184, %broadcast_in_dim3A_9 : vector<16xi32>
        %bitcast3A_188 = vector.bitcast %and3A_187 : vector<16xi32> to vector<16xf32>
        %mul3A_189 = arith.mulf %bitcast3A, %gather3A : vector<16xf32>
        %mul3A_190 = arith.mulf %bitcast3A_188, %gather3A : vector<16xf32>
        %add3A_191 = arith.constant 56 : i32
        %add3A_192 = arith.addi %add3A_191, %scan3A_148 : i32
        %get3A_193 = arith.index_cast %add3A_192 : i32 to index
        %get3A_194 = arith.constant 64 : index
        %get3A_195 = tpu.vector_load %arg9[%get3A_193, %get3A_194] {strides = array<i32>} : memref<112x256xi32, #tpu.memory_space<vmem>>, vector<16xi32>,
        %shift_left3A_196 = arith.constant 16 : i32
        %shift_left3A_197 = vector.broadcast %shift_left3A_196 : i32 to vector<16xi32>
        %shift_left3A_198 = arith.shli %get3A_195, %shift_left3A_197 : vector<16xi32>
        %bitcast3A_199 = vector.bitcast %shift_left3A_198 : vector<16xi32> to vector<16xf32>
        %and3A_200 = arith.andi %get3A_195, %broadcast_in_dim3A_9 : vector<16xi32>
        %bitcast3A_201 = vector.bitcast %and3A_200 : vector<16xi32> to vector<16xf32>
        %mul3A_202 = arith.mulf %bitcast3A_199, %gather3A_163 : vector<16xf32>
        %add3A_203 = arith.addf %mul3A_189, %mul3A_202 : vector<16xf32>
        %mul3A_204 = arith.mulf %bitcast3A_201, %gather3A_163 : vector<16xf32>
        %add3A_205 = arith.addf %mul3A_190, %mul3A_204 : vector<16xf32>
        %add3A_206 = arith.constant 56 : i32
        %add3A_207 = arith.addi %add3A_206, %scan3A_148 : i32
        %get3A_208 = arith.index_cast %add3A_207 : i32 to index
        %get3A_209 = arith.constant 128 : index
        %get3A_210 = tpu.vector_load %arg9[%get3A_208, %get3A_209] {strides = array<i32>} : memref<112x256xi32, #tpu.memory_space<vmem>>, vector<16xi32>,
        %shift_left3A_211 = arith.constant 16 : i32
        %shift_left3A_212 = vector.broadcast %shift_left3A_211 : i32 to vector<16xi32>
        %shift_left3A_213 = arith.shli %get3A_210, %shift_left3A_212 : vector<16xi32>
        %bitcast3A_214 = vector.bitcast %shift_left3A_213 : vector<16xi32> to vector<16xf32>
        %and3A_215 = arith.andi %get3A_210, %broadcast_in_dim3A_9 : vector<16xi32>
        %bitcast3A_216 = vector.bitcast %and3A_215 : vector<16xi32> to vector<16xf32>
        %mul3A_217 = arith.mulf %bitcast3A_214, %gather3A_170 : vector<16xf32>
        %add3A_218 = arith.addf %add3A_203, %mul3A_217 : vector<16xf32>
        %mul3A_219 = arith.mulf %bitcast3A_216, %gather3A_170 : vector<16xf32>
        %add3A_220 = arith.addf %add3A_205, %mul3A_219 : vector<16xf32>
        %add3A_221 = arith.constant 56 : i32
        %add3A_222 = arith.addi %add3A_221, %scan3A_148 : i32
        %get3A_223 = arith.index_cast %add3A_222 : i32 to index
        %get3A_224 = arith.constant 192 : index
        %get3A_225 = tpu.vector_load %arg9[%get3A_223, %get3A_224] {strides = array<i32>} : memref<112x256xi32, #tpu.memory_space<vmem>>, vector<16xi32>,
        %shift_left3A_226 = arith.constant 16 : i32
        %shift_left3A_227 = vector.broadcast %shift_left3A_226 : i32 to vector<16xi32>
        %shift_left3A_228 = arith.shli %get3A_225, %shift_left3A_227 : vector<16xi32>
        %bitcast3A_229 = vector.bitcast %shift_left3A_228 : vector<16xi32> to vector<16xf32>
        %and3A_230 = arith.andi %get3A_225, %broadcast_in_dim3A_9 : vector<16xi32>
        %bitcast3A_231 = vector.bitcast %and3A_230 : vector<16xi32> to vector<16xf32>
        %mul3A_232 = arith.mulf %bitcast3A_229, %gather3A_177 : vector<16xf32>
        %add3A_233 = arith.addf %add3A_218, %mul3A_232 : vector<16xf32>
        %mul3A_234 = arith.mulf %bitcast3A_231, %gather3A_177 : vector<16xf32>
        %add3A_235 = arith.addf %add3A_220, %mul3A_234 : vector<16xf32>
        %add3A_236 = arith.constant 0 : i32
        %add3A_237 = arith.addi %add3A_236, %scan3A_148 : i32
        %add3A_238 = vector.broadcast %add3A_237 : i32 to vector<16xi32>
        %add3A_239 = arith.addi %mul3A_7, %add3A_238 : vector<16xi32>
        tpu.vector_store_idx %arg11[%add3A_180, %add3A_239], %add3A_233 : memref<2x6272xf32, #tpu.memory_space<vmem>>[vector<16xi32>, vector<16xi32>], vector<16xf32>,
        %add3A_240 = arith.constant 49 : i32
        %add3A_241 = vector.broadcast %add3A_240 : i32 to vector<16xi32>
        %add3A_242 = arith.addi %add3A_239, %add3A_241 : vector<16xi32>
        tpu.vector_store_idx %arg11[%add3A_180, %add3A_242], %add3A_235 : memref<2x6272xf32, #tpu.memory_space<vmem>>[vector<16xi32>, vector<16xi32>], vector<16xf32>,
        %add3A_243 = arith.constant 56 : i32
        %add3A_244 = arith.addi %add3A_243, %scan3A_148 : i32
        %get3A_245 = arith.index_cast %add3A_244 : i32 to index
        %get3A_246 = arith.constant 16 : index
        %get3A_247 = tpu.vector_load %arg9[%get3A_245, %get3A_246] {strides = array<i32>} : memref<112x256xi32, #tpu.memory_space<vmem>>, vector<16xi32>,
        %shift_left3A_248 = arith.constant 16 : i32
        %shift_left3A_249 = vector.broadcast %shift_left3A_248 : i32 to vector<16xi32>
        %shift_left3A_250 = arith.shli %get3A_247, %shift_left3A_249 : vector<16xi32>
        %bitcast3A_251 = vector.bitcast %shift_left3A_250 : vector<16xi32> to vector<16xf32>
        %and3A_252 = arith.andi %get3A_247, %broadcast_in_dim3A_9 : vector<16xi32>
        %bitcast3A_253 = vector.bitcast %and3A_252 : vector<16xi32> to vector<16xf32>
        %mul3A_254 = arith.mulf %bitcast3A_251, %gather3A : vector<16xf32>
        %mul3A_255 = arith.mulf %bitcast3A_253, %gather3A : vector<16xf32>
        %add3A_256 = arith.constant 56 : i32
        %add3A_257 = arith.addi %add3A_256, %scan3A_148 : i32
        %get3A_258 = arith.index_cast %add3A_257 : i32 to index
        %get3A_259 = arith.constant 80 : index
        %get3A_260 = tpu.vector_load %arg9[%get3A_258, %get3A_259] {strides = array<i32>} : memref<112x256xi32, #tpu.memory_space<vmem>>, vector<16xi32>,
        %shift_left3A_261 = arith.constant 16 : i32
        %shift_left3A_262 = vector.broadcast %shift_left3A_261 : i32 to vector<16xi32>
        %shift_left3A_263 = arith.shli %get3A_260, %shift_left3A_262 : vector<16xi32>
        %bitcast3A_264 = vector.bitcast %shift_left3A_263 : vector<16xi32> to vector<16xf32>
        %and3A_265 = arith.andi %get3A_260, %broadcast_in_dim3A_9 : vector<16xi32>
        %bitcast3A_266 = vector.bitcast %and3A_265 : vector<16xi32> to vector<16xf32>
        %mul3A_267 = arith.mulf %bitcast3A_264, %gather3A_163 : vector<16xf32>
        %add3A_268 = arith.addf %mul3A_254, %mul3A_267 : vector<16xf32>
        %mul3A_269 = arith.mulf %bitcast3A_266, %gather3A_163 : vector<16xf32>
        %add3A_270 = arith.addf %mul3A_255, %mul3A_269 : vector<16xf32>
        %add3A_271 = arith.constant 56 : i32
        %add3A_272 = arith.addi %add3A_271, %scan3A_148 : i32
        %get3A_273 = arith.index_cast %add3A_272 : i32 to index
        %get3A_274 = arith.constant 144 : index
        %get3A_275 = tpu.vector_load %arg9[%get3A_273, %get3A_274] {strides = array<i32>} : memref<112x256xi32, #tpu.memory_space<vmem>>, vector<16xi32>,
        %shift_left3A_276 = arith.constant 16 : i32
        %shift_left3A_277 = vector.broadcast %shift_left3A_276 : i32 to vector<16xi32>
        %shift_left3A_278 = arith.shli %get3A_275, %shift_left3A_277 : vector<16xi32>
        %bitcast3A_279 = vector.bitcast %shift_left3A_278 : vector<16xi32> to vector<16xf32>
        %and3A_280 = arith.andi %get3A_275, %broadcast_in_dim3A_9 : vector<16xi32>
        %bitcast3A_281 = vector.bitcast %and3A_280 : vector<16xi32> to vector<16xf32>
        %mul3A_282 = arith.mulf %bitcast3A_279, %gather3A_170 : vector<16xf32>
        %add3A_283 = arith.addf %add3A_268, %mul3A_282 : vector<16xf32>
        %mul3A_284 = arith.mulf %bitcast3A_281, %gather3A_170 : vector<16xf32>
        %add3A_285 = arith.addf %add3A_270, %mul3A_284 : vector<16xf32>
        %add3A_286 = arith.constant 56 : i32
        %add3A_287 = arith.addi %add3A_286, %scan3A_148 : i32
        %get3A_288 = arith.index_cast %add3A_287 : i32 to index
        %get3A_289 = arith.constant 208 : index
        %get3A_290 = tpu.vector_load %arg9[%get3A_288, %get3A_289] {strides = array<i32>} : memref<112x256xi32, #tpu.memory_space<vmem>>, vector<16xi32>,
        %shift_left3A_291 = arith.constant 16 : i32
        %shift_left3A_292 = vector.broadcast %shift_left3A_291 : i32 to vector<16xi32>
        %shift_left3A_293 = arith.shli %get3A_290, %shift_left3A_292 : vector<16xi32>
        %bitcast3A_294 = vector.bitcast %shift_left3A_293 : vector<16xi32> to vector<16xf32>
        %and3A_295 = arith.andi %get3A_290, %broadcast_in_dim3A_9 : vector<16xi32>
        %bitcast3A_296 = vector.bitcast %and3A_295 : vector<16xi32> to vector<16xf32>
        %mul3A_297 = arith.mulf %bitcast3A_294, %gather3A_177 : vector<16xf32>
        %add3A_298 = arith.addf %add3A_283, %mul3A_297 : vector<16xf32>
        %mul3A_299 = arith.mulf %bitcast3A_296, %gather3A_177 : vector<16xf32>
        %add3A_300 = arith.addf %add3A_285, %mul3A_299 : vector<16xf32>
        %add3A_301 = arith.constant 1568 : i32
        %add3A_302 = arith.addi %add3A_301, %scan3A_148 : i32
        %add3A_303 = vector.broadcast %add3A_302 : i32 to vector<16xi32>
        %add3A_304 = arith.addi %mul3A_7, %add3A_303 : vector<16xi32>
        tpu.vector_store_idx %arg11[%add3A_180, %add3A_304], %add3A_298 : memref<2x6272xf32, #tpu.memory_space<vmem>>[vector<16xi32>, vector<16xi32>], vector<16xf32>,
        %add3A_305 = arith.constant 49 : i32
        %add3A_306 = vector.broadcast %add3A_305 : i32 to vector<16xi32>
        %add3A_307 = arith.addi %add3A_304, %add3A_306 : vector<16xi32>
        tpu.vector_store_idx %arg11[%add3A_180, %add3A_307], %add3A_300 : memref<2x6272xf32, #tpu.memory_space<vmem>>[vector<16xi32>, vector<16xi32>], vector<16xf32>,
        %add3A_308 = arith.constant 56 : i32
        %add3A_309 = arith.addi %add3A_308, %scan3A_148 : i32
        %get3A_310 = arith.index_cast %add3A_309 : i32 to index
        %get3A_311 = arith.constant 32 : index
        %get3A_312 = tpu.vector_load %arg9[%get3A_310, %get3A_311] {strides = array<i32>} : memref<112x256xi32, #tpu.memory_space<vmem>>, vector<16xi32>,
        %shift_left3A_313 = arith.constant 16 : i32
        %shift_left3A_314 = vector.broadcast %shift_left3A_313 : i32 to vector<16xi32>
        %shift_left3A_315 = arith.shli %get3A_312, %shift_left3A_314 : vector<16xi32>
        %bitcast3A_316 = vector.bitcast %shift_left3A_315 : vector<16xi32> to vector<16xf32>
        %and3A_317 = arith.andi %get3A_312, %broadcast_in_dim3A_9 : vector<16xi32>
        %bitcast3A_318 = vector.bitcast %and3A_317 : vector<16xi32> to vector<16xf32>
        %mul3A_319 = arith.mulf %bitcast3A_316, %gather3A : vector<16xf32>
        %mul3A_320 = arith.mulf %bitcast3A_318, %gather3A : vector<16xf32>
        %add3A_321 = arith.constant 56 : i32
        %add3A_322 = arith.addi %add3A_321, %scan3A_148 : i32
        %get3A_323 = arith.index_cast %add3A_322 : i32 to index
        %get3A_324 = arith.constant 96 : index
        %get3A_325 = tpu.vector_load %arg9[%get3A_323, %get3A_324] {strides = array<i32>} : memref<112x256xi32, #tpu.memory_space<vmem>>, vector<16xi32>,
        %shift_left3A_326 = arith.constant 16 : i32
        %shift_left3A_327 = vector.broadcast %shift_left3A_326 : i32 to vector<16xi32>
        %shift_left3A_328 = arith.shli %get3A_325, %shift_left3A_327 : vector<16xi32>
        %bitcast3A_329 = vector.bitcast %shift_left3A_328 : vector<16xi32> to vector<16xf32>
        %and3A_330 = arith.andi %get3A_325, %broadcast_in_dim3A_9 : vector<16xi32>
        %bitcast3A_331 = vector.bitcast %and3A_330 : vector<16xi32> to vector<16xf32>
        %mul3A_332 = arith.mulf %bitcast3A_329, %gather3A_163 : vector<16xf32>
        %add3A_333 = arith.addf %mul3A_319, %mul3A_332 : vector<16xf32>
        %mul3A_334 = arith.mulf %bitcast3A_331, %gather3A_163 : vector<16xf32>
        %add3A_335 = arith.addf %mul3A_320, %mul3A_334 : vector<16xf32>
        %add3A_336 = arith.constant 56 : i32
        %add3A_337 = arith.addi %add3A_336, %scan3A_148 : i32
        %get3A_338 = arith.index_cast %add3A_337 : i32 to index
        %get3A_339 = arith.constant 160 : index
        %get3A_340 = tpu.vector_load %arg9[%get3A_338, %get3A_339] {strides = array<i32>} : memref<112x256xi32, #tpu.memory_space<vmem>>, vector<16xi32>,
        %shift_left3A_341 = arith.constant 16 : i32
        %shift_left3A_342 = vector.broadcast %shift_left3A_341 : i32 to vector<16xi32>
        %shift_left3A_343 = arith.shli %get3A_340, %shift_left3A_342 : vector<16xi32>
        %bitcast3A_344 = vector.bitcast %shift_left3A_343 : vector<16xi32> to vector<16xf32>
        %and3A_345 = arith.andi %get3A_340, %broadcast_in_dim3A_9 : vector<16xi32>
        %bitcast3A_346 = vector.bitcast %and3A_345 : vector<16xi32> to vector<16xf32>
        %mul3A_347 = arith.mulf %bitcast3A_344, %gather3A_170 : vector<16xf32>
        %add3A_348 = arith.addf %add3A_333, %mul3A_347 : vector<16xf32>
        %mul3A_349 = arith.mulf %bitcast3A_346, %gather3A_170 : vector<16xf32>
        %add3A_350 = arith.addf %add3A_335, %mul3A_349 : vector<16xf32>
        %add3A_351 = arith.constant 56 : i32
        %add3A_352 = arith.addi %add3A_351, %scan3A_148 : i32
        %get3A_353 = arith.index_cast %add3A_352 : i32 to index
        %get3A_354 = arith.constant 224 : index
        %get3A_355 = tpu.vector_load %arg9[%get3A_353, %get3A_354] {strides = array<i32>} : memref<112x256xi32, #tpu.memory_space<vmem>>, vector<16xi32>,
        %shift_left3A_356 = arith.constant 16 : i32
        %shift_left3A_357 = vector.broadcast %shift_left3A_356 : i32 to vector<16xi32>
        %shift_left3A_358 = arith.shli %get3A_355, %shift_left3A_357 : vector<16xi32>
        %bitcast3A_359 = vector.bitcast %shift_left3A_358 : vector<16xi32> to vector<16xf32>
        %and3A_360 = arith.andi %get3A_355, %broadcast_in_dim3A_9 : vector<16xi32>
        %bitcast3A_361 = vector.bitcast %and3A_360 : vector<16xi32> to vector<16xf32>
        %mul3A_362 = arith.mulf %bitcast3A_359, %gather3A_177 : vector<16xf32>
        %add3A_363 = arith.addf %add3A_348, %mul3A_362 : vector<16xf32>
        %mul3A_364 = arith.mulf %bitcast3A_361, %gather3A_177 : vector<16xf32>
        %add3A_365 = arith.addf %add3A_350, %mul3A_364 : vector<16xf32>
        %add3A_366 = arith.constant 3136 : i32
        %add3A_367 = arith.addi %add3A_366, %scan3A_148 : i32
        %add3A_368 = vector.broadcast %add3A_367 : i32 to vector<16xi32>
        %add3A_369 = arith.addi %mul3A_7, %add3A_368 : vector<16xi32>
        tpu.vector_store_idx %arg11[%add3A_180, %add3A_369], %add3A_363 : memref<2x6272xf32, #tpu.memory_space<vmem>>[vector<16xi32>, vector<16xi32>], vector<16xf32>,
        %add3A_370 = arith.constant 49 : i32
        %add3A_371 = vector.broadcast %add3A_370 : i32 to vector<16xi32>
        %add3A_372 = arith.addi %add3A_369, %add3A_371 : vector<16xi32>
        tpu.vector_store_idx %arg11[%add3A_180, %add3A_372], %add3A_365 : memref<2x6272xf32, #tpu.memory_space<vmem>>[vector<16xi32>, vector<16xi32>], vector<16xf32>,
        %add3A_373 = arith.constant 56 : i32
        %add3A_374 = arith.addi %add3A_373, %scan3A_148 : i32
        %get3A_375 = arith.index_cast %add3A_374 : i32 to index
        %get3A_376 = arith.constant 48 : index
        %get3A_377 = tpu.vector_load %arg9[%get3A_375, %get3A_376] {strides = array<i32>} : memref<112x256xi32, #tpu.memory_space<vmem>>, vector<16xi32>,
        %shift_left3A_378 = arith.constant 16 : i32
        %shift_left3A_379 = vector.broadcast %shift_left3A_378 : i32 to vector<16xi32>
        %shift_left3A_380 = arith.shli %get3A_377, %shift_left3A_379 : vector<16xi32>
        %bitcast3A_381 = vector.bitcast %shift_left3A_380 : vector<16xi32> to vector<16xf32>
        %and3A_382 = arith.andi %get3A_377, %broadcast_in_dim3A_9 : vector<16xi32>
        %bitcast3A_383 = vector.bitcast %and3A_382 : vector<16xi32> to vector<16xf32>
        %mul3A_384 = arith.mulf %bitcast3A_381, %gather3A : vector<16xf32>
        %mul3A_385 = arith.mulf %bitcast3A_383, %gather3A : vector<16xf32>
        %add3A_386 = arith.constant 56 : i32
        %add3A_387 = arith.addi %add3A_386, %scan3A_148 : i32
        %get3A_388 = arith.index_cast %add3A_387 : i32 to index
        %get3A_389 = arith.constant 112 : index
        %get3A_390 = tpu.vector_load %arg9[%get3A_388, %get3A_389] {strides = array<i32>} : memref<112x256xi32, #tpu.memory_space<vmem>>, vector<16xi32>,
        %shift_left3A_391 = arith.constant 16 : i32
        %shift_left3A_392 = vector.broadcast %shift_left3A_391 : i32 to vector<16xi32>
        %shift_left3A_393 = arith.shli %get3A_390, %shift_left3A_392 : vector<16xi32>
        %bitcast3A_394 = vector.bitcast %shift_left3A_393 : vector<16xi32> to vector<16xf32>
        %and3A_395 = arith.andi %get3A_390, %broadcast_in_dim3A_9 : vector<16xi32>
        %bitcast3A_396 = vector.bitcast %and3A_395 : vector<16xi32> to vector<16xf32>
        %mul3A_397 = arith.mulf %bitcast3A_394, %gather3A_163 : vector<16xf32>
        %add3A_398 = arith.addf %mul3A_384, %mul3A_397 : vector<16xf32>
        %mul3A_399 = arith.mulf %bitcast3A_396, %gather3A_163 : vector<16xf32>
        %add3A_400 = arith.addf %mul3A_385, %mul3A_399 : vector<16xf32>
        %add3A_401 = arith.constant 56 : i32
        %add3A_402 = arith.addi %add3A_401, %scan3A_148 : i32
        %get3A_403 = arith.index_cast %add3A_402 : i32 to index
        %get3A_404 = arith.constant 176 : index
        %get3A_405 = tpu.vector_load %arg9[%get3A_403, %get3A_404] {strides = array<i32>} : memref<112x256xi32, #tpu.memory_space<vmem>>, vector<16xi32>,
        %shift_left3A_406 = arith.constant 16 : i32
        %shift_left3A_407 = vector.broadcast %shift_left3A_406 : i32 to vector<16xi32>
        %shift_left3A_408 = arith.shli %get3A_405, %shift_left3A_407 : vector<16xi32>
        %bitcast3A_409 = vector.bitcast %shift_left3A_408 : vector<16xi32> to vector<16xf32>
        %and3A_410 = arith.andi %get3A_405, %broadcast_in_dim3A_9 : vector<16xi32>
        %bitcast3A_411 = vector.bitcast %and3A_410 : vector<16xi32> to vector<16xf32>
        %mul3A_412 = arith.mulf %bitcast3A_409, %gather3A_170 : vector<16xf32>
        %add3A_413 = arith.addf %add3A_398, %mul3A_412 : vector<16xf32>
        %mul3A_414 = arith.mulf %bitcast3A_411, %gather3A_170 : vector<16xf32>
        %add3A_415 = arith.addf %add3A_400, %mul3A_414 : vector<16xf32>
        %add3A_416 = arith.constant 56 : i32
        %add3A_417 = arith.addi %add3A_416, %scan3A_148 : i32
        %get3A_418 = arith.index_cast %add3A_417 : i32 to index
        %get3A_419 = arith.constant 240 : index
        %get3A_420 = tpu.vector_load %arg9[%get3A_418, %get3A_419] {strides = array<i32>} : memref<112x256xi32, #tpu.memory_space<vmem>>, vector<16xi32>,
        %shift_left3A_421 = arith.constant 16 : i32
        %shift_left3A_422 = vector.broadcast %shift_left3A_421 : i32 to vector<16xi32>
        %shift_left3A_423 = arith.shli %get3A_420, %shift_left3A_422 : vector<16xi32>
        %bitcast3A_424 = vector.bitcast %shift_left3A_423 : vector<16xi32> to vector<16xf32>
        %and3A_425 = arith.andi %get3A_420, %broadcast_in_dim3A_9 : vector<16xi32>
        %bitcast3A_426 = vector.bitcast %and3A_425 : vector<16xi32> to vector<16xf32>
        %mul3A_427 = arith.mulf %bitcast3A_424, %gather3A_177 : vector<16xf32>
        %add3A_428 = arith.addf %add3A_413, %mul3A_427 : vector<16xf32>
        %mul3A_429 = arith.mulf %bitcast3A_426, %gather3A_177 : vector<16xf32>
        %add3A_430 = arith.addf %add3A_415, %mul3A_429 : vector<16xf32>
        %add3A_431 = arith.constant 4704 : i32
        %add3A_432 = arith.addi %add3A_431, %scan3A_148 : i32
        %add3A_433 = vector.broadcast %add3A_432 : i32 to vector<16xi32>
        %add3A_434 = arith.addi %mul3A_7, %add3A_433 : vector<16xi32>
        tpu.vector_store_idx %arg11[%add3A_180, %add3A_434], %add3A_428 : memref<2x6272xf32, #tpu.memory_space<vmem>>[vector<16xi32>, vector<16xi32>], vector<16xf32>,
        %add3A_435 = arith.constant 49 : i32
        %add3A_436 = vector.broadcast %add3A_435 : i32 to vector<16xi32>
        %add3A_437 = arith.addi %add3A_434, %add3A_436 : vector<16xi32>
        tpu.vector_store_idx %arg11[%add3A_180, %add3A_437], %add3A_430 : memref<2x6272xf32, #tpu.memory_space<vmem>>[vector<16xi32>, vector<16xi32>], vector<16xf32>,
      }
      %scan3A_142 = arith.constant 49 : i32
      %lt3A_143 = arith.constant 2000 : i32
      %lt3A_144 = arith.cmpi slt, %add3A_112, %lt3A_143 : i32
      %convert_element_type3A_145 = arith.extui %lt3A_144 : i1 to i32
      %cond3A_146 = arith.constant 0 : i32
      %cond3A_147 = arith.cmpi ne, %convert_element_type3A_145, %cond3A_146 : i32
      scf.if %cond3A_147 {
        %dma_start3A_148 = arith.constant 0 : i32
        %dma_start3A_149 = tpu.memref_slice %arg5[%add3A_112, %dma_start3A_148] : memref<2000x6272xf32, #tpu.memory_space<hbm>> -> memref<2x6272xf32, #tpu.memory_space<hbm>>
        %dma_start3A_150 = arith.constant 0 : i32
        %dma_start3A_151 = tpu.memref_slice %arg5[%add3A_112, %dma_start3A_150] : memref<2000x6272xf32, #tpu.memory_space<hbm>> -> memref<2x6272xf32, #tpu.memory_space<hbm>>
        tpu.enqueue_dma source(%arg11 : memref<2x6272xf32, #tpu.memory_space<vmem>>) target(%dma_start3A_151 : memref<2x6272xf32, #tpu.memory_space<hbm>>) target_semaphore(%arg15 : memref<!tpu.dma_semaphore, #tpu.memory_space<semaphore_mem>>)
      } else {
      }
    }
    %scan3A_24 = arith.constant 16 : i32
    %mul3A_25 = arith.constant 64 : i32
    %mul3A_26 = arith.muli %add3A, %mul3A_25 : i32
    %add3A_27 = arith.constant 60 : i32
    %add3A_28 = arith.addi %mul3A_26, %add3A_27 : i32
    %lt3A = arith.constant 2000 : i32
    %lt3A_29 = arith.cmpi slt, %add3A_28, %lt3A : i32
    %convert_element_type3A = arith.extui %lt3A_29 : i1 to i32
    %cond3A = arith.constant 0 : i32
    %cond3A_30 = arith.cmpi ne, %convert_element_type3A, %cond3A : i32
    scf.if %cond3A_30 {
      %dma_wait3A = arith.constant 0 : i32
      %dma_wait3A_40 = tpu.memref_slice %arg5[%add3A_28, %dma_wait3A] : memref<2000x6272xf32, #tpu.memory_space<hbm>> -> memref<2x6272xf32, #tpu.memory_space<hbm>>
      %dma_wait3A_41 = arith.constant 0 : i32
      %dma_wait3A_42 = tpu.memref_slice %arg5[%add3A_28, %dma_wait3A_41] : memref<2000x6272xf32, #tpu.memory_space<hbm>> -> memref<2x6272xf32, #tpu.memory_space<hbm>>
      tpu.wait_dma2 semaphore(%arg14 : memref<!tpu.dma_semaphore, #tpu.memory_space<semaphore_mem>>) src(%arg10 : memref<2x6272xf32, #tpu.memory_space<vmem>>) dst(%dma_wait3A_42 : memref<2x6272xf32, #tpu.memory_space<hbm>>)
    } else {
    }
    %mul3A_31 = arith.constant 64 : i32
    %mul3A_32 = arith.muli %add3A, %mul3A_31 : i32
    %add3A_33 = arith.constant 62 : i32
    %add3A_34 = arith.addi %mul3A_32, %add3A_33 : i32
    %lt3A_35 = arith.constant 2000 : i32
    %lt3A_36 = arith.cmpi slt, %add3A_34, %lt3A_35 : i32
    %convert_element_type3A_37 = arith.extui %lt3A_36 : i1 to i32
    %cond3A_38 = arith.constant 0 : i32
    %cond3A_39 = arith.cmpi ne, %convert_element_type3A_37, %cond3A_38 : i32
    scf.if %cond3A_39 {
      %dma_wait3A = arith.constant 0 : i32
      %dma_wait3A_40 = tpu.memref_slice %arg5[%add3A_34, %dma_wait3A] : memref<2000x6272xf32, #tpu.memory_space<hbm>> -> memref<2x6272xf32, #tpu.memory_space<hbm>>
      %dma_wait3A_41 = arith.constant 0 : i32
      %dma_wait3A_42 = tpu.memref_slice %arg5[%add3A_34, %dma_wait3A_41] : memref<2000x6272xf32, #tpu.memory_space<hbm>> -> memref<2x6272xf32, #tpu.memory_space<hbm>>
      tpu.wait_dma2 semaphore(%arg15 : memref<!tpu.dma_semaphore, #tpu.memory_space<semaphore_mem>>) src(%arg11 : memref<2x6272xf32, #tpu.memory_space<vmem>>) dst(%dma_wait3A_42 : memref<2x6272xf32, #tpu.memory_space<hbm>>)
    } else {
    }
    return
  }
}

module attributes {stable_mosaic.version = 14 : i64} {
  func.func @_prep_body(%arg0: i32, %arg1: memref<2x200x4xf32, #tpu.memory_space<vmem>>, %arg2: memref<2x200x56xi32, #tpu.memory_space<vmem>>, %arg3: memref<2x200x208xf32, #tpu.memory_space<vmem>>) attributes {dimension_semantics = [#tpu.dimension_semantics<arbitrary>], iteration_bounds = array<i64: 5>, scalar_prefetch = 0 : i64, scratch_operands = 0 : i64, tpu.core_type = #tpu.core_type<tc>, window_params = [{transform_indices = @transform_0, window_bounds = array<i64: 2, 200, 4>}, {transform_indices = @transform_1, window_bounds = array<i64: 2, 200, 56>}, {transform_indices = @transform_2, window_bounds = array<i64: 2, 200, 208>}]} {
    %get3A = arith.constant 0 : index
    %get3A_0 = arith.constant 0 : index
    %get3A_1 = arith.constant 0 : index
    %get3A_2 = vector.load %arg1[%get3A, %get3A_0, %get3A_1] : memref<2x200x4xf32, #tpu.memory_space<vmem>>, vector<2x200x4xf32>
    %slice3A = vector.extract_strided_slice %get3A_2 {offsets = [0, 0, 0], sizes = [2, 200, 1], strides = [1, 1, 1]} : vector<2x200x4xf32> to vector<2x200x1xf32>
    %slice3A_3 = vector.extract_strided_slice %get3A_2 {offsets = [0, 0, 1], sizes = [2, 200, 1], strides = [1, 1, 1]} : vector<2x200x4xf32> to vector<2x200x1xf32>
    %slice3A_4 = vector.extract_strided_slice %get3A_2 {offsets = [0, 0, 2], sizes = [2, 200, 1], strides = [1, 1, 1]} : vector<2x200x4xf32> to vector<2x200x1xf32>
    %slice3A_5 = vector.extract_strided_slice %get3A_2 {offsets = [0, 0, 3], sizes = [2, 200, 1], strides = [1, 1, 1]} : vector<2x200x4xf32> to vector<2x200x1xf32>
    %mul3A = arith.constant 5.000000e-01 : f32
    %mul3A_6 = vector.broadcast %mul3A : f32 to vector<2x200x1xf32>
    %mul3A_7 = arith.mulf %slice3A_4, %mul3A_6 : vector<2x200x1xf32>
    %sub3A = arith.subf %slice3A, %mul3A_7 : vector<2x200x1xf32>
    %mul3A_8 = arith.constant 6.400000e+01 : f32
    %mul3A_9 = vector.broadcast %mul3A_8 : f32 to vector<2x200x1xf32>
    %mul3A_10 = arith.mulf %sub3A, %mul3A_9 : vector<2x200x1xf32>
    %mul3A_11 = arith.constant 5.000000e-01 : f32
    %mul3A_12 = vector.broadcast %mul3A_11 : f32 to vector<2x200x1xf32>
    %mul3A_13 = arith.mulf %slice3A_5, %mul3A_12 : vector<2x200x1xf32>
    %sub3A_14 = arith.subf %slice3A_3, %mul3A_13 : vector<2x200x1xf32>
    %mul3A_15 = arith.constant 6.400000e+01 : f32
    %mul3A_16 = vector.broadcast %mul3A_15 : f32 to vector<2x200x1xf32>
    %mul3A_17 = arith.mulf %sub3A_14, %mul3A_16 : vector<2x200x1xf32>
    %mul3A_18 = arith.constant 5.000000e-01 : f32
    %mul3A_19 = vector.broadcast %mul3A_18 : f32 to vector<2x200x1xf32>
    %mul3A_20 = arith.mulf %slice3A_4, %mul3A_19 : vector<2x200x1xf32>
    %add3A = arith.addf %slice3A, %mul3A_20 : vector<2x200x1xf32>
    %mul3A_21 = arith.constant 6.400000e+01 : f32
    %mul3A_22 = vector.broadcast %mul3A_21 : f32 to vector<2x200x1xf32>
    %mul3A_23 = arith.mulf %add3A, %mul3A_22 : vector<2x200x1xf32>
    %mul3A_24 = arith.constant 5.000000e-01 : f32
    %mul3A_25 = vector.broadcast %mul3A_24 : f32 to vector<2x200x1xf32>
    %mul3A_26 = arith.mulf %slice3A_5, %mul3A_25 : vector<2x200x1xf32>
    %add3A_27 = arith.addf %slice3A_3, %mul3A_26 : vector<2x200x1xf32>
    %mul3A_28 = arith.constant 6.400000e+01 : f32
    %mul3A_29 = vector.broadcast %mul3A_28 : f32 to vector<2x200x1xf32>
    %mul3A_30 = arith.mulf %add3A_27, %mul3A_29 : vector<2x200x1xf32>
    %sub3A_31 = arith.subf %mul3A_23, %mul3A_10 : vector<2x200x1xf32>
    %div3A = arith.constant 7.000000e+00 : f32
    %div3A_32 = vector.broadcast %div3A : f32 to vector<2x200x1xf32>
    %div3A_33 = arith.divf %sub3A_31, %div3A_32 : vector<2x200x1xf32>
    %sub3A_34 = arith.subf %mul3A_30, %mul3A_17 : vector<2x200x1xf32>
    %div3A_35 = arith.constant 7.000000e+00 : f32
    %div3A_36 = vector.broadcast %div3A_35 : f32 to vector<2x200x1xf32>
    %div3A_37 = arith.divf %sub3A_34, %div3A_36 : vector<2x200x1xf32>
    %iota3A = tpu.iota {dimensions = array<i32: 2>} : vector<2x200x56xi32>
    %iota3A_38 = tpu.iota {dimensions = array<i32: 0>} : vector<2x200x56xi32>
    %min3A = arith.constant 48 : i32
    %min3A_39 = vector.broadcast %min3A : i32 to vector<2x200x56xi32>
    %min3A_40 = arith.minsi %iota3A, %min3A_39 : vector<2x200x56xi32>
    %convert_element_type3A = arith.sitofp %min3A_40 : vector<2x200x56xi32> to vector<2x200x56xf32>
    %div3A_41 = arith.constant 7.000000e+00 : f32
    %div3A_42 = vector.broadcast %div3A_41 : f32 to vector<2x200x56xf32>
    %div3A_43 = arith.divf %convert_element_type3A, %div3A_42 : vector<2x200x56xf32>
    %floor3A = math.floor %div3A_43 : vector<2x200x56xf32>
    %mul3A_44 = arith.constant 7.000000e+00 : f32
    %mul3A_45 = vector.broadcast %mul3A_44 : f32 to vector<2x200x56xf32>
    %mul3A_46 = arith.mulf %floor3A, %mul3A_45 : vector<2x200x56xf32>
    %sub3A_47 = arith.subf %convert_element_type3A, %mul3A_46 : vector<2x200x56xf32>
    %add3A_48 = arith.constant 5.000000e-01 : f32
    %add3A_49 = vector.broadcast %add3A_48 : f32 to vector<2x200x56xf32>
    %add3A_50 = arith.addf %sub3A_47, %add3A_49 : vector<2x200x56xf32>
    %mul3A_51 = vector.broadcast %div3A_33 : vector<2x200x1xf32> to vector<2x200x56xf32>
    %mul3A_52 = arith.mulf %add3A_50, %mul3A_51 : vector<2x200x56xf32>
    %add3A_53 = vector.broadcast %mul3A_10 : vector<2x200x1xf32> to vector<2x200x56xf32>
    %add3A_54 = arith.addf %add3A_53, %mul3A_52 : vector<2x200x56xf32>
    %add3A_55 = arith.constant 5.000000e-01 : f32
    %add3A_56 = vector.broadcast %add3A_55 : f32 to vector<2x200x56xf32>
    %add3A_57 = arith.addf %floor3A, %add3A_56 : vector<2x200x56xf32>
    %mul3A_58 = vector.broadcast %div3A_37 : vector<2x200x1xf32> to vector<2x200x56xf32>
    %mul3A_59 = arith.mulf %add3A_57, %mul3A_58 : vector<2x200x56xf32>
    %add3A_60 = vector.broadcast %mul3A_17 : vector<2x200x1xf32> to vector<2x200x56xf32>
    %add3A_61 = arith.addf %add3A_60, %mul3A_59 : vector<2x200x56xf32>
    %div3A_62 = arith.constant 6.400000e+01 : f32
    %div3A_63 = vector.broadcast %div3A_62 : f32 to vector<2x200x56xf32>
    %div3A_64 = arith.divf %add3A_54, %div3A_63 : vector<2x200x56xf32>
    %mul3A_65 = arith.constant 2.000000e+00 : f32
    %mul3A_66 = vector.broadcast %mul3A_65 : f32 to vector<2x200x56xf32>
    %mul3A_67 = arith.mulf %div3A_64, %mul3A_66 : vector<2x200x56xf32>
    %sub3A_68 = arith.constant 1.000000e+00 : f32
    %sub3A_69 = vector.broadcast %sub3A_68 : f32 to vector<2x200x56xf32>
    %sub3A_70 = arith.subf %mul3A_67, %sub3A_69 : vector<2x200x56xf32>
    %jit3A = arith.constant -1.000000e+00 : f32
    %jit3A_71 = arith.constant 1.000000e+00 : f32
    %max3A = vector.broadcast %jit3A : f32 to vector<2x200x56xf32>
    %max3A_72 = arith.maximumf %max3A, %sub3A_70 : vector<2x200x56xf32>
    %min3A_73 = vector.broadcast %jit3A_71 : f32 to vector<2x200x56xf32>
    %min3A_74 = arith.minimumf %min3A_73, %max3A_72 : vector<2x200x56xf32>
    %div3A_75 = arith.constant 6.400000e+01 : f32
    %div3A_76 = vector.broadcast %div3A_75 : f32 to vector<2x200x56xf32>
    %div3A_77 = arith.divf %add3A_61, %div3A_76 : vector<2x200x56xf32>
    %mul3A_78 = arith.constant 2.000000e+00 : f32
    %mul3A_79 = vector.broadcast %mul3A_78 : f32 to vector<2x200x56xf32>
    %mul3A_80 = arith.mulf %div3A_77, %mul3A_79 : vector<2x200x56xf32>
    %sub3A_81 = arith.constant 1.000000e+00 : f32
    %sub3A_82 = vector.broadcast %sub3A_81 : f32 to vector<2x200x56xf32>
    %sub3A_83 = arith.subf %mul3A_80, %sub3A_82 : vector<2x200x56xf32>
    %jit3A_84 = arith.constant -1.000000e+00 : f32
    %jit3A_85 = arith.constant 1.000000e+00 : f32
    %max3A_86 = vector.broadcast %jit3A_84 : f32 to vector<2x200x56xf32>
    %max3A_87 = arith.maximumf %max3A_86, %sub3A_83 : vector<2x200x56xf32>
    %min3A_88 = vector.broadcast %jit3A_85 : f32 to vector<2x200x56xf32>
    %min3A_89 = arith.minimumf %min3A_88, %max3A_87 : vector<2x200x56xf32>
    %add3A_90 = arith.constant 1.000000e+00 : f32
    %add3A_91 = vector.broadcast %add3A_90 : f32 to vector<2x200x56xf32>
    %add3A_92 = arith.addf %min3A_74, %add3A_91 : vector<2x200x56xf32>
    %mul3A_93 = arith.constant 6.400000e+01 : f32
    %mul3A_94 = vector.broadcast %mul3A_93 : f32 to vector<2x200x56xf32>
    %mul3A_95 = arith.mulf %add3A_92, %mul3A_94 : vector<2x200x56xf32>
    %sub3A_96 = arith.constant 1.000000e+00 : f32
    %sub3A_97 = vector.broadcast %sub3A_96 : f32 to vector<2x200x56xf32>
    %sub3A_98 = arith.subf %mul3A_95, %sub3A_97 : vector<2x200x56xf32>
    %mul3A_99 = arith.constant 5.000000e-01 : f32
    %mul3A_100 = vector.broadcast %mul3A_99 : f32 to vector<2x200x56xf32>
    %mul3A_101 = arith.mulf %sub3A_98, %mul3A_100 : vector<2x200x56xf32>
    %add3A_102 = arith.constant 1.000000e+00 : f32
    %add3A_103 = vector.broadcast %add3A_102 : f32 to vector<2x200x56xf32>
    %add3A_104 = arith.addf %min3A_89, %add3A_103 : vector<2x200x56xf32>
    %mul3A_105 = arith.constant 6.400000e+01 : f32
    %mul3A_106 = vector.broadcast %mul3A_105 : f32 to vector<2x200x56xf32>
    %mul3A_107 = arith.mulf %add3A_104, %mul3A_106 : vector<2x200x56xf32>
    %sub3A_108 = arith.constant 1.000000e+00 : f32
    %sub3A_109 = vector.broadcast %sub3A_108 : f32 to vector<2x200x56xf32>
    %sub3A_110 = arith.subf %mul3A_107, %sub3A_109 : vector<2x200x56xf32>
    %mul3A_111 = arith.constant 5.000000e-01 : f32
    %mul3A_112 = vector.broadcast %mul3A_111 : f32 to vector<2x200x56xf32>
    %mul3A_113 = arith.mulf %sub3A_110, %mul3A_112 : vector<2x200x56xf32>
    %floor3A_114 = math.floor %mul3A_101 : vector<2x200x56xf32>
    %floor3A_115 = math.floor %mul3A_113 : vector<2x200x56xf32>
    %mul3A_116 = arith.constant 4225 : i32
    %mul3A_117 = vector.broadcast %mul3A_116 : i32 to vector<2x200x56xi32>
    %mul3A_118 = arith.muli %iota3A_38, %mul3A_117 : vector<2x200x56xi32>
    %convert_element_type3A_119 = arith.fptosi %floor3A_115 : vector<2x200x56xf32> to vector<2x200x56xi32>
    %add3A_120 = arith.constant 1 : i32
    %add3A_121 = vector.broadcast %add3A_120 : i32 to vector<2x200x56xi32>
    %add3A_122 = arith.addi %convert_element_type3A_119, %add3A_121 : vector<2x200x56xi32>
    %mul3A_123 = arith.constant 65 : i32
    %mul3A_124 = vector.broadcast %mul3A_123 : i32 to vector<2x200x56xi32>
    %mul3A_125 = arith.muli %add3A_122, %mul3A_124 : vector<2x200x56xi32>
    %add3A_126 = arith.addi %mul3A_118, %mul3A_125 : vector<2x200x56xi32>
    %convert_element_type3A_127 = arith.fptosi %floor3A_114 : vector<2x200x56xf32> to vector<2x200x56xi32>
    %add3A_128 = arith.constant 1 : i32
    %add3A_129 = vector.broadcast %add3A_128 : i32 to vector<2x200x56xi32>
    %add3A_130 = arith.addi %convert_element_type3A_127, %add3A_129 : vector<2x200x56xi32>
    %add3A_131 = arith.addi %add3A_126, %add3A_130 : vector<2x200x56xi32>
    %swap3A = arith.constant 0 : index
    %swap3A_132 = arith.constant 0 : index
    %swap3A_133 = arith.constant 0 : index
    %swap3A_134 = vector.load %arg2[%swap3A, %swap3A_132, %swap3A_133] : memref<2x200x56xi32, #tpu.memory_space<vmem>>, vector<2x200x56xi32>
    tpu.vector_store %arg2[%swap3A, %swap3A_132, %swap3A_133], %add3A_131 {strides = array<i32>} : memref<2x200x56xi32, #tpu.memory_space<vmem>>, vector<2x200x56xi32>,
    %iota3A_135 = tpu.iota {dimensions = array<i32: 2>} : vector<2x200x208xi32>
    %shift_right_logical3A = arith.constant 2 : i32
    %shift_right_logical3A_136 = vector.broadcast %shift_right_logical3A : i32 to vector<2x200x208xi32>
    %shift_right_logical3A_137 = arith.shrui %iota3A_135, %shift_right_logical3A_136 : vector<2x200x208xi32>
    %and3A = arith.constant 3 : i32
    %and3A_138 = vector.broadcast %and3A : i32 to vector<2x200x208xi32>
    %and3A_139 = arith.andi %iota3A_135, %and3A_138 : vector<2x200x208xi32>
    %convert_element_type3A_140 = arith.sitofp %shift_right_logical3A_137 : vector<2x200x208xi32> to vector<2x200x208xf32>
    %div3A_141 = arith.constant 7.000000e+00 : f32
    %div3A_142 = vector.broadcast %div3A_141 : f32 to vector<2x200x208xf32>
    %div3A_143 = arith.divf %convert_element_type3A_140, %div3A_142 : vector<2x200x208xf32>
    %floor3A_144 = math.floor %div3A_143 : vector<2x200x208xf32>
    %mul3A_145 = arith.constant 7.000000e+00 : f32
    %mul3A_146 = vector.broadcast %mul3A_145 : f32 to vector<2x200x208xf32>
    %mul3A_147 = arith.mulf %floor3A_144, %mul3A_146 : vector<2x200x208xf32>
    %sub3A_148 = arith.subf %convert_element_type3A_140, %mul3A_147 : vector<2x200x208xf32>
    %add3A_149 = arith.constant 5.000000e-01 : f32
    %add3A_150 = vector.broadcast %add3A_149 : f32 to vector<2x200x208xf32>
    %add3A_151 = arith.addf %sub3A_148, %add3A_150 : vector<2x200x208xf32>
    %mul3A_152 = vector.broadcast %div3A_33 : vector<2x200x1xf32> to vector<2x200x208xf32>
    %mul3A_153 = arith.mulf %add3A_151, %mul3A_152 : vector<2x200x208xf32>
    %add3A_154 = vector.broadcast %mul3A_10 : vector<2x200x1xf32> to vector<2x200x208xf32>
    %add3A_155 = arith.addf %add3A_154, %mul3A_153 : vector<2x200x208xf32>
    %add3A_156 = arith.constant 5.000000e-01 : f32
    %add3A_157 = vector.broadcast %add3A_156 : f32 to vector<2x200x208xf32>
    %add3A_158 = arith.addf %floor3A_144, %add3A_157 : vector<2x200x208xf32>
    %mul3A_159 = vector.broadcast %div3A_37 : vector<2x200x1xf32> to vector<2x200x208xf32>
    %mul3A_160 = arith.mulf %add3A_158, %mul3A_159 : vector<2x200x208xf32>
    %add3A_161 = vector.broadcast %mul3A_17 : vector<2x200x1xf32> to vector<2x200x208xf32>
    %add3A_162 = arith.addf %add3A_161, %mul3A_160 : vector<2x200x208xf32>
    %div3A_163 = arith.constant 6.400000e+01 : f32
    %div3A_164 = vector.broadcast %div3A_163 : f32 to vector<2x200x208xf32>
    %div3A_165 = arith.divf %add3A_155, %div3A_164 : vector<2x200x208xf32>
    %mul3A_166 = arith.constant 2.000000e+00 : f32
    %mul3A_167 = vector.broadcast %mul3A_166 : f32 to vector<2x200x208xf32>
    %mul3A_168 = arith.mulf %div3A_165, %mul3A_167 : vector<2x200x208xf32>
    %sub3A_169 = arith.constant 1.000000e+00 : f32
    %sub3A_170 = vector.broadcast %sub3A_169 : f32 to vector<2x200x208xf32>
    %sub3A_171 = arith.subf %mul3A_168, %sub3A_170 : vector<2x200x208xf32>
    %jit3A_172 = arith.constant -1.000000e+00 : f32
    %jit3A_173 = arith.constant 1.000000e+00 : f32
    %max3A_174 = vector.broadcast %jit3A_172 : f32 to vector<2x200x208xf32>
    %max3A_175 = arith.maximumf %max3A_174, %sub3A_171 : vector<2x200x208xf32>
    %min3A_176 = vector.broadcast %jit3A_173 : f32 to vector<2x200x208xf32>
    %min3A_177 = arith.minimumf %min3A_176, %max3A_175 : vector<2x200x208xf32>
    %div3A_178 = arith.constant 6.400000e+01 : f32
    %div3A_179 = vector.broadcast %div3A_178 : f32 to vector<2x200x208xf32>
    %div3A_180 = arith.divf %add3A_162, %div3A_179 : vector<2x200x208xf32>
    %mul3A_181 = arith.constant 2.000000e+00 : f32
    %mul3A_182 = vector.broadcast %mul3A_181 : f32 to vector<2x200x208xf32>
    %mul3A_183 = arith.mulf %div3A_180, %mul3A_182 : vector<2x200x208xf32>
    %sub3A_184 = arith.constant 1.000000e+00 : f32
    %sub3A_185 = vector.broadcast %sub3A_184 : f32 to vector<2x200x208xf32>
    %sub3A_186 = arith.subf %mul3A_183, %sub3A_185 : vector<2x200x208xf32>
    %jit3A_187 = arith.constant -1.000000e+00 : f32
    %jit3A_188 = arith.constant 1.000000e+00 : f32
    %max3A_189 = vector.broadcast %jit3A_187 : f32 to vector<2x200x208xf32>
    %max3A_190 = arith.maximumf %max3A_189, %sub3A_186 : vector<2x200x208xf32>
    %min3A_191 = vector.broadcast %jit3A_188 : f32 to vector<2x200x208xf32>
    %min3A_192 = arith.minimumf %min3A_191, %max3A_190 : vector<2x200x208xf32>
    %add3A_193 = arith.constant 1.000000e+00 : f32
    %add3A_194 = vector.broadcast %add3A_193 : f32 to vector<2x200x208xf32>
    %add3A_195 = arith.addf %min3A_177, %add3A_194 : vector<2x200x208xf32>
    %mul3A_196 = arith.constant 6.400000e+01 : f32
    %mul3A_197 = vector.broadcast %mul3A_196 : f32 to vector<2x200x208xf32>
    %mul3A_198 = arith.mulf %add3A_195, %mul3A_197 : vector<2x200x208xf32>
    %sub3A_199 = arith.constant 1.000000e+00 : f32
    %sub3A_200 = vector.broadcast %sub3A_199 : f32 to vector<2x200x208xf32>
    %sub3A_201 = arith.subf %mul3A_198, %sub3A_200 : vector<2x200x208xf32>
    %mul3A_202 = arith.constant 5.000000e-01 : f32
    %mul3A_203 = vector.broadcast %mul3A_202 : f32 to vector<2x200x208xf32>
    %mul3A_204 = arith.mulf %sub3A_201, %mul3A_203 : vector<2x200x208xf32>
    %add3A_205 = arith.constant 1.000000e+00 : f32
    %add3A_206 = vector.broadcast %add3A_205 : f32 to vector<2x200x208xf32>
    %add3A_207 = arith.addf %min3A_192, %add3A_206 : vector<2x200x208xf32>
    %mul3A_208 = arith.constant 6.400000e+01 : f32
    %mul3A_209 = vector.broadcast %mul3A_208 : f32 to vector<2x200x208xf32>
    %mul3A_210 = arith.mulf %add3A_207, %mul3A_209 : vector<2x200x208xf32>
    %sub3A_211 = arith.constant 1.000000e+00 : f32
    %sub3A_212 = vector.broadcast %sub3A_211 : f32 to vector<2x200x208xf32>
    %sub3A_213 = arith.subf %mul3A_210, %sub3A_212 : vector<2x200x208xf32>
    %mul3A_214 = arith.constant 5.000000e-01 : f32
    %mul3A_215 = vector.broadcast %mul3A_214 : f32 to vector<2x200x208xf32>
    %mul3A_216 = arith.mulf %sub3A_213, %mul3A_215 : vector<2x200x208xf32>
    %floor3A_217 = math.floor %mul3A_204 : vector<2x200x208xf32>
    %floor3A_218 = math.floor %mul3A_216 : vector<2x200x208xf32>
    %and3A_219 = arith.constant 1 : i32
    %and3A_220 = vector.broadcast %and3A_219 : i32 to vector<2x200x208xi32>
    %and3A_221 = arith.andi %and3A_139, %and3A_220 : vector<2x200x208xi32>
    %convert_element_type3A_222 = arith.sitofp %and3A_221 : vector<2x200x208xi32> to vector<2x200x208xf32>
    %shift_right_logical3A_223 = arith.constant 1 : i32
    %shift_right_logical3A_224 = vector.broadcast %shift_right_logical3A_223 : i32 to vector<2x200x208xi32>
    %shift_right_logical3A_225 = arith.shrui %and3A_139, %shift_right_logical3A_224 : vector<2x200x208xi32>
    %convert_element_type3A_226 = arith.sitofp %shift_right_logical3A_225 : vector<2x200x208xi32> to vector<2x200x208xf32>
    %add3A_227 = arith.addf %floor3A_217, %convert_element_type3A_222 : vector<2x200x208xf32>
    %add3A_228 = arith.addf %floor3A_218, %convert_element_type3A_226 : vector<2x200x208xf32>
    %sub3A_229 = arith.subf %mul3A_204, %floor3A_217 : vector<2x200x208xf32>
    %sub3A_230 = arith.subf %mul3A_216, %floor3A_218 : vector<2x200x208xf32>
    %mul3A_231 = arith.mulf %convert_element_type3A_222, %sub3A_229 : vector<2x200x208xf32>
    %sub3A_232 = arith.constant 1.000000e+00 : f32
    %sub3A_233 = vector.broadcast %sub3A_232 : f32 to vector<2x200x208xf32>
    %sub3A_234 = arith.subf %sub3A_233, %convert_element_type3A_222 : vector<2x200x208xf32>
    %sub3A_235 = arith.constant 1.000000e+00 : f32
    %sub3A_236 = vector.broadcast %sub3A_235 : f32 to vector<2x200x208xf32>
    %sub3A_237 = arith.subf %sub3A_236, %sub3A_229 : vector<2x200x208xf32>
    %mul3A_238 = arith.mulf %sub3A_234, %sub3A_237 : vector<2x200x208xf32>
    %add3A_239 = arith.addf %mul3A_231, %mul3A_238 : vector<2x200x208xf32>
    %mul3A_240 = arith.mulf %convert_element_type3A_226, %sub3A_230 : vector<2x200x208xf32>
    %sub3A_241 = arith.constant 1.000000e+00 : f32
    %sub3A_242 = vector.broadcast %sub3A_241 : f32 to vector<2x200x208xf32>
    %sub3A_243 = arith.subf %sub3A_242, %convert_element_type3A_226 : vector<2x200x208xf32>
    %sub3A_244 = arith.constant 1.000000e+00 : f32
    %sub3A_245 = vector.broadcast %sub3A_244 : f32 to vector<2x200x208xf32>
    %sub3A_246 = arith.subf %sub3A_245, %sub3A_230 : vector<2x200x208xf32>
    %mul3A_247 = arith.mulf %sub3A_243, %sub3A_246 : vector<2x200x208xf32>
    %add3A_248 = arith.addf %mul3A_240, %mul3A_247 : vector<2x200x208xf32>
    %ge3A = arith.constant 0.000000e+00 : f32
    %ge3A_249 = vector.broadcast %ge3A : f32 to vector<2x200x208xf32>
    %ge3A_250 = arith.cmpf oge, %add3A_227, %ge3A_249 : vector<2x200x208xf32>
    %le3A = arith.constant 6.300000e+01 : f32
    %le3A_251 = vector.broadcast %le3A : f32 to vector<2x200x208xf32>
    %le3A_252 = arith.cmpf ole, %add3A_227, %le3A_251 : vector<2x200x208xf32>
    %and3A_253 = arith.andi %ge3A_250, %le3A_252 : vector<2x200x208xi1>
    %ge3A_254 = arith.constant 0.000000e+00 : f32
    %ge3A_255 = vector.broadcast %ge3A_254 : f32 to vector<2x200x208xf32>
    %ge3A_256 = arith.cmpf oge, %add3A_228, %ge3A_255 : vector<2x200x208xf32>
    %and3A_257 = arith.andi %and3A_253, %ge3A_256 : vector<2x200x208xi1>
    %le3A_258 = arith.constant 6.300000e+01 : f32
    %le3A_259 = vector.broadcast %le3A_258 : f32 to vector<2x200x208xf32>
    %le3A_260 = arith.cmpf ole, %add3A_228, %le3A_259 : vector<2x200x208xf32>
    %and3A_261 = arith.andi %and3A_257, %le3A_260 : vector<2x200x208xi1>
    %gt3A = arith.cmpf ogt, %mul3A_23, %mul3A_10 : vector<2x200x1xf32>
    %gt3A_262 = arith.cmpf ogt, %mul3A_30, %mul3A_17 : vector<2x200x1xf32>
    %and3A_263 = arith.andi %gt3A, %gt3A_262 : vector<2x200x1xi1>
    %mul3A_264 = arith.mulf %add3A_248, %add3A_239 : vector<2x200x208xf32>
    %convert_element_type3A_265 = arith.extui %and3A_261 : vector<2x200x208xi1> to vector<2x200x208xi32>
    %convert_element_type3A_266 = arith.sitofp %convert_element_type3A_265 : vector<2x200x208xi32> to vector<2x200x208xf32>
    %mul3A_267 = arith.mulf %mul3A_264, %convert_element_type3A_266 : vector<2x200x208xf32>
    %convert_element_type3A_268 = arith.extui %and3A_263 : vector<2x200x1xi1> to vector<2x200x1xi32>
    %convert_element_type3A_269 = arith.sitofp %convert_element_type3A_268 : vector<2x200x1xi32> to vector<2x200x1xf32>
    %mul3A_270 = vector.broadcast %convert_element_type3A_269 : vector<2x200x1xf32> to vector<2x200x208xf32>
    %mul3A_271 = arith.mulf %mul3A_267, %mul3A_270 : vector<2x200x208xf32>
    %lt3A = arith.constant 196 : i32
    %lt3A_272 = vector.broadcast %lt3A : i32 to vector<2x200x208xi32>
    %lt3A_273 = arith.cmpi slt, %iota3A_135, %lt3A_272 : vector<2x200x208xi32>
    %convert_element_type3A_274 = arith.extui %lt3A_273 : vector<2x200x208xi1> to vector<2x200x208xi32>
    %convert_element_type3A_275 = arith.sitofp %convert_element_type3A_274 : vector<2x200x208xi32> to vector<2x200x208xf32>
    %mul3A_276 = arith.mulf %mul3A_271, %convert_element_type3A_275 : vector<2x200x208xf32>
    %swap3A_277 = arith.constant 0 : index
    %swap3A_278 = arith.constant 0 : index
    %swap3A_279 = arith.constant 0 : index
    %swap3A_280 = vector.load %arg3[%swap3A_277, %swap3A_278, %swap3A_279] : memref<2x200x208xf32, #tpu.memory_space<vmem>>, vector<2x200x208xf32>
    tpu.vector_store %arg3[%swap3A_277, %swap3A_278, %swap3A_279], %mul3A_276 {strides = array<i32>} : memref<2x200x208xf32, #tpu.memory_space<vmem>>, vector<2x200x208xf32>,
    return
  }
  func.func @transform_0(%arg0: i32) -> (i32, i32, i32) {
    %c0_i32 = arith.constant 0 : i32
    %c0_i32_0 = arith.constant 0 : i32
    %c0_i32_1 = arith.constant 0 : i32
    return %c0_i32, %arg0, %c0_i32_0 : i32, i32, i32
  }
  func.func @transform_1(%arg0: i32) -> (i32, i32, i32) {
    %c0_i32 = arith.constant 0 : i32
    %c0_i32_0 = arith.constant 0 : i32
    %c0_i32_1 = arith.constant 0 : i32
    return %c0_i32, %arg0, %c0_i32_0 : i32, i32, i32
  }
  func.func @transform_2(%arg0: i32) -> (i32, i32, i32) {
    %c0_i32 = arith.constant 0 : i32
    %c0_i32_0 = arith.constant 0 : i32
    %c0_i32_1 = arith.constant 0 : i32
    return %c0_i32, %arg0, %c0_i32_0 : i32, i32, i32
  }
}

</mosaic_0001>

<sc_bundles>
// kernel: kernel.4.cloned.1.call-start
scs
__scs_entry_jumppad:
0x0: {  	(pc) =	sbr.rel $0x88, $3  }
0x1: {  	(tag) =	ssettag $0x0;
	lr =	simm.s32 $0x1  }
0x2: {  	[smem:$0x3F9F] =	sst lr;
	_ =	strace $0xD0000000  }
0x3: {  	_ = 	snop  }
0x4: {  	_ = 	snop  }
0x5: {  	_ = 	snop  }
0x6: {  	_ = 	snop  }
0x7: {  	_ = 	snop  }
__scs_overlays_trampoline_lowered:
0x8: {  	[smem:$0x3FAE] =	sst s0  }
0x9: {  	[smem:$0x3FAF] =	sst s1  }
0xa: {  	[smem:$0x3FB0] =	sst s2  }
0xb: {  	[smem:$0x3FB1] =	sst s3  }
0xc: {  	[smem:$0x3FB2] =	sst s4  }
0xd: {  	[smem:$0x3FB3] =	sst s5  }
0xe: {  	[smem:$0x3FB4] =	sst s6  }
0xf: {  	[smem:$0x3FB5] =	sst s7  }
0x10: {  	[smem:$0x3FB6] =	sst s8  }
0x11: {  	[smem:$0x3FB7] =	sst s9;
	s0 =	simm.s32 @!p0 $0x0  }
0x12: {  	s1 =	sld [smem:$0x3F9D];
	s0 =	simm.s32 @p0 $0x1  }
0x13: {  	[smem:$0x3FB8] =	sst s0;
	s0 =	simm.s32 @!p1 $0x0  }
0x14: {  	s2 =	sld [smem:$0x3F9C];
	s0 =	simm.s32 @p1 $0x1  }
0x15: {  	[smem:$0x3FB9] =	sst s0;
	s0 =	simm.s32 @!p2 $0x0  }
0x16: {  	s3 =	sld [smem:$0x3FDB];
	s0 =	simm.s32 @p2 $0x1  }
0x17: {  	s4 =	simm.s32 $0x1BF5;
	[smem:$0x3FBB] =	sst s0  }
0x18: {  	s0 =	sld [smem:$0x3F9E];
	_ =	swait.ge [sflag:s4], $0x0  }
0x19: {  	s7 =	sld [smem:$0x3F9F]  }
0x1a: {  	s8 =	sadd.s32 $0xFFFFE003, lr  }
0x1b: {  	s9 =	sadd.s32 $0xFFFFFEF7, lr;
	s5 =	simm.s32 $0xFFFFFFFF;
	p2 =	slt.u32 s8, $0xFFFFF086  }
0x1c: {  	p1 =	slt.u32 s9, $0xF7A;
	s5 =	simm.s32 @!p2 $0x0  }
0x1d: {  	s5 =	simm.s32 @p1 $0x1;
	p0 =	seq.s32 s7, s2  }
0x1e: {  	s7 =	smul.u32 @!p0 $0xF7A, s2;
	p2 =	seq.s32 @!p0 s5, $0x0  }
0x1f: {  	s9 =	smul.u32 $0xF7A, s1;
	s8 =	simm.s32 @!p0 $0x1BF5;
	p2 =	por !p2, p0  }
0x20: {  	[sflag:s8] =	ssyncset.s32 @!p0 $0xFFFFF086;
	s6 =	sadd.s32 @!p0 s3, s7;
	s7 =	simm.s32 @!p0 $0x108  }
0x21: {  	s3 =	sadd.s32 s3, s9;
	s6 =	sadd.s32 @!p0 $0x88, s6;
	s7 =	simm.s32 @p2 $0x1082  }
0x22: {  	[simem:s7], [sflag:s8] =	dma.local @!p0 [hbm:s6], $0xF7A  }
0x23: {  	s9 =	sor.u32 $0xD0000000, s2;
	s6 =	simm.s32 $0x108;
	_ =	swait.ge @!p0 [sflag:s8], $0x0  }
0x24: {  	s3 =	sadd.s32 $0x88, s3;
	s6 =	simm.s32 @!p1 $0x1082;
	[sflag:s4] =	ssyncset.s32 $0xFFFFF086  }
0x25: {  	[simem:s6], [sflag:s4] =	dma.local [hbm:s3], $0xF7A  }
0x26: {  	[smem:$0x3F9F] =	sst s1;
	(tag) =	ssettag s2;
	_ =	strace s9  }
0x27: {  	s1 =	sld [smem:$0x3FAF]  }
0x28: {  	s2 =	sld [smem:$0x3FB0]  }
0x29: {  	s4 =	sld [smem:$0x3FB2]  }
0x2a: {  	p0 =	seq.s32 s5, $0x0;
	s5 =	sld [smem:$0x3FB3]  }
0x2b: {  	s6 =	sld [smem:$0x3FB4]  }
0x2c: {  	s7 =	sld [smem:$0x3FB5]  }
0x2d: {  	s3 =	simm.s32 $0x108;
	s8 =	sld [smem:$0x3FB6]  }
0x2e: {  	s3 =	simm.s32 @!p0 $0x1082;
	s9 =	sld [smem:$0x3FB7]  }
0x2f: {  	lr =	sadd.s32 s0, s3;
	s0 =	sld [smem:$0x3FAE]  }
0x30: {  	s3 =	sld [smem:$0x3FB1]  }
0x31: {  	[smem:$0x3FBA] =	sst s10  }
0x32: {  	s10 =	sld [smem:$0x3FB8];
	_ =	sdelay $0x3  }
0x33: {  	p0 =	seq.s32 s10, $0x1;
	s10 =	sld [smem:$0x3FBA];
	_ =	sdelay $0x3  }
0x34: {  	[smem:$0x3FBA] =	sst s10  }
0x35: {  	s10 =	sld [smem:$0x3FB9];
	_ =	sdelay $0x3  }
0x36: {  	p1 =	seq.s32 s10, $0x1;
	s10 =	sld [smem:$0x3FBA];
	_ =	sdelay $0x3  }
0x37: {  	[smem:$0x3FBA] =	sst s10  }
0x38: {  	s10 =	sld [smem:$0x3FBB]  }
0x39: {  	_ = 	snop;
	(pc) =	sbr.ind lr, $3  }
0x3a: {  	_ = 	snop  }
0x3b: {  	_ = 	snop  }
0x3c: {  	p2 =	seq.s32 s10, $0x1;
	s10 =	sld [smem:$0x3FBA]  }
0x3d: {  	_ =	shalt  }
0x3e: {  	_ =	shalt  }
0x3f: {  	_ =	shalt  }
0x40: {  	_ =	shalt  }
0x41: {  	_ =	shalt  }
0x42: {  	_ =	shalt  }
0x43: {  	_ =	shalt  }
0x44: {  	_ =	shalt  }
0x45: {  	_ =	shalt  }
0x46: {  	_ =	shalt  }
0x47: {  	_ =	shalt  }
0x48: {  	_ =	shalt  }
0x49: {  	_ =	shalt  }
0x4a: {  	_ =	shalt  }
0x4b: {  	_ =	shalt  }
0x4c: {  	_ =	shalt  }
0x4d: {  	_ =	shalt  }
0x4e: {  	_ =	shalt  }
0x4f: {  	_ =	shalt  }
0x50: {  	_ =	shalt  }
0x51: {  	_ =	shalt  }
0x52: {  	_ =	shalt  }
0x53: {  	_ =	shalt  }
0x54: {  	_ =	shalt  }
0x55: {  	_ =	shalt  }
0x56: {  	_ =	shalt  }
0x57: {  	_ =	shalt  }
0x58: {  	_ =	shalt  }
0x59: {  	_ =	shalt  }
0x5a: {  	_ =	shalt  }
0x5b: {  	_ =	shalt  }
0x5c: {  	_ =	shalt  }
0x5d: {  	_ =	shalt  }
0x5e: {  	_ =	shalt  }
0x5f: {  	_ =	shalt  }
0x60: {  	_ =	shalt  }
0x61: {  	_ =	shalt  }
0x62: {  	_ =	shalt  }
0x63: {  	_ =	shalt  }
0x64: {  	_ =	shalt  }
0x65: {  	_ =	shalt  }
0x66: {  	_ =	shalt  }
0x67: {  	_ =	shalt  }
0x68: {  	_ =	shalt  }
0x69: {  	_ =	shalt  }
0x6a: {  	_ =	shalt  }
0x6b: {  	_ =	shalt  }
0x6c: {  	_ =	shalt  }
0x6d: {  	_ =	shalt  }
0x6e: {  	_ =	shalt  }
0x6f: {  	_ =	shalt  }
0x70: {  	_ =	shalt  }
0x71: {  	_ =	shalt  }
0x72: {  	_ =	shalt  }
0x73: {  	_ =	shalt  }
0x74: {  	_ =	shalt  }
0x75: {  	_ =	shalt  }
0x76: {  	_ =	shalt  }
0x77: {  	_ =	shalt  }
0x78: {  	_ =	shalt  }
0x79: {  	_ =	shalt  }
0x7a: {  	_ =	shalt  }
0x7b: {  	_ =	shalt  }
0x7c: {  	_ =	shalt  }
0x7d: {  	_ =	shalt  }
0x7e: {  	_ =	shalt  }
0x7f: {  	_ =	shalt  }
0x80: {  	_ =	shalt  }
0x81: {  	_ =	shalt  }
0x82: {  	_ =	shalt  }
0x83: {  	_ =	shalt  }
0x84: {  	_ =	shalt  }
0x85: {  	_ =	shalt  }
0x86: {  	_ =	shalt  }
0x87: {  	_ =	shalt  }
.Lfunc_end0:
.L_simem_size_0:
called_computation.1_lowered:
.L_overlay_start_0:
0x88: {  	s2 =	sld [smem:$0x3FD9]  }
0x89: {  	s3 =	sld [smem:$0x3FFE];
	_ =	sdelay $0x1  }
0x8a: {  	s1 =	srdreg.scid  }
0x8b: {  	s0 =	sand.u32 $0x1, s1  }
0x8c: {  	s17 =	sshll.u32 s0, $0xA;
	s2 =	sadd.s32 s3, s2  }
0x8d: {  	s2 =	sadd.s32 s2, s17  }
0x8e: {  	[smem:$0x3FC6] =	sst s2  }
0x8f: {  	_ = 	snop  }
0x90: {  	s2 =	sld [smem:$0x3FD0];
	(tm) =	ssettm $0x1  }
0x91: {  	s18 =	sld [smem:$0x3FFB];
	_ =	sdelay $0x3  }
0x92: {  	_ =	strace s18  }
0x93: {  	s3 =	sld [smem:$0x3FFC];
	_ =	sdelay $0x3  }
0x94: {  	_ =	strace s3  }
0x95: {  	s3 =	sld [smem:$0x3FFD];
	_ =	sdelay $0x3  }
0x96: {  	_ =	strace s3  }
0x97: {  	_ =	strace $0x8FFFFFFF  }
0x98: {  	s19 =	sld [smem:$0x3FDB];
	_ =	sdelay $0x1  }
0x99: {  	s4 =	simm.s32 $_scs_section_size  }
0x9a: {  	s5 =	simm.s32 $_size__tile_overlayer_lowered;
	s6 =	simm.s32 $_tile_overlayer_lowered  }
0x9b: {  	s22 =	simm.s32 $0x1BFF;
	s21 =	sshll.u32 s6, $0x1;
	s3 =	sadd.s32 s4, s19  }
0x9c: {  	s7 =	simm.s32 $0x0;
	s20 =	sshll.u32 s5, $0x1;
	s5 =	sadd.s32 s21, s3  }
0x9d: {  	[timem:s7], [sflag:s22] =	dma.local [hbm:s5], s20  }
0x9e: {  	_ =	swait.ge [sflag:s22], s20  }
0x9f: {  	s4 =	ssub.s32 $0x0, s20;
	[sflag:s22] =	ssyncset.done $0x0  }
0xa0: {  	[sflag:s22] =	ssyncadd.s32 s4;
	_ =	sdelay $0x1  }
0xa1: {  	s23 =	simm.s32 $0x1B8B  }
0xa2: {  	_ =	swait.ge [sflag:s23], $0x1  }
0xa3: {  	[sflag:s23] =	ssyncset.done $0x0  }
0xa4: {  	s25 =	simm.s32 $0x1B8E;
	s24 =	sld [smem:$0x3FFE];
	[sflag:s23] =	ssyncadd.s32 $0xFFFFFFFF  }
0xa5: {  	s26 =	simm.s32 $execute0_lowered;
	[smem:$0x3FD2] =	sst s25  }
0xa6: {  	s5 =	sshll.u32 s26, $0x1;
	_ =	strace $0x80000046;
	[dreg:$0x1] =	wrdreg $0xFFFFFFFF  }
0xa7: {  	s28 =	simm.s32 $_size_execute0_lowered;
	s3 =	sadd.s32 s3, s5;
	[dreg:$0x0] =	wrdreg $0x0  }
0xa8: {  	s5 =	sshll.u32 s28, $0x1;
	[dreg:$0x2] =	wrdreg s3  }
0xa9: {  	[dreg:$0x3] =	wrdreg s5  }
0xaa: {  	[dreg:$0x4] =	wrdreg $0xC0  }
0xab: {  	_ =	task [dreg:s7], $0x5FFFF  }
0xac: {  	[dreg:$0x1] =	wrdreg $0xFFFFFFFF  }
0xad: {  	[dreg:$0x0] =	wrdreg $0x60  }
0xae: {  	[dreg:$0x2] =	wrdreg s24  }
0xaf: {  	[dreg:$0x3] =	wrdreg s2  }
0xb0: {  	[dreg:$0x4] =	wrdreg $0x9  }
0xb1: {  	_ =	task.clear_ibuf [dreg:s7], $0x5FFFF;
	_ =	strace $0x90000046  }
0xb2: {  	s29 =	simm.s32 $0x9;
	_ =	strace $0x80000048  }
0xb3: {  	_ =	swait.ge [sflag:s29], $0x1  }
0xb4: {  	[sflag:s29] =	ssyncadd.s32 $0xFFFFFFFF  }
0xb5: {  	_ =	strace $0x90000048  }
0xb6: {  	_ =	sfence  }
0xb7: {  	s30 =	sld [smem:$0x0];
	_ =	sdelay $0x2  }
0xb8: {  	s31 =	sshll.u32 s1, $0xD;
	s1 =	sshrl.u32 s1, $0x2  }
0xb9: {  	s3 =	sand.u32 $0x4000, s31;
	s1 =	sadd.s32 s1, s30  }
0xba: {  	s0 =	sor.u32 s3, s0;
	s1 =	sshll.u32 s1, $0x11  }
0xbb: {  	s0 =	sor.u32 s1, s0  }
0xbc: {  	s0 =	sadd.s32 $0x8F2B, s0  }
0xbd: {  	[sflag:s0] =	ssyncadd.remote.s32 $0x1  }
0xbe: {  	_ =	sfence.sel $0xFFFF  }
0xbf: {  	[dreg:$0x0] =	wrdreg $0xFFFFFFFF;
	(pc) =	sbr.abs _section_cstart, $3  }
0xc0: {  	[dreg:$0x1] =	wrdreg $0xFFFFFFFF  }
0xc1: {  	_ =	task.clear_ibuf [dreg:s7], $0x2FFFF;
	_ =	strace $0x9FFFFFFF  }
0xc2: {  	(tm) =	ssettm $0x7FFFFFFF  }
0xc3: {  	_ =	shalt  }
tec
execute0_lowered:
.L_overlay_start_1:
0x0: {  	(tag) =	ssettag $0x1  }
0x1: {  	s0 =	rddreg [dreg:$0x0]  }
0x2: {  	s2 =	rddreg [dreg:$0x1]  }
0x3: {  	s3 =	simm.s32 $0x0;
	s1 =	srdreg.scid;
	s4 =	stileid.u32  }
0x4: {  	s10 =	simm.s32 $0x1000;
	s25 =	simm.s32 $0x1;
	s29 =	simm.s32 $0xD000  }
0x5: {  	s30 =	simm.s32 $0xD800;
	s31 =	simm.s32 $0xE000;
	s9 =	simm.s32 $0x11000  }
0x6: {  	s11 =	simm.s32 $0x11800;
	s12 =	simm.s32 $0x12000;
	s13 =	simm.s32 $0x12800  }
0x7: {  	s14 =	simm.s32 $0x13000;
	s15 =	simm.s32 $0x2;
	s16 =	simm.s32 $0x16100  }
0x8: {  	[smem:$0x7FF] =	sst s3;
	s1 =	sand.u32 $0x1, s1;
	s4 =	sshll.u32 s4, $0x1  }
0x9: {  	s19 =	simm.s32 $0x0;
	_ =	strace $0x80000047;
	s5 =	sor.u32 s1, s4  }
0xa: {  	s4 =	sadd.s32 $0x4800, s0;
	s1 =	ssub.s32 $0x2, s1;
	s6 =	sshll.u32 s5, $0x9  }
0xb: {  	s7 =	sshll.u32 s5, $0xB;
	s8 =	sshrl.u32 s1, $0x1;
	p0 =	seq.s32 s5, $0x1F  }
0xc: {  	s6 =	sadd.s32 s6, s0;
	s0 =	sadd.s32 s7, s0;
	s1 =	ssub.s32 s1, s8  }
0xd: {  	v3 =	vlaneseq.u32;
	s7 =	simm.s32 $0x10000;
	s8 =	simm.s32 $0x10800;
	s6 =	sadd.s32 $0x800, s6  }
0xe: {  	v0 =	vmul.u32 $0x62, v3;
	s0 =	sadd.s32 $0x46A00, s0;
	s28 =	smax.u32 s1, $0x1;
	[dreg:$0x3] =	wrdreg s6  }
0xf: {  	vm0 =	vmmov $0xffff;
	v2 =	vshrl.u32 v3, $0x3;
	v1 =	vand.u32 $0x7, v3;
	s1 =	simm.s32 $0xF000;
	s6 =	sshll.u32 s5, $0x6;
	[dreg:$0x4] =	wrdreg s0  }
0x10: {  	v3 =	vor.u32 $0x8, v3;
	v2 =	vmul.u32 $0x8, v2;
	v4 =	vadd.s32 $0x31, v0;
	[dreg:$0x5] =	wrdreg s28;
	s0 =	simm.s32 $0xE800;
	s5 =	simm.s32 $0xF800  }
.LBB2_1:
0x11: {  	[dreg:$0x6] =	wrdreg s19  }
0x12: {  	s17 =	rddreg [dreg:$0x3];
	s18 =	simm.s32 $0x5  }
0x13: {  	[tilespmem:s3], [sflag:$0x5] =	stream.linear.gather [hbm4b:s17+s3], $0x1000, $0x38;
	[tilespmem:$0x19200] =	vst v63  }
0x14: {  	_ =	swait.ge [sflag:s18], $0x1000  }
0x15: {  	[sflag:s18] =	ssyncset.done $0x0  }
0x16: {  	s21 =	rddreg [dreg:$0x4];
	[sflag:s18] =	ssyncadd.s32 $0xFFFFF000  }
0x17: {  	[tilespmem:s10], [sflag:$0x5] =	stream.linear.gather [hbm4b:s21+s3], $0x4000, $0x38;
	[tilespmem:$0x19200] =	vst v63  }
0x18: {  	_ =	swait.ge [sflag:s18], $0x4000  }
0x19: {  	[sflag:s18] =	ssyncset.done $0x0  }
0x1a: {  	[sflag:s18] =	ssyncadd.s32 $0xFFFFC000  }
0x1b: {  	v5 =	vld [tilespmem:$0x0];
	_ =	sdelay $0x4  }
0x1c: {  	v6 =	vshll.u32 v5, $0x1  }
0x1d: {  	v5 =	vand.u32 $0x7, v5;
	v6 =	vand.u32 $0xFFFFFFF0, v6  }
0x1e: {  	v5 =	vor.u32 v5, v6  }
0x1f: {  	v6 =	vperm.xlane v5, v1;
	_ =	sdelay $0x1  }
0x20: {  	v5 =	vperm.xlane v5, v3;
	v6 =	vadd.s32 v2, v6;
	_ =	sdelay $0x1  }
0x21: {  	v5 =	vadd.s32 v2, v5;
	_ =	sdelay $0x1  }
0x22: {  	s22 =	simm.s32 $0x5000  }
0x23: {  	[tilespmem:s22], [sflag:$0x1] =	stream.indirect_vreg.gather [hbm4b:s4+s3], $0x80, v6, vm0, $0xb8;
	[tilespmem:$0x19200] =	vst v63  }
0x24: {  	s23 =	simm.s32 $0x5800  }
0x25: {  	[tilespmem:s23], [sflag:$0x1] =	stream.indirect_vreg.gather [hbm4b:s4+s3], $0x80, v5, vm0, $0xb8;
	[tilespmem:$0x19200] =	vst v63  }
0x26: {  	v5 =	vld [tilespmem:$0x10];
	_ =	sdelay $0x4  }
0x27: {  	v6 =	vshll.u32 v5, $0x1  }
0x28: {  	v5 =	vand.u32 $0x7, v5;
	v6 =	vand.u32 $0xFFFFFFF0, v6  }
0x29: {  	v5 =	vor.u32 v5, v6  }
0x2a: {  	v6 =	vperm.xlane v5, v1;
	_ =	sdelay $0x1  }
0x2b: {  	v5 =	vperm.xlane v5, v3;
	v6 =	vadd.s32 v2, v6;
	_ =	sdelay $0x1  }
0x2c: {  	v5 =	vadd.s32 v2, v5;
	_ =	sdelay $0x1  }
0x2d: {  	s24 =	simm.s32 $0x6000  }
0x2e: {  	[tilespmem:s24], [sflag:$0x1] =	stream.indirect_vreg.gather [hbm4b:s4+s3], $0x80, v6, vm0, $0xb8;
	[tilespmem:$0x19200] =	vst v63  }
0x2f: {  	s26 =	simm.s32 $0x6800  }
0x30: {  	[tilespmem:s26], [sflag:$0x1] =	stream.indirect_vreg.gather [hbm4b:s4+s3], $0x80, v5, vm0, $0xb8;
	[tilespmem:$0x19200] =	vst v63  }
0x31: {  	v5 =	vld [tilespmem:$0x20];
	_ =	sdelay $0x4  }
0x32: {  	v6 =	vshll.u32 v5, $0x1  }
0x33: {  	v5 =	vand.u32 $0x7, v5;
	v6 =	vand.u32 $0xFFFFFFF0, v6  }
0x34: {  	v5 =	vor.u32 v5, v6  }
0x35: {  	v6 =	vperm.xlane v5, v1;
	_ =	sdelay $0x1  }
0x36: {  	v5 =	vperm.xlane v5, v3;
	v6 =	vadd.s32 v2, v6;
	_ =	sdelay $0x1  }
0x37: {  	v5 =	vadd.s32 v2, v5;
	_ =	sdelay $0x1  }
0x38: {  	s28 =	simm.s32 $0x7000  }
0x39: {  	[tilespmem:s28], [sflag:$0x1] =	stream.indirect_vreg.gather [hbm4b:s4+s3], $0x80, v6, vm0, $0xb8;
	[tilespmem:$0x19200] =	vst v63  }
0x3a: {  	s18 =	simm.s32 $0x7800  }
0x3b: {  	[tilespmem:s18], [sflag:$0x1] =	stream.indirect_vreg.gather [hbm4b:s4+s3], $0x80, v5, vm0, $0xb8;
	[tilespmem:$0x19200] =	vst v63  }
0x3c: {  	v5 =	vld [tilespmem:$0x30];
	_ =	sdelay $0x4  }
0x3d: {  	v6 =	vshll.u32 v5, $0x1  }
0x3e: {  	v5 =	vand.u32 $0x7, v5;
	v6 =	vand.u32 $0xFFFFFFF0, v6  }
0x3f: {  	v5 =	vor.u32 v5, v6  }
0x40: {  	v6 =	vperm.xlane v5, v1;
	_ =	sdelay $0x1  }
0x41: {  	v5 =	vperm.xlane v5, v3;
	v6 =	vadd.s32 v2, v6;
	_ =	sdelay $0x1  }
0x42: {  	v5 =	vadd.s32 v2, v5;
	_ =	sdelay $0x1  }
0x43: {  	s19 =	simm.s32 $0x8000  }
0x44: {  	[tilespmem:s19], [sflag:$0x1] =	stream.indirect_vreg.gather [hbm4b:s4+s3], $0x80, v6, vm0, $0xb8;
	[tilespmem:$0x19200] =	vst v63  }
0x45: {  	s20 =	simm.s32 $0x8800  }
0x46: {  	[tilespmem:s20], [sflag:$0x1] =	stream.indirect_vreg.gather [hbm4b:s4+s3], $0x80, v5, vm0, $0xb8;
	[tilespmem:$0x19200] =	vst v63  }
0x47: {  	v5 =	vld [tilespmem:$0x40];
	_ =	sdelay $0x4  }
0x48: {  	v6 =	vshll.u32 v5, $0x1  }
0x49: {  	v5 =	vand.u32 $0x7, v5;
	v6 =	vand.u32 $0xFFFFFFF0, v6  }
0x4a: {  	v5 =	vor.u32 v5, v6  }
0x4b: {  	v6 =	vperm.xlane v5, v1;
	_ =	sdelay $0x1  }
0x4c: {  	v5 =	vperm.xlane v5, v3;
	v6 =	vadd.s32 v2, v6;
	_ =	sdelay $0x1  }
0x4d: {  	v5 =	vadd.s32 v2, v5;
	_ =	sdelay $0x1  }
0x4e: {  	s21 =	simm.s32 $0x9000  }
0x4f: {  	[tilespmem:s21], [sflag:$0x1] =	stream.indirect_vreg.gather [hbm4b:s4+s3], $0x80, v6, vm0, $0xb8;
	[tilespmem:$0x19200] =	vst v63  }
0x50: {  	s22 =	simm.s32 $0x9800  }
0x51: {  	[tilespmem:s22], [sflag:$0x1] =	stream.indirect_vreg.gather [hbm4b:s4+s3], $0x80, v5, vm0, $0xb8;
	[tilespmem:$0x19200] =	vst v63  }
0x52: {  	v5 =	vld [tilespmem:$0x50];
	_ =	sdelay $0x4  }
0x53: {  	v6 =	vshll.u32 v5, $0x1  }
0x54: {  	v5 =	vand.u32 $0x7, v5;
	v6 =	vand.u32 $0xFFFFFFF0, v6  }
0x55: {  	v5 =	vor.u32 v5, v6  }
0x56: {  	v6 =	vperm.xlane v5, v1;
	_ =	sdelay $0x1  }
0x57: {  	v5 =	vperm.xlane v5, v3;
	v6 =	vadd.s32 v2, v6;
	_ =	sdelay $0x1  }
0x58: {  	v5 =	vadd.s32 v2, v5;
	_ =	sdelay $0x1  }
0x59: {  	s23 =	simm.s32 $0xA000  }
0x5a: {  	[tilespmem:s23], [sflag:$0x1] =	stream.indirect_vreg.gather [hbm4b:s4+s3], $0x80, v6, vm0, $0xb8;
	[tilespmem:$0x19200] =	vst v63  }
0x5b: {  	s24 =	simm.s32 $0xA800  }
0x5c: {  	[tilespmem:s24], [sflag:$0x1] =	stream.indirect_vreg.gather [hbm4b:s4+s3], $0x80, v5, vm0, $0xb8;
	[tilespmem:$0x19200] =	vst v63  }
0x5d: {  	v5 =	vld [tilespmem:$0x60];
	_ =	sdelay $0x4  }
0x5e: {  	v6 =	vshll.u32 v5, $0x1  }
0x5f: {  	v5 =	vand.u32 $0x7, v5;
	v6 =	vand.u32 $0xFFFFFFF0, v6  }
0x60: {  	v5 =	vor.u32 v5, v6  }
0x61: {  	v6 =	vperm.xlane v5, v1;
	_ =	sdelay $0x1  }
0x62: {  	v5 =	vperm.xlane v5, v3;
	v6 =	vadd.s32 v2, v6;
	_ =	sdelay $0x1  }
0x63: {  	v5 =	vadd.s32 v2, v5;
	_ =	sdelay $0x1  }
0x64: {  	s26 =	simm.s32 $0xB000  }
0x65: {  	[tilespmem:s26], [sflag:$0x1] =	stream.indirect_vreg.gather [hbm4b:s4+s3], $0x80, v6, vm0, $0xb8;
	[tilespmem:$0x19200] =	vst v63  }
0x66: {  	s17 =	simm.s32 $0x0;
	s28 =	simm.s32 $0xB800  }
0x67: {  	[tilespmem:s28], [sflag:$0x1] =	stream.indirect_vreg.gather [hbm4b:s4+s3], $0x80, v5, vm0, $0xb8;
	[tilespmem:$0x19200] =	vst v63  }
.LBB2_2:
0x68: {  	_ =	swait.ge [sflag:s25], $0x7000;
	s18 =	sshllo.u32 s17, $0x1  }
0x69: {  	[sflag:s25] =	ssyncset.done $0x0;
	s19 =	sshll.u32 s18, $0x7  }
0x6a: {  	[sflag:s25] =	ssyncadd.s32 $0xFFFF9000;
	s19 =	sand.u32 $0x3FFFFF80, s19  }
0x6b: {  	v5 =	vld [tilespmem:s19+$0x0];
	_ =	sdelay $0x4  }
0x6c: {  	v6 =	vshll.u32 v5, $0x1  }
0x6d: {  	v5 =	vand.u32 $0x7, v5;
	v6 =	vand.u32 $0xFFFFFFF0, v6  }
0x6e: {  	v5 =	vor.u32 v5, v6  }
0x6f: {  	v6 =	vperm.xlane v5, v1;
	_ =	sdelay $0x1  }
0x70: {  	v5 =	vperm.xlane v5, v3;
	v6 =	vadd.s32 v2, v6;
	_ =	sdelay $0x1  }
0x71: {  	v5 =	vadd.s32 v2, v5;
	_ =	sdelay $0x1  }
0x72: {  	s20 =	simm.s32 $0xC000  }
0x73: {  	[tilespmem:s20], [sflag:$0x2] =	stream.indirect_vreg.gather [hbm4b:s4+s3], $0x80, v6, vm0, $0xb8;
	[tilespmem:$0x19200] =	vst v63  }
0x74: {  	s28 =	simm.s32 $0xC800  }
0x75: {  	[tilespmem:s28], [sflag:$0x2] =	stream.indirect_vreg.gather [hbm4b:s4+s3], $0x80, v5, vm0, $0xb8;
	[tilespmem:$0x19200] =	vst v63  }
0x76: {  	v5 =	vld [tilespmem:s19+$0x10];
	_ =	sdelay $0x4  }
0x77: {  	v6 =	vshll.u32 v5, $0x1  }
0x78: {  	v5 =	vand.u32 $0x7, v5;
	v6 =	vand.u32 $0xFFFFFFF0, v6  }
0x79: {  	v5 =	vor.u32 v5, v6  }
0x7a: {  	v6 =	vperm.xlane v5, v1;
	_ =	sdelay $0x1  }
0x7b: {  	v5 =	vperm.xlane v5, v3;
	v6 =	vadd.s32 v2, v6;
	_ =	sdelay $0x1  }
0x7c: {  	v5 =	vadd.s32 v2, v5;
	_ =	sdelay $0x2  }
0x7d: {  	[tilespmem:s29], [sflag:$0x2] =	stream.indirect_vreg.gather [hbm4b:s4+s3], $0x80, v6, vm0, $0xb8;
	[tilespmem:$0x19200] =	vst v63  }
0x7e: {  	_ = 	snop  }
0x7f: {  	[tilespmem:s30], [sflag:$0x2] =	stream.indirect_vreg.gather [hbm4b:s4+s3], $0x80, v5, vm0, $0xb8;
	[tilespmem:$0x19200] =	vst v63  }
0x80: {  	v5 =	vld [tilespmem:s19+$0x20];
	_ =	sdelay $0x4  }
0x81: {  	v6 =	vshll.u32 v5, $0x1  }
0x82: {  	v5 =	vand.u32 $0x7, v5;
	v6 =	vand.u32 $0xFFFFFFF0, v6  }
0x83: {  	v5 =	vor.u32 v5, v6  }
0x84: {  	v6 =	vperm.xlane v5, v1;
	_ =	sdelay $0x1  }
0x85: {  	v5 =	vperm.xlane v5, v3;
	v6 =	vadd.s32 v2, v6;
	_ =	sdelay $0x1  }
0x86: {  	v5 =	vadd.s32 v2, v5;
	_ =	sdelay $0x2  }
0x87: {  	[tilespmem:s31], [sflag:$0x2] =	stream.indirect_vreg.gather [hbm4b:s4+s3], $0x80, v6, vm0, $0xb8;
	[tilespmem:$0x19200] =	vst v63  }
0x88: {  	_ = 	snop  }
0x89: {  	[tilespmem:s0], [sflag:$0x2] =	stream.indirect_vreg.gather [hbm4b:s4+s3], $0x80, v5, vm0, $0xb8;
	[tilespmem:$0x19200] =	vst v63  }
0x8a: {  	v5 =	vld [tilespmem:s19+$0x30];
	_ =	sdelay $0x4  }
0x8b: {  	v6 =	vshll.u32 v5, $0x1  }
0x8c: {  	v5 =	vand.u32 $0x7, v5;
	v6 =	vand.u32 $0xFFFFFFF0, v6  }
0x8d: {  	v5 =	vor.u32 v5, v6  }
0x8e: {  	v6 =	vperm.xlane v5, v1;
	_ =	sdelay $0x1  }
0x8f: {  	v5 =	vperm.xlane v5, v3;
	v6 =	vadd.s32 v2, v6;
	_ =	sdelay $0x1  }
0x90: {  	v5 =	vadd.s32 v2, v5;
	_ =	sdelay $0x2  }
0x91: {  	[tilespmem:s1], [sflag:$0x2] =	stream.indirect_vreg.gather [hbm4b:s4+s3], $0x80, v6, vm0, $0xb8;
	[tilespmem:$0x19200] =	vst v63  }
0x92: {  	_ = 	snop  }
0x93: {  	[tilespmem:s5], [sflag:$0x2] =	stream.indirect_vreg.gather [hbm4b:s4+s3], $0x80, v5, vm0, $0xb8;
	[tilespmem:$0x19200] =	vst v63  }
0x94: {  	v5 =	vld [tilespmem:s19+$0x40];
	_ =	sdelay $0x4  }
0x95: {  	v6 =	vshll.u32 v5, $0x1  }
0x96: {  	v5 =	vand.u32 $0x7, v5;
	v6 =	vand.u32 $0xFFFFFFF0, v6  }
0x97: {  	v5 =	vor.u32 v5, v6  }
0x98: {  	v6 =	vperm.xlane v5, v1;
	_ =	sdelay $0x1  }
0x99: {  	v5 =	vperm.xlane v5, v3;
	v6 =	vadd.s32 v2, v6;
	_ =	sdelay $0x1  }
0x9a: {  	v5 =	vadd.s32 v2, v5;
	_ =	sdelay $0x2  }
0x9b: {  	[tilespmem:s7], [sflag:$0x2] =	stream.indirect_vreg.gather [hbm4b:s4+s3], $0x80, v6, vm0, $0xb8;
	[tilespmem:$0x19200] =	vst v63  }
0x9c: {  	_ = 	snop  }
0x9d: {  	[tilespmem:s8], [sflag:$0x2] =	stream.indirect_vreg.gather [hbm4b:s4+s3], $0x80, v5, vm0, $0xb8;
	[tilespmem:$0x19200] =	vst v63  }
0x9e: {  	v5 =	vld [tilespmem:s19+$0x50];
	_ =	sdelay $0x4  }
0x9f: {  	v6 =	vshll.u32 v5, $0x1  }
0xa0: {  	v5 =	vand.u32 $0x7, v5;
	v6 =	vand.u32 $0xFFFFFFF0, v6  }
0xa1: {  	v5 =	vor.u32 v5, v6  }
0xa2: {  	v6 =	vperm.xlane v5, v1;
	_ =	sdelay $0x1  }
0xa3: {  	v5 =	vperm.xlane v5, v3;
	v6 =	vadd.s32 v2, v6;
	_ =	sdelay $0x1  }
0xa4: {  	v5 =	vadd.s32 v2, v5;
	_ =	sdelay $0x2  }
0xa5: {  	[tilespmem:s9], [sflag:$0x2] =	stream.indirect_vreg.gather [hbm4b:s4+s3], $0x80, v6, vm0, $0xb8;
	[tilespmem:$0x19200] =	vst v63  }
0xa6: {  	_ = 	snop  }
0xa7: {  	[tilespmem:s11], [sflag:$0x2] =	stream.indirect_vreg.gather [hbm4b:s4+s3], $0x80, v5, vm0, $0xb8;
	[tilespmem:$0x19200] =	vst v63  }
0xa8: {  	v5 =	vld [tilespmem:s19+$0x60];
	_ =	sdelay $0x4  }
0xa9: {  	v6 =	vshll.u32 v5, $0x1  }
0xaa: {  	v5 =	vand.u32 $0x7, v5;
	v6 =	vand.u32 $0xFFFFFFF0, v6  }
0xab: {  	v5 =	vor.u32 v5, v6  }
0xac: {  	v6 =	vperm.xlane v5, v1;
	_ =	sdelay $0x1  }
0xad: {  	v5 =	vperm.xlane v5, v3;
	v6 =	vadd.s32 v2, v6  }
0xae: {  	s20 =	sshll.u32 s17, $0x2  }
0xaf: {  	p1 =	seq.s32 s17, $0x0;
	s19 =	sor.u32 s6, s20;
	v5 =	vadd.s32 v2, v5  }
0xb0: {  	p2 =	sgt.u32 @!p1 s19, $0x7D0  }
0xb1: {  	p2 =	por p2, p1  }
0xb2: {  	[tilespmem:s12], [sflag:$0x2] =	stream.indirect_vreg.gather [hbm4b:s4+s3], $0x80, v6, vm0, $0xb8;
	[tilespmem:$0x19200] =	vst v63  }
0xb3: {  	s21 =	simm.s32 @!p2 $0x3  }
0xb4: {  	[tilespmem:s13], [sflag:$0x2] =	stream.indirect_vreg.gather [hbm4b:s4+s3], $0x80, v5, vm0, $0xb8;
	v5 =	vmov s20;
	[tilespmem:$0x19200] =	vst v63  }
0xb5: {  	_ =	swait.ge @!p2 [sflag:s21], $0x3100;
	v6 =	vshll.u32 v5, $0x8;
	v5 =	vshll.u32 v5, $0x7  }
0xb6: {  	s22 =	simm.s32 $0x3;
	s23 =	simm.s32 $0x0;
	[sflag:s21] =	ssyncset.done @!p2 $0x0;
	v6 =	vand.u32 $0x3800, v6;
	v5 =	vand.u32 $0x200, v5  }
0xb7: {  	s24 =	simm.s32 $0x0;
	[sflag:s21] =	ssyncadd.s32 @!p2 $0xFFFFCF00;
	s21 =	simm.s32 $0x0;
	v5 =	vor.u32 v5, v6  }
.LBB2_3:
0xb8: {  	s26 =	sadd.s32 $0xFFFFFFFD, s22  }
0xb9: {  	v6 =	vmov s26  }
0xba: {  	v7 =	vshll.u32 v6, $0x3  }
0xbb: {  	s28 =	sadd.s32 $0xFFFFFFFE, s22;
	v6 =	vand.u32 $0x7C, v6;
	v7 =	vand.u32 $0x400, v7  }
0xbc: {  	v6 =	vor.u32 v7, v6;
	v7 =	vmov s28  }
0xbd: {  	v8 =	vshll.u32 v7, $0x3  }
0xbe: {  	v7 =	vand.u32 $0x7D, v7;
	v8 =	vand.u32 $0x400, v8  }
0xbf: {  	s28 =	sadd.s32 $0xFFFFFFFF, s22;
	v6 =	vor.u32 v5, v6;
	v7 =	vor.u32 v8, v7  }
0xc0: {  	s26 =	sand.u32 $0x3800, s21;
	v9 =	vmov s28;
	s28 =	sand.u32 $0x380, s23;
	v10 =	vor.u32 v5, v7  }
0xc1: {  	v61 =	vshll.u32 v9, $0x3;
	s26 =	sor.u32 s28, s26  }
0xc2: {  	v8 =	vand.u32 $0x400, v61;
	v62 =	vld [tilespmem:s26+$0x5000];
	v7 =	vand.u32 $0x7E, v9  }
0xc3: {  	v11 =	vmov s22;
	v12 =	vld [tilespmem:s26+$0x5040];
	v8 =	vor.u32 v8, v7  }
0xc4: {  	v17 =	vshll.u32 v11, $0x3;
	v7 =	vld.idx.msk [tilespmem:v6+s10+$0x0], $0xffff;
	v6 =	vor.u32 v5, v8  }
0xc5: {  	v11 =	vand.u32 $0x7F, v11;
	v63 =	vld.idx.msk [tilespmem:v10+s10+$0x0], $0xffff;
	v10 =	vand.u32 $0x400, v17  }
0xc6: {  	v10 =	vor.u32 v10, v11  }
0xc7: {  	v13 =	vld [tilespmem:s26+$0x5400];
	v10 =	vor.u32 v5, v10  }
0xc8: {  	v23 =	vadd.s32 s24, v0;
	v25 =	vadd.s32 s24, v4;
	v16 =	vld [tilespmem:s26+$0x5440]  }
0xc9: {  	v24 =	vshll.u32 v23, $0x1;
	v26 =	vshll.u32 v25, $0x1;
	v6 =	vld.idx.msk [tilespmem:v6+s10+$0x0], $0xffff  }
0xca: {  	v18 =	vshll.u32 v62, $0x10;
	v8 =	vand.u32 $0xFFFF0000, v62;
	v14 =	vshll.u32 v12, $0x10  }
0xcb: {  	v12 =	vand.u32 $0xFFFF0000, v12;
	v11 =	vmul.f32 v18, v7;
	v15 =	vmul.f32 v8, v7  }
0xcc: {  	v19 =	vshll.u32 v13, $0x10;
	v14 =	vmul.f32 v14, v63;
	v12 =	vmul.f32 v12, v63;
	v21 =	vld.idx.msk [tilespmem:v10+s10+$0x0], $0xffff  }
0xcd: {  	v13 =	vand.u32 $0xFFFF0000, v13;
	v17 =	vshll.u32 v16, $0x10;
	v16 =	vand.u32 $0xFFFF0000, v16  }
0xce: {  	v11 =	vadd.f32 v14, v11;
	v20 =	vmul.f32 v19, v6;
	v22 =	vadd.f32 v12, v15  }
0xcf: {  	v12 =	vand.u32 $0x7F, v23;
	v14 =	vand.u32 $0x1F00, v24;
	v13 =	vmul.f32 v13, v6  }
0xd0: {  	v15 =	vand.u32 $0x7F, v25;
	v12 =	vor.u32 v12, v14;
	v14 =	vand.u32 $0x1F00, v26  }
0xd1: {  	v11 =	vadd.f32 v20, v11;
	v14 =	vor.u32 v15, v14;
	v17 =	vmul.f32 v17, v21  }
0xd2: {  	v10 =	vadd.f32 v13, v22;
	v27 =	vmul.f32 v16, v21  }
0xd3: {  	v11 =	vadd.f32 v17, v11  }
0xd4: {  	v10 =	vadd.f32 v27, v10  }
0xd5: {  	[tilespmem:v12+s14+$0x0] =	vst.idx.msk $0xffff, v11  }
0xd6: {  	[tilespmem:v14+s14+$0x0] =	vst.idx.msk $0xffff, v10  }
0xd7: {  	v10 =	vld [tilespmem:s26+$0x5010]  }
0xd8: {  	v11 =	vld [tilespmem:s26+$0x5050]  }
0xd9: {  	v12 =	vld [tilespmem:s26+$0x5410]  }
0xda: {  	s28 =	sadd.s32 $0x620, s24  }
0xdb: {  	v33 =	vadd.s32 s28, v0;
	v35 =	vadd.s32 s28, v4;
	v32 =	vld [tilespmem:s26+$0x5450]  }
0xdc: {  	v34 =	vshll.u32 v33, $0x1;
	v36 =	vshll.u32 v35, $0x1  }
0xdd: {  	v16 =	vand.u32 $0x7F, v35;
	v28 =	vshll.u32 v10, $0x10;
	v10 =	vand.u32 $0xFFFF0000, v10  }
0xde: {  	v29 =	vshll.u32 v11, $0x10;
	v11 =	vand.u32 $0xFFFF0000, v11;
	v30 =	vshll.u32 v12, $0x10  }
0xdf: {  	v12 =	vand.u32 $0xFFFF0000, v12;
	v13 =	vmul.f32 v28, v7;
	v14 =	vmul.f32 v29, v63  }
0xe0: {  	v37 =	vshll.u32 v32, $0x10;
	v10 =	vmul.f32 v10, v7;
	v11 =	vmul.f32 v11, v63  }
0xe1: {  	v15 =	vand.u32 $0xFFFF0000, v32;
	v31 =	vmul.f32 v30, v6;
	v13 =	vadd.f32 v14, v13  }
0xe2: {  	v10 =	vadd.f32 v11, v10;
	v11 =	vand.u32 $0x7F, v33;
	v14 =	vand.u32 $0x1F00, v34  }
0xe3: {  	v12 =	vmul.f32 v12, v6;
	v11 =	vor.u32 v11, v14;
	v14 =	vand.u32 $0x1F00, v36  }
0xe4: {  	v17 =	vmul.f32 v37, v21;
	v13 =	vadd.f32 v31, v13;
	v14 =	vor.u32 v16, v14  }
0xe5: {  	v38 =	vmul.f32 v15, v21;
	v10 =	vadd.f32 v12, v10  }
0xe6: {  	v13 =	vadd.f32 v17, v13  }
0xe7: {  	v10 =	vadd.f32 v38, v10  }
0xe8: {  	[tilespmem:v11+s14+$0x0] =	vst.idx.msk $0xffff, v13  }
0xe9: {  	[tilespmem:v14+s14+$0x0] =	vst.idx.msk $0xffff, v10  }
0xea: {  	v10 =	vld [tilespmem:s26+$0x5020]  }
0xeb: {  	v11 =	vld [tilespmem:s26+$0x5060]  }
0xec: {  	v39 =	vld [tilespmem:s26+$0x5420]  }
0xed: {  	s28 =	sadd.s32 $0xC40, s24  }
0xee: {  	v45 =	vadd.s32 s28, v0;
	v47 =	vadd.s32 s28, v4;
	v44 =	vld [tilespmem:s26+$0x5460]  }
0xef: {  	v46 =	vshll.u32 v45, $0x1;
	v48 =	vshll.u32 v47, $0x1  }
0xf0: {  	v16 =	vand.u32 $0x7F, v47;
	v40 =	vshll.u32 v10, $0x10;
	v10 =	vand.u32 $0xFFFF0000, v10  }
0xf1: {  	v41 =	vshll.u32 v11, $0x10;
	v11 =	vand.u32 $0xFFFF0000, v11;
	v42 =	vshll.u32 v39, $0x10  }
0xf2: {  	v12 =	vand.u32 $0xFFFF0000, v39;
	v13 =	vmul.f32 v40, v7;
	v14 =	vmul.f32 v41, v63  }
0xf3: {  	v49 =	vshll.u32 v44, $0x10;
	v10 =	vmul.f32 v10, v7;
	v11 =	vmul.f32 v11, v63  }
0xf4: {  	v15 =	vand.u32 $0xFFFF0000, v44;
	v43 =	vmul.f32 v42, v6;
	v13 =	vadd.f32 v14, v13  }
0xf5: {  	v10 =	vadd.f32 v11, v10;
	v11 =	vand.u32 $0x7F, v45;
	v14 =	vand.u32 $0x3F00, v46  }
0xf6: {  	v12 =	vmul.f32 v12, v6;
	v11 =	vor.u32 v11, v14;
	v14 =	vand.u32 $0x3F00, v48  }
0xf7: {  	v50 =	vmul.f32 v49, v21;
	v13 =	vadd.f32 v43, v13;
	v14 =	vor.u32 v16, v14  }
0xf8: {  	v51 =	vmul.f32 v15, v21;
	v10 =	vadd.f32 v12, v10  }
0xf9: {  	v13 =	vadd.f32 v50, v13  }
0xfa: {  	v10 =	vadd.f32 v51, v10  }
0xfb: {  	[tilespmem:v11+s14+$0x0] =	vst.idx.msk $0xffff, v13  }
0xfc: {  	[tilespmem:v14+s14+$0x0] =	vst.idx.msk $0xffff, v10  }
0xfd: {  	v10 =	vld [tilespmem:s26+$0x5030]  }
0xfe: {  	v11 =	vld [tilespmem:s26+$0x5070]  }
0xff: {  	v52 =	vld [tilespmem:s26+$0x5430]  }
0x100: {  	s28 =	sadd.s32 $0x1260, s24  }
0x101: {  	v58 =	vadd.s32 s28, v0;
	v60 =	vadd.s32 s28, v4;
	v57 =	vld [tilespmem:s26+$0x5470]  }
0x102: {  	v59 =	vshll.u32 v58, $0x1;
	v61 =	vshll.u32 v60, $0x1  }
0x103: {  	v53 =	vshll.u32 v10, $0x10;
	v10 =	vand.u32 $0xFFFF0000, v10;
	v54 =	vshll.u32 v11, $0x10  }
0x104: {  	v11 =	vand.u32 $0xFFFF0000, v11;
	v55 =	vshll.u32 v52, $0x10;
	v13 =	vmul.f32 v53, v7  }
0x105: {  	v12 =	vand.u32 $0xFFFF0000, v52;
	v14 =	vmul.f32 v54, v63;
	v7 =	vmul.f32 v10, v7  }
0x106: {  	v62 =	vshll.u32 v57, $0x10;
	v9 =	vmul.f32 v11, v63;
	v10 =	vmul.f32 v55, v6  }
0x107: {  	v11 =	vand.u32 $0x3F00, v59;
	v6 =	vmul.f32 v12, v6;
	v12 =	vmul.f32 v62, v21  }
0x108: {  	v56 =	vadd.f32 v14, v13;
	v7 =	vadd.f32 v9, v7;
	v9 =	vand.u32 $0x7F, v58  }
0x109: {  	v14 =	vand.u32 $0x7F, v60;
	v9 =	vor.u32 v9, v11;
	v11 =	vand.u32 $0x3F00, v61  }
0x10a: {  	p2 =	sne.s32 s24, $0x30;
	v13 =	vand.u32 $0xFFFF0000, v57;
	v10 =	vadd.f32 v10, v56;
	v11 =	vor.u32 v14, v11  }
.Ltmp0:
0x10b: {  	v6 =	vadd.f32 v6, v7;
	v7 =	vmul.f32 v13, v21;
	(pc) =	sbr.rel @p2 .LBB2_3-.Ltmp0, $4  }
0x10c: {  	v63 =	vadd.f32 v12, v10  }
0x10d: {  	v6 =	vadd.f32 v7, v6  }
0x10e: {  	s21 =	sadd.s32 $0x100, s21;
	[tilespmem:v9+s14+$0x0] =	vst.idx.msk $0xffff, v63  }
0x10f: {  	s22 =	sadd.s32 $0x4, s22;
	s23 =	sadd.s32 $0x80, s23;
	s24 =	sadd.s32 $0x1, s24;
	[tilespmem:v11+s14+$0x0] =	vst.idx.msk $0xffff, v6  }
0x110: {  	s20 =	sor.u32 $0x1, s20  }
0x111: {  	v5 =	vmov s20  }
0x112: {  	v6 =	vshll.u32 v5, $0x8;
	v5 =	vshll.u32 v5, $0x7  }
0x113: {  	s21 =	simm.s32 $0x3;
	v6 =	vand.u32 $0x3800, v6;
	v5 =	vand.u32 $0x280, v5  }
0x114: {  	s22 =	simm.s32 $0x0;
	s23 =	simm.s32 $0x0;
	s20 =	simm.s32 $0x0;
	v5 =	vor.u32 v5, v6  }
.LBB2_5:
0x115: {  	s24 =	sadd.s32 $0xFFFFFFFD, s21  }
0x116: {  	v6 =	vmov s24  }
0x117: {  	v7 =	vshll.u32 v6, $0x3  }
0x118: {  	s28 =	sadd.s32 $0xFFFFFFFE, s21;
	v6 =	vand.u32 $0x7C, v6;
	v7 =	vand.u32 $0x400, v7  }
0x119: {  	v6 =	vor.u32 v7, v6;
	v7 =	vmov s28  }
0x11a: {  	s26 =	sadd.s32 $0xFFFFFFFF, s21;
	v6 =	vor.u32 v5, v6;
	v8 =	vshll.u32 v7, $0x3  }
0x11b: {  	v9 =	vmov s26;
	v7 =	vand.u32 $0x7D, v7;
	v8 =	vand.u32 $0x400, v8  }
0x11c: {  	v54 =	vshll.u32 v9, $0x3;
	v7 =	vor.u32 v8, v7  }
0x11d: {  	v8 =	vand.u32 $0x400, v54;
	v10 =	vor.u32 v5, v7;
	v7 =	vand.u32 $0x7E, v9  }
0x11e: {  	s26 =	sand.u32 $0x380, s22;
	s28 =	sand.u32 $0x3800, s20;
	v8 =	vor.u32 v8, v7  }
0x11f: {  	s24 =	sor.u32 s26, s28;
	v7 =	vld.idx.msk [tilespmem:v6+s10+$0x0], $0xffff;
	v6 =	vor.u32 v5, v8  }
0x120: {  	v57 =	vmov s21;
	v55 =	vld [tilespmem:s24+$0x8800]  }
0x121: {  	v12 =	vshll.u32 v57, $0x3;
	v11 =	vld [tilespmem:s24+$0x8840]  }
0x122: {  	v12 =	vand.u32 $0x400, v12;
	v56 =	vld.idx.msk [tilespmem:v10+s10+$0x0], $0xffff;
	v10 =	vand.u32 $0x7F, v57  }
0x123: {  	v13 =	vld [tilespmem:s24+$0x8C00];
	v10 =	vor.u32 v12, v10  }
0x124: {  	v17 =	vadd.s32 s23, v0;
	v6 =	vld.idx.msk [tilespmem:v6+s10+$0x0], $0xffff;
	v10 =	vor.u32 v5, v10  }
0x125: {  	v19 =	vadd.s32 s23, v4;
	v63 =	vshll.u32 v17, $0x1;
	v16 =	vld [tilespmem:s24+$0x8C40]  }
0x126: {  	v18 =	vand.u32 $0x7F, v17;
	v58 =	vshll.u32 v55, $0x10;
	v14 =	vshll.u32 v11, $0x10  }
0x127: {  	v8 =	vand.u32 $0xFFFF0000, v55;
	v12 =	vmul.f32 v58, v7;
	v14 =	vmul.f32 v14, v56  }
0x128: {  	v59 =	vand.u32 $0xFFFF0000, v11;
	v60 =	vshll.u32 v13, $0x10;
	v15 =	vmul.f32 v8, v7  }
0x129: {  	v61 =	vmul.f32 v59, v56;
	v12 =	vadd.f32 v14, v12;
	v11 =	vmul.f32 v60, v6;
	v8 =	vld.idx.msk [tilespmem:v10+s10+$0x0], $0xffff  }
0x12a: {  	v20 =	vshll.u32 v19, $0x1;
	v13 =	vand.u32 $0xFFFF0000, v13;
	v21 =	vshll.u32 v16, $0x10  }
0x12b: {  	v62 =	vadd.f32 v61, v15;
	v11 =	vadd.f32 v11, v12;
	v12 =	vand.u32 $0x1F00, v63  }
0x12c: {  	v15 =	vand.u32 $0x7F, v19;
	v14 =	vand.u32 $0x1F00, v20;
	v12 =	vor.u32 v12, v18  }
0x12d: {  	v13 =	vmul.f32 v13, v6;
	v14 =	vor.u32 v14, v15;
	v12 =	vor.u32 $0x80, v12  }
0x12e: {  	v16 =	vand.u32 $0xFFFF0000, v16;
	v14 =	vor.u32 $0x80, v14;
	v15 =	vmul.f32 v21, v8  }
0x12f: {  	v10 =	vadd.f32 v13, v62;
	v22 =	vmul.f32 v16, v8  }
0x130: {  	v11 =	vadd.f32 v15, v11  }
0x131: {  	v10 =	vadd.f32 v22, v10  }
0x132: {  	[tilespmem:v12+s14+$0x0] =	vst.idx.msk $0xffff, v11  }
0x133: {  	[tilespmem:v14+s14+$0x0] =	vst.idx.msk $0xffff, v10  }
0x134: {  	v10 =	vld [tilespmem:s24+$0x8810]  }
0x135: {  	v11 =	vld [tilespmem:s24+$0x8850];
	_ =	sdelay $0x1  }
0x136: {  	s28 =	sadd.s32 $0x620, s23;
	v12 =	vld [tilespmem:s24+$0x8C10]  }
0x137: {  	v28 =	vadd.s32 s28, v0  }
0x138: {  	v32 =	vadd.s32 s28, v4;
	v30 =	vshll.u32 v28, $0x1;
	v27 =	vld [tilespmem:s24+$0x8C50]  }
0x139: {  	v31 =	vand.u32 $0x7F, v28;
	v23 =	vshll.u32 v10, $0x10;
	v24 =	vshll.u32 v11, $0x10  }
0x13a: {  	v33 =	vshll.u32 v32, $0x1;
	v13 =	vmul.f32 v23, v7;
	v14 =	vmul.f32 v24, v56  }
0x13b: {  	v16 =	vand.u32 $0x7F, v32;
	v10 =	vand.u32 $0xFFFF0000, v10;
	v25 =	vshll.u32 v12, $0x10  }
0x13c: {  	v11 =	vand.u32 $0xFFFF0000, v11;
	v26 =	vmul.f32 v25, v6;
	v13 =	vadd.f32 v14, v13  }
0x13d: {  	v12 =	vand.u32 $0xFFFF0000, v12;
	v34 =	vshll.u32 v27, $0x10;
	v10 =	vmul.f32 v10, v7  }
0x13e: {  	v11 =	vmul.f32 v11, v56;
	v29 =	vadd.f32 v26, v13;
	v13 =	vand.u32 $0x1F00, v30  }
0x13f: {  	v12 =	vmul.f32 v12, v6;
	v14 =	vand.u32 $0x1F00, v33;
	v13 =	vor.u32 v13, v31  }
0x140: {  	v10 =	vadd.f32 v11, v10;
	v14 =	vor.u32 v14, v16;
	v13 =	vor.u32 $0x80, v13  }
0x141: {  	v15 =	vand.u32 $0xFFFF0000, v27;
	v16 =	vmul.f32 v34, v8;
	v14 =	vor.u32 $0x80, v14  }
0x142: {  	v35 =	vmul.f32 v15, v8;
	v10 =	vadd.f32 v12, v10  }
0x143: {  	v11 =	vadd.f32 v16, v29  }
0x144: {  	v10 =	vadd.f32 v35, v10  }
0x145: {  	[tilespmem:v13+s14+$0x0] =	vst.idx.msk $0xffff, v11  }
0x146: {  	[tilespmem:v14+s14+$0x0] =	vst.idx.msk $0xffff, v10  }
0x147: {  	v10 =	vld [tilespmem:s24+$0x8820]  }
0x148: {  	v11 =	vld [tilespmem:s24+$0x8860];
	_ =	sdelay $0x1  }
0x149: {  	s28 =	sadd.s32 $0xC40, s23;
	v36 =	vld [tilespmem:s24+$0x8C20]  }
0x14a: {  	v42 =	vadd.s32 s28, v0  }
0x14b: {  	v46 =	vadd.s32 s28, v4;
	v44 =	vshll.u32 v42, $0x1;
	v41 =	vld [tilespmem:s24+$0x8C60]  }
0x14c: {  	v45 =	vand.u32 $0x7F, v42;
	v37 =	vshll.u32 v10, $0x10;
	v38 =	vshll.u32 v11, $0x10  }
0x14d: {  	v47 =	vshll.u32 v46, $0x1;
	v13 =	vmul.f32 v37, v7;
	v14 =	vmul.f32 v38, v56  }
0x14e: {  	v16 =	vand.u32 $0x7F, v46;
	v10 =	vand.u32 $0xFFFF0000, v10;
	v39 =	vshll.u32 v36, $0x10  }
0x14f: {  	v11 =	vand.u32 $0xFFFF0000, v11;
	v40 =	vmul.f32 v39, v6;
	v13 =	vadd.f32 v14, v13  }
0x150: {  	v12 =	vand.u32 $0xFFFF0000, v36;
	v48 =	vshll.u32 v41, $0x10;
	v10 =	vmul.f32 v10, v7  }
0x151: {  	v11 =	vmul.f32 v11, v56;
	v43 =	vadd.f32 v40, v13;
	v13 =	vand.u32 $0x3F00, v44  }
0x152: {  	v12 =	vmul.f32 v12, v6;
	v14 =	vand.u32 $0x3F00, v47;
	v13 =	vor.u32 v13, v45  }
0x153: {  	v10 =	vadd.f32 v11, v10;
	v14 =	vor.u32 v14, v16;
	v13 =	vor.u32 $0x80, v13  }
0x154: {  	v15 =	vand.u32 $0xFFFF0000, v41;
	v16 =	vmul.f32 v48, v8;
	v14 =	vor.u32 $0x80, v14  }
0x155: {  	v49 =	vmul.f32 v15, v8;
	v10 =	vadd.f32 v12, v10  }
0x156: {  	v11 =	vadd.f32 v16, v43  }
0x157: {  	v10 =	vadd.f32 v49, v10  }
0x158: {  	[tilespmem:v13+s14+$0x0] =	vst.idx.msk $0xffff, v11  }
0x159: {  	[tilespmem:v14+s14+$0x0] =	vst.idx.msk $0xffff, v10  }
0x15a: {  	v10 =	vld [tilespmem:s24+$0x8830]  }
0x15b: {  	v11 =	vld [tilespmem:s24+$0x8870]  }
0x15c: {  	v50 =	vld [tilespmem:s24+$0x8C30]  }
0x15d: {  	s28 =	sadd.s32 $0x1260, s23;
	v55 =	vld [tilespmem:s24+$0x8C70]  }
0x15e: {  	v58 =	vadd.s32 s28, v4  }
0x15f: {  	v59 =	vshll.u32 v58, $0x1;
	v60 =	vand.u32 $0x7F, v58  }
0x160: {  	v61 =	vand.u32 $0x3F00, v59;
	v51 =	vshll.u32 v10, $0x10;
	v10 =	vand.u32 $0xFFFF0000, v10  }
0x161: {  	v52 =	vshll.u32 v11, $0x10;
	v11 =	vand.u32 $0xFFFF0000, v11;
	v53 =	vshll.u32 v50, $0x10  }
0x162: {  	v12 =	vand.u32 $0xFFFF0000, v50;
	v62 =	vshll.u32 v55, $0x10;
	v13 =	vmul.f32 v51, v7  }
0x163: {  	v14 =	vmul.f32 v52, v56;
	v9 =	vmul.f32 v11, v56;
	v56 =	vadd.s32 s28, v0  }
0x164: {  	v7 =	vmul.f32 v10, v7;
	v10 =	vmul.f32 v53, v6;
	v57 =	vshll.u32 v56, $0x1  }
0x165: {  	v6 =	vmul.f32 v12, v6;
	v11 =	vand.u32 $0x7F, v56;
	v12 =	vand.u32 $0x3F00, v57  }
0x166: {  	v54 =	vadd.f32 v14, v13;
	v7 =	vadd.f32 v9, v7;
	v11 =	vor.u32 v12, v11  }
0x167: {  	v9 =	vand.u32 $0xFFFF0000, v55;
	v12 =	vor.u32 v61, v60;
	v11 =	vor.u32 $0x80, v11  }
0x168: {  	p2 =	sne.s32 s23, $0x30;
	v13 =	vmul.f32 v62, v8;
	v10 =	vadd.f32 v10, v54;
	v12 =	vor.u32 $0x80, v12  }
.Ltmp1:
0x169: {  	v6 =	vadd.f32 v6, v7;
	v7 =	vmul.f32 v9, v8;
	(pc) =	sbr.rel @p2 .LBB2_5-.Ltmp1, $4  }
0x16a: {  	v63 =	vadd.f32 v13, v10  }
0x16b: {  	v6 =	vadd.f32 v7, v6  }
0x16c: {  	s21 =	sadd.s32 $0x4, s21;
	[tilespmem:v11+s14+$0x0] =	vst.idx.msk $0xffff, v63  }
0x16d: {  	s22 =	sadd.s32 $0x80, s22;
	s20 =	sadd.s32 $0x100, s20;
	s23 =	sadd.s32 $0x1, s23;
	[tilespmem:v12+s14+$0x0] =	vst.idx.msk $0xffff, v6  }
0x16e: {  	p2 =	sgt.u32 s19, $0x7CF  }
0x16f: {  	s19 =	sshrl.u32 @!p2 s19, $0x3  }
0x170: {  	s20 =	sshll.u32 @!p2 s17, $0x9;
	s19 =	smul.u32 @!p2 $0xC400, s19  }
0x171: {  	s20 =	sand.u32 @!p2 $0x200, s20  }
0x172: {  	s19 =	sor.u32 @!p2 s20, s19  }
0x173: {  	s21 =	simm.s32 @!p2 $0x400;
	s19 =	sshrl.u32 @!p2 s19, $0x3  }
0x174: {  	s22 =	simm.s32 @!p2 $0x13000;
	s20 =	simm.s32 @!p2 $0x100;
	s19 =	sadd.s32 @!p2 s2, s19  }
0x175: {  	[hbm4b:s19+s20] =	stream.strided.scatter @!p2 [tilespmem:s22], [sflag:$0x3], $0x3100, s21, s20, $0x38;
	[tilespmem:$0x19200] =	vst v63  }
0x176: {  	p2 =	seq.s32 s17, $0xF  }
.Ltmp2:
0x177: {  	_ = 	snop;
	(pc) =	sbr.rel @p2 .LBB2_8-.Ltmp2, $4  }
0x178: {  	_ = 	snop  }
0x179: {  	_ =	swait.ge [sflag:s15], $0x7000  }
0x17a: {  	[sflag:s15] =	ssyncset.done $0x0  }
0x17b: {  	[sflag:s15] =	ssyncadd.s32 $0xFFFF9000  }
0x17c: {  	s19 =	sshll.u32 s17, $0x8  }
0x17d: {  	s19 =	sand.u32 $0x3FFFFF00, s19  }
0x17e: {  	v5 =	vld [tilespmem:s19+$0x100];
	_ =	sdelay $0x4  }
0x17f: {  	v6 =	vshll.u32 v5, $0x1  }
0x180: {  	v5 =	vand.u32 $0x7, v5;
	v6 =	vand.u32 $0xFFFFFFF0, v6  }
0x181: {  	v5 =	vor.u32 v5, v6  }
0x182: {  	v6 =	vperm.xlane v5, v1;
	_ =	sdelay $0x1  }
0x183: {  	v5 =	vperm.xlane v5, v3;
	v6 =	vadd.s32 v2, v6;
	_ =	sdelay $0x1  }
0x184: {  	v5 =	vadd.s32 v2, v5;
	_ =	sdelay $0x1  }
0x185: {  	s20 =	simm.s32 $0x5000  }
0x186: {  	[tilespmem:s20], [sflag:$0x1] =	stream.indirect_vreg.gather [hbm4b:s4+s3], $0x80, v6, vm0, $0xb8;
	[tilespmem:$0x19200] =	vst v63  }
0x187: {  	s28 =	simm.s32 $0x5800  }
0x188: {  	[tilespmem:s28], [sflag:$0x1] =	stream.indirect_vreg.gather [hbm4b:s4+s3], $0x80, v5, vm0, $0xb8;
	[tilespmem:$0x19200] =	vst v63  }
0x189: {  	v5 =	vld [tilespmem:s19+$0x110];
	_ =	sdelay $0x4  }
0x18a: {  	v6 =	vshll.u32 v5, $0x1  }
0x18b: {  	v5 =	vand.u32 $0x7, v5;
	v6 =	vand.u32 $0xFFFFFFF0, v6  }
0x18c: {  	v5 =	vor.u32 v5, v6  }
0x18d: {  	v6 =	vperm.xlane v5, v1;
	_ =	sdelay $0x1  }
0x18e: {  	v5 =	vperm.xlane v5, v3;
	v6 =	vadd.s32 v2, v6;
	_ =	sdelay $0x1  }
0x18f: {  	v5 =	vadd.s32 v2, v5;
	_ =	sdelay $0x1  }
0x190: {  	s21 =	simm.s32 $0x6000  }
0x191: {  	[tilespmem:s21], [sflag:$0x1] =	stream.indirect_vreg.gather [hbm4b:s4+s3], $0x80, v6, vm0, $0xb8;
	[tilespmem:$0x19200] =	vst v63  }
0x192: {  	s22 =	simm.s32 $0x6800  }
0x193: {  	[tilespmem:s22], [sflag:$0x1] =	stream.indirect_vreg.gather [hbm4b:s4+s3], $0x80, v5, vm0, $0xb8;
	[tilespmem:$0x19200] =	vst v63  }
0x194: {  	v5 =	vld [tilespmem:s19+$0x120];
	_ =	sdelay $0x4  }
0x195: {  	v6 =	vshll.u32 v5, $0x1  }
0x196: {  	v5 =	vand.u32 $0x7, v5;
	v6 =	vand.u32 $0xFFFFFFF0, v6  }
0x197: {  	v5 =	vor.u32 v5, v6  }
0x198: {  	v6 =	vperm.xlane v5, v1;
	_ =	sdelay $0x1  }
0x199: {  	v5 =	vperm.xlane v5, v3;
	v6 =	vadd.s32 v2, v6;
	_ =	sdelay $0x1  }
0x19a: {  	v5 =	vadd.s32 v2, v5;
	_ =	sdelay $0x1  }
0x19b: {  	s23 =	simm.s32 $0x7000  }
0x19c: {  	[tilespmem:s23], [sflag:$0x1] =	stream.indirect_vreg.gather [hbm4b:s4+s3], $0x80, v6, vm0, $0xb8;
	[tilespmem:$0x19200] =	vst v63  }
0x19d: {  	s24 =	simm.s32 $0x7800  }
0x19e: {  	[tilespmem:s24], [sflag:$0x1] =	stream.indirect_vreg.gather [hbm4b:s4+s3], $0x80, v5, vm0, $0xb8;
	[tilespmem:$0x19200] =	vst v63  }
0x19f: {  	v5 =	vld [tilespmem:s19+$0x130];
	_ =	sdelay $0x4  }
0x1a0: {  	v6 =	vshll.u32 v5, $0x1  }
0x1a1: {  	v5 =	vand.u32 $0x7, v5;
	v6 =	vand.u32 $0xFFFFFFF0, v6  }
0x1a2: {  	v5 =	vor.u32 v5, v6  }
0x1a3: {  	v6 =	vperm.xlane v5, v1;
	_ =	sdelay $0x1  }
0x1a4: {  	v5 =	vperm.xlane v5, v3;
	v6 =	vadd.s32 v2, v6;
	_ =	sdelay $0x1  }
0x1a5: {  	v5 =	vadd.s32 v2, v5;
	_ =	sdelay $0x1  }
0x1a6: {  	s26 =	simm.s32 $0x8000  }
0x1a7: {  	[tilespmem:s26], [sflag:$0x1] =	stream.indirect_vreg.gather [hbm4b:s4+s3], $0x80, v6, vm0, $0xb8;
	[tilespmem:$0x19200] =	vst v63  }
0x1a8: {  	s28 =	simm.s32 $0x8800  }
0x1a9: {  	[tilespmem:s28], [sflag:$0x1] =	stream.indirect_vreg.gather [hbm4b:s4+s3], $0x80, v5, vm0, $0xb8;
	[tilespmem:$0x19200] =	vst v63  }
0x1aa: {  	v5 =	vld [tilespmem:s19+$0x140];
	_ =	sdelay $0x4  }
0x1ab: {  	v6 =	vshll.u32 v5, $0x1  }
0x1ac: {  	v5 =	vand.u32 $0x7, v5;
	v6 =	vand.u32 $0xFFFFFFF0, v6  }
0x1ad: {  	v5 =	vor.u32 v5, v6  }
0x1ae: {  	v6 =	vperm.xlane v5, v1;
	_ =	sdelay $0x1  }
0x1af: {  	v5 =	vperm.xlane v5, v3;
	v6 =	vadd.s32 v2, v6;
	_ =	sdelay $0x1  }
0x1b0: {  	v5 =	vadd.s32 v2, v5;
	_ =	sdelay $0x1  }
0x1b1: {  	s21 =	simm.s32 $0x9000  }
0x1b2: {  	[tilespmem:s21], [sflag:$0x1] =	stream.indirect_vreg.gather [hbm4b:s4+s3], $0x80, v6, vm0, $0xb8;
	[tilespmem:$0x19200] =	vst v63  }
0x1b3: {  	s22 =	simm.s32 $0x9800  }
0x1b4: {  	[tilespmem:s22], [sflag:$0x1] =	stream.indirect_vreg.gather [hbm4b:s4+s3], $0x80, v5, vm0, $0xb8;
	[tilespmem:$0x19200] =	vst v63  }
0x1b5: {  	v5 =	vld [tilespmem:s19+$0x150];
	_ =	sdelay $0x4  }
0x1b6: {  	v6 =	vshll.u32 v5, $0x1  }
0x1b7: {  	v5 =	vand.u32 $0x7, v5;
	v6 =	vand.u32 $0xFFFFFFF0, v6  }
0x1b8: {  	v5 =	vor.u32 v5, v6  }
0x1b9: {  	v6 =	vperm.xlane v5, v1;
	_ =	sdelay $0x1  }
0x1ba: {  	v5 =	vperm.xlane v5, v3;
	v6 =	vadd.s32 v2, v6;
	_ =	sdelay $0x1  }
0x1bb: {  	v5 =	vadd.s32 v2, v5;
	_ =	sdelay $0x1  }
0x1bc: {  	s23 =	simm.s32 $0xA000  }
0x1bd: {  	[tilespmem:s23], [sflag:$0x1] =	stream.indirect_vreg.gather [hbm4b:s4+s3], $0x80, v6, vm0, $0xb8;
	[tilespmem:$0x19200] =	vst v63  }
0x1be: {  	s24 =	simm.s32 $0xA800  }
0x1bf: {  	[tilespmem:s24], [sflag:$0x1] =	stream.indirect_vreg.gather [hbm4b:s4+s3], $0x80, v5, vm0, $0xb8;
	[tilespmem:$0x19200] =	vst v63  }
0x1c0: {  	v5 =	vld [tilespmem:s19+$0x160];
	_ =	sdelay $0x4  }
0x1c1: {  	v6 =	vshll.u32 v5, $0x1  }
0x1c2: {  	v5 =	vand.u32 $0x7, v5;
	v6 =	vand.u32 $0xFFFFFFF0, v6  }
0x1c3: {  	v5 =	vor.u32 v5, v6  }
0x1c4: {  	v6 =	vperm.xlane v5, v1;
	_ =	sdelay $0x1  }
0x1c5: {  	v5 =	vperm.xlane v5, v3;
	v6 =	vadd.s32 v2, v6;
	_ =	sdelay $0x1  }
0x1c6: {  	v5 =	vadd.s32 v2, v5;
	_ =	sdelay $0x1  }
0x1c7: {  	s26 =	simm.s32 $0xB000  }
0x1c8: {  	[tilespmem:s26], [sflag:$0x1] =	stream.indirect_vreg.gather [hbm4b:s4+s3], $0x80, v6, vm0, $0xb8;
	[tilespmem:$0x19200] =	vst v63  }
0x1c9: {  	s28 =	simm.s32 $0xB800  }
0x1ca: {  	[tilespmem:s28], [sflag:$0x1] =	stream.indirect_vreg.gather [hbm4b:s4+s3], $0x80, v5, vm0, $0xb8;
	[tilespmem:$0x19200] =	vst v63  }
.LBB2_8:
0x1cb: {  	s20 =	sshll.u32 s18, $0x1  }
0x1cc: {  	s19 =	sor.u32 s6, s20  }
0x1cd: {  	p2 =	sgt.u32 @!p1 s19, $0x7D3  }
0x1ce: {  	p1 =	por p2, p1  }
0x1cf: {  	v5 =	vmov s20;
	s21 =	simm.s32 @!p1 $0x4  }
0x1d0: {  	v6 =	vshll.u32 v5, $0x8;
	v5 =	vshll.u32 v5, $0x7;
	_ =	swait.ge @!p1 [sflag:s21], $0x3100  }
0x1d1: {  	s22 =	simm.s32 $0x3;
	s23 =	simm.s32 $0x0;
	v6 =	vand.u32 $0x7FFFF800, v6;
	v5 =	vand.u32 $0x300, v5;
	[sflag:s21] =	ssyncset.done @!p1 $0x0  }
0x1d2: {  	s24 =	simm.s32 $0x0;
	v5 =	vor.u32 v5, v6;
	[sflag:s21] =	ssyncadd.s32 @!p1 $0xFFFFCF00;
	s21 =	simm.s32 $0x0  }
.LBB2_9:
0x1d3: {  	s26 =	sadd.s32 $0xFFFFFFFD, s22  }
0x1d4: {  	v6 =	vmov s26  }
0x1d5: {  	v7 =	vshll.u32 v6, $0x3  }
0x1d6: {  	s28 =	sadd.s32 $0xFFFFFFFE, s22;
	v6 =	vand.u32 $0x7C, v6;
	v7 =	vand.u32 $0x400, v7  }
0x1d7: {  	v6 =	vor.u32 v7, v6;
	v7 =	vmov s28  }
0x1d8: {  	v8 =	vshll.u32 v7, $0x3  }
0x1d9: {  	v7 =	vand.u32 $0x7D, v7;
	v8 =	vand.u32 $0x400, v8  }
0x1da: {  	s28 =	sadd.s32 $0xFFFFFFFF, s22;
	v6 =	vor.u32 v5, v6;
	v7 =	vor.u32 v8, v7  }
0x1db: {  	s26 =	sand.u32 $0x3800, s21;
	v9 =	vmov s28;
	s28 =	sand.u32 $0x380, s23;
	v10 =	vor.u32 v5, v7  }
0x1dc: {  	v61 =	vshll.u32 v9, $0x3;
	s26 =	sor.u32 s28, s26  }
0x1dd: {  	v8 =	vand.u32 $0x400, v61;
	v62 =	vld [tilespmem:s26+$0xC000];
	v7 =	vand.u32 $0x7E, v9  }
0x1de: {  	v11 =	vmov s22;
	v12 =	vld [tilespmem:s26+$0xC040];
	v8 =	vor.u32 v8, v7  }
0x1df: {  	v17 =	vshll.u32 v11, $0x3;
	v7 =	vld.idx.msk [tilespmem:v6+s10+$0x0], $0xffff;
	v6 =	vor.u32 v5, v8  }
0x1e0: {  	v11 =	vand.u32 $0x7F, v11;
	v63 =	vld.idx.msk [tilespmem:v10+s10+$0x0], $0xffff;
	v10 =	vand.u32 $0x400, v17  }
0x1e1: {  	v10 =	vor.u32 v10, v11  }
0x1e2: {  	v13 =	vld [tilespmem:s26+$0xC400];
	v10 =	vor.u32 v5, v10  }
0x1e3: {  	v23 =	vadd.s32 s24, v0;
	v25 =	vadd.s32 s24, v4;
	v16 =	vld [tilespmem:s26+$0xC440]  }
0x1e4: {  	v24 =	vshll.u32 v23, $0x1;
	v26 =	vshll.u32 v25, $0x1;
	v6 =	vld.idx.msk [tilespmem:v6+s10+$0x0], $0xffff  }
0x1e5: {  	v18 =	vshll.u32 v62, $0x10;
	v8 =	vand.u32 $0xFFFF0000, v62;
	v14 =	vshll.u32 v12, $0x10  }
0x1e6: {  	v12 =	vand.u32 $0xFFFF0000, v12;
	v11 =	vmul.f32 v18, v7;
	v15 =	vmul.f32 v8, v7  }
0x1e7: {  	v19 =	vshll.u32 v13, $0x10;
	v14 =	vmul.f32 v14, v63;
	v12 =	vmul.f32 v12, v63;
	v21 =	vld.idx.msk [tilespmem:v10+s10+$0x0], $0xffff  }
0x1e8: {  	v13 =	vand.u32 $0xFFFF0000, v13;
	v17 =	vshll.u32 v16, $0x10;
	v16 =	vand.u32 $0xFFFF0000, v16  }
0x1e9: {  	v11 =	vadd.f32 v14, v11;
	v20 =	vmul.f32 v19, v6;
	v22 =	vadd.f32 v12, v15  }
0x1ea: {  	v12 =	vand.u32 $0x7F, v23;
	v14 =	vand.u32 $0x1F00, v24;
	v13 =	vmul.f32 v13, v6  }
0x1eb: {  	v15 =	vand.u32 $0x7F, v25;
	v12 =	vor.u32 v12, v14;
	v14 =	vand.u32 $0x1F00, v26  }
0x1ec: {  	v11 =	vadd.f32 v20, v11;
	v14 =	vor.u32 v15, v14;
	v17 =	vmul.f32 v17, v21  }
0x1ed: {  	v10 =	vadd.f32 v13, v22;
	v27 =	vmul.f32 v16, v21  }
0x1ee: {  	v11 =	vadd.f32 v17, v11  }
0x1ef: {  	v10 =	vadd.f32 v27, v10  }
0x1f0: {  	[tilespmem:v12+s16+$0x0] =	vst.idx.msk $0xffff, v11  }
0x1f1: {  	[tilespmem:v14+s16+$0x0] =	vst.idx.msk $0xffff, v10  }
0x1f2: {  	v10 =	vld [tilespmem:s26+$0xC010]  }
0x1f3: {  	v11 =	vld [tilespmem:s26+$0xC050]  }
0x1f4: {  	v12 =	vld [tilespmem:s26+$0xC410]  }
0x1f5: {  	s28 =	sadd.s32 $0x620, s24  }
0x1f6: {  	v33 =	vadd.s32 s28, v0;
	v35 =	vadd.s32 s28, v4;
	v32 =	vld [tilespmem:s26+$0xC450]  }
0x1f7: {  	v34 =	vshll.u32 v33, $0x1;
	v36 =	vshll.u32 v35, $0x1  }
0x1f8: {  	v16 =	vand.u32 $0x7F, v35;
	v28 =	vshll.u32 v10, $0x10;
	v10 =	vand.u32 $0xFFFF0000, v10  }
0x1f9: {  	v29 =	vshll.u32 v11, $0x10;
	v11 =	vand.u32 $0xFFFF0000, v11;
	v30 =	vshll.u32 v12, $0x10  }
0x1fa: {  	v12 =	vand.u32 $0xFFFF0000, v12;
	v13 =	vmul.f32 v28, v7;
	v14 =	vmul.f32 v29, v63  }
0x1fb: {  	v37 =	vshll.u32 v32, $0x10;
	v10 =	vmul.f32 v10, v7;
	v11 =	vmul.f32 v11, v63  }
0x1fc: {  	v15 =	vand.u32 $0xFFFF0000, v32;
	v31 =	vmul.f32 v30, v6;
	v13 =	vadd.f32 v14, v13  }
0x1fd: {  	v10 =	vadd.f32 v11, v10;
	v11 =	vand.u32 $0x7F, v33;
	v14 =	vand.u32 $0x1F00, v34  }
0x1fe: {  	v12 =	vmul.f32 v12, v6;
	v11 =	vor.u32 v11, v14;
	v14 =	vand.u32 $0x1F00, v36  }
0x1ff: {  	v17 =	vmul.f32 v37, v21;
	v13 =	vadd.f32 v31, v13;
	v14 =	vor.u32 v16, v14  }
0x200: {  	v38 =	vmul.f32 v15, v21;
	v10 =	vadd.f32 v12, v10  }
0x201: {  	v13 =	vadd.f32 v17, v13  }
0x202: {  	v10 =	vadd.f32 v38, v10  }
0x203: {  	[tilespmem:v11+s16+$0x0] =	vst.idx.msk $0xffff, v13  }
0x204: {  	[tilespmem:v14+s16+$0x0] =	vst.idx.msk $0xffff, v10  }
0x205: {  	v10 =	vld [tilespmem:s26+$0xC020]  }
0x206: {  	v11 =	vld [tilespmem:s26+$0xC060]  }
0x207: {  	v39 =	vld [tilespmem:s26+$0xC420]  }
0x208: {  	s28 =	sadd.s32 $0xC40, s24  }
0x209: {  	v45 =	vadd.s32 s28, v0;
	v47 =	vadd.s32 s28, v4;
	v44 =	vld [tilespmem:s26+$0xC460]  }
0x20a: {  	v46 =	vshll.u32 v45, $0x1;
	v48 =	vshll.u32 v47, $0x1  }
0x20b: {  	v16 =	vand.u32 $0x7F, v47;
	v40 =	vshll.u32 v10, $0x10;
	v10 =	vand.u32 $0xFFFF0000, v10  }
0x20c: {  	v41 =	vshll.u32 v11, $0x10;
	v11 =	vand.u32 $0xFFFF0000, v11;
	v42 =	vshll.u32 v39, $0x10  }
0x20d: {  	v12 =	vand.u32 $0xFFFF0000, v39;
	v13 =	vmul.f32 v40, v7;
	v14 =	vmul.f32 v41, v63  }
0x20e: {  	v49 =	vshll.u32 v44, $0x10;
	v10 =	vmul.f32 v10, v7;
	v11 =	vmul.f32 v11, v63  }
0x20f: {  	v15 =	vand.u32 $0xFFFF0000, v44;
	v43 =	vmul.f32 v42, v6;
	v13 =	vadd.f32 v14, v13  }
0x210: {  	v10 =	vadd.f32 v11, v10;
	v11 =	vand.u32 $0x7F, v45;
	v14 =	vand.u32 $0x3F00, v46  }
0x211: {  	v12 =	vmul.f32 v12, v6;
	v11 =	vor.u32 v11, v14;
	v14 =	vand.u32 $0x3F00, v48  }
0x212: {  	v50 =	vmul.f32 v49, v21;
	v13 =	vadd.f32 v43, v13;
	v14 =	vor.u32 v16, v14  }
0x213: {  	v51 =	vmul.f32 v15, v21;
	v10 =	vadd.f32 v12, v10  }
0x214: {  	v13 =	vadd.f32 v50, v13  }
0x215: {  	v10 =	vadd.f32 v51, v10  }
0x216: {  	[tilespmem:v11+s16+$0x0] =	vst.idx.msk $0xffff, v13  }
0x217: {  	[tilespmem:v14+s16+$0x0] =	vst.idx.msk $0xffff, v10  }
0x218: {  	v10 =	vld [tilespmem:s26+$0xC030]  }
0x219: {  	v11 =	vld [tilespmem:s26+$0xC070]  }
0x21a: {  	v52 =	vld [tilespmem:s26+$0xC430]  }
0x21b: {  	s28 =	sadd.s32 $0x1260, s24  }
0x21c: {  	v58 =	vadd.s32 s28, v0;
	v60 =	vadd.s32 s28, v4;
	v57 =	vld [tilespmem:s26+$0xC470]  }
0x21d: {  	v59 =	vshll.u32 v58, $0x1;
	v61 =	vshll.u32 v60, $0x1  }
0x21e: {  	v53 =	vshll.u32 v10, $0x10;
	v10 =	vand.u32 $0xFFFF0000, v10;
	v54 =	vshll.u32 v11, $0x10  }
0x21f: {  	v11 =	vand.u32 $0xFFFF0000, v11;
	v55 =	vshll.u32 v52, $0x10;
	v13 =	vmul.f32 v53, v7  }
0x220: {  	v12 =	vand.u32 $0xFFFF0000, v52;
	v14 =	vmul.f32 v54, v63;
	v7 =	vmul.f32 v10, v7  }
0x221: {  	v62 =	vshll.u32 v57, $0x10;
	v9 =	vmul.f32 v11, v63;
	v10 =	vmul.f32 v55, v6  }
0x222: {  	v11 =	vand.u32 $0x3F00, v59;
	v6 =	vmul.f32 v12, v6;
	v12 =	vmul.f32 v62, v21  }
0x223: {  	v56 =	vadd.f32 v14, v13;
	v7 =	vadd.f32 v9, v7;
	v9 =	vand.u32 $0x7F, v58  }
0x224: {  	v14 =	vand.u32 $0x7F, v60;
	v9 =	vor.u32 v9, v11;
	v11 =	vand.u32 $0x3F00, v61  }
0x225: {  	p1 =	sne.s32 s24, $0x30;
	v13 =	vand.u32 $0xFFFF0000, v57;
	v10 =	vadd.f32 v10, v56;
	v11 =	vor.u32 v14, v11  }
.Ltmp3:
0x226: {  	v6 =	vadd.f32 v6, v7;
	v7 =	vmul.f32 v13, v21;
	(pc) =	sbr.rel @p1 .LBB2_9-.Ltmp3, $4  }
0x227: {  	v63 =	vadd.f32 v12, v10  }
0x228: {  	v6 =	vadd.f32 v7, v6  }
0x229: {  	s21 =	sadd.s32 $0x100, s21;
	[tilespmem:v9+s16+$0x0] =	vst.idx.msk $0xffff, v63  }
0x22a: {  	s22 =	sadd.s32 $0x4, s22;
	s23 =	sadd.s32 $0x80, s23;
	s24 =	sadd.s32 $0x1, s24;
	[tilespmem:v11+s16+$0x0] =	vst.idx.msk $0xffff, v6  }
0x22b: {  	s20 =	sor.u32 $0x1, s20  }
0x22c: {  	v5 =	vmov s20  }
0x22d: {  	v6 =	vshll.u32 v5, $0x8;
	v5 =	vshll.u32 v5, $0x7  }
0x22e: {  	s21 =	simm.s32 $0x3;
	v6 =	vand.u32 $0x7FFFF800, v6;
	v5 =	vand.u32 $0x380, v5  }
0x22f: {  	s22 =	simm.s32 $0x0;
	s23 =	simm.s32 $0x0;
	s20 =	simm.s32 $0x0;
	v5 =	vor.u32 v5, v6  }
.LBB2_11:
0x230: {  	s24 =	sadd.s32 $0xFFFFFFFD, s21  }
0x231: {  	v6 =	vmov s24  }
0x232: {  	v7 =	vshll.u32 v6, $0x3  }
0x233: {  	s28 =	sadd.s32 $0xFFFFFFFE, s21;
	v6 =	vand.u32 $0x7C, v6;
	v7 =	vand.u32 $0x400, v7  }
0x234: {  	v6 =	vor.u32 v7, v6;
	v7 =	vmov s28  }
0x235: {  	s26 =	sadd.s32 $0xFFFFFFFF, s21;
	v6 =	vor.u32 v5, v6;
	v8 =	vshll.u32 v7, $0x3  }
0x236: {  	v9 =	vmov s26;
	v7 =	vand.u32 $0x7D, v7;
	v8 =	vand.u32 $0x400, v8  }
0x237: {  	v54 =	vshll.u32 v9, $0x3;
	v7 =	vor.u32 v8, v7  }
0x238: {  	v8 =	vand.u32 $0x400, v54;
	v10 =	vor.u32 v5, v7;
	v7 =	vand.u32 $0x7E, v9  }
0x239: {  	s26 =	sand.u32 $0x380, s22;
	s28 =	sand.u32 $0x3800, s20;
	v8 =	vor.u32 v8, v7  }
0x23a: {  	s24 =	sor.u32 s26, s28;
	v7 =	vld.idx.msk [tilespmem:v6+s10+$0x0], $0xffff;
	v6 =	vor.u32 v5, v8  }
0x23b: {  	v57 =	vmov s21;
	v55 =	vld [tilespmem:s24+$0xF800]  }
0x23c: {  	v12 =	vshll.u32 v57, $0x3;
	v11 =	vld [tilespmem:s24+$0xF840]  }
0x23d: {  	v12 =	vand.u32 $0x400, v12;
	v56 =	vld.idx.msk [tilespmem:v10+s10+$0x0], $0xffff;
	v10 =	vand.u32 $0x7F, v57  }
0x23e: {  	v13 =	vld [tilespmem:s24+$0xFC00];
	v10 =	vor.u32 v12, v10  }
0x23f: {  	v17 =	vadd.s32 s23, v0;
	v6 =	vld.idx.msk [tilespmem:v6+s10+$0x0], $0xffff;
	v10 =	vor.u32 v5, v10  }
0x240: {  	v19 =	vadd.s32 s23, v4;
	v63 =	vshll.u32 v17, $0x1;
	v16 =	vld [tilespmem:s24+$0xFC40]  }
0x241: {  	v18 =	vand.u32 $0x7F, v17;
	v58 =	vshll.u32 v55, $0x10;
	v14 =	vshll.u32 v11, $0x10  }
0x242: {  	v8 =	vand.u32 $0xFFFF0000, v55;
	v12 =	vmul.f32 v58, v7;
	v14 =	vmul.f32 v14, v56  }
0x243: {  	v59 =	vand.u32 $0xFFFF0000, v11;
	v60 =	vshll.u32 v13, $0x10;
	v15 =	vmul.f32 v8, v7  }
0x244: {  	v61 =	vmul.f32 v59, v56;
	v12 =	vadd.f32 v14, v12;
	v11 =	vmul.f32 v60, v6;
	v8 =	vld.idx.msk [tilespmem:v10+s10+$0x0], $0xffff  }
0x245: {  	v20 =	vshll.u32 v19, $0x1;
	v13 =	vand.u32 $0xFFFF0000, v13;
	v21 =	vshll.u32 v16, $0x10  }
0x246: {  	v62 =	vadd.f32 v61, v15;
	v11 =	vadd.f32 v11, v12;
	v12 =	vand.u32 $0x1F00, v63  }
0x247: {  	v15 =	vand.u32 $0x7F, v19;
	v14 =	vand.u32 $0x1F00, v20;
	v12 =	vor.u32 v12, v18  }
0x248: {  	v13 =	vmul.f32 v13, v6;
	v14 =	vor.u32 v14, v15;
	v12 =	vor.u32 $0x80, v12  }
0x249: {  	v16 =	vand.u32 $0xFFFF0000, v16;
	v14 =	vor.u32 $0x80, v14;
	v15 =	vmul.f32 v21, v8  }
0x24a: {  	v10 =	vadd.f32 v13, v62;
	v22 =	vmul.f32 v16, v8  }
0x24b: {  	v11 =	vadd.f32 v15, v11  }
0x24c: {  	v10 =	vadd.f32 v22, v10  }
0x24d: {  	[tilespmem:v12+s16+$0x0] =	vst.idx.msk $0xffff, v11  }
0x24e: {  	[tilespmem:v14+s16+$0x0] =	vst.idx.msk $0xffff, v10  }
0x24f: {  	v10 =	vld [tilespmem:s24+$0xF810]  }
0x250: {  	v11 =	vld [tilespmem:s24+$0xF850];
	_ =	sdelay $0x1  }
0x251: {  	s28 =	sadd.s32 $0x620, s23;
	v12 =	vld [tilespmem:s24+$0xFC10]  }
0x252: {  	v28 =	vadd.s32 s28, v0  }
0x253: {  	v32 =	vadd.s32 s28, v4;
	v30 =	vshll.u32 v28, $0x1;
	v27 =	vld [tilespmem:s24+$0xFC50]  }
0x254: {  	v31 =	vand.u32 $0x7F, v28;
	v23 =	vshll.u32 v10, $0x10;
	v24 =	vshll.u32 v11, $0x10  }
0x255: {  	v33 =	vshll.u32 v32, $0x1;
	v13 =	vmul.f32 v23, v7;
	v14 =	vmul.f32 v24, v56  }
0x256: {  	v16 =	vand.u32 $0x7F, v32;
	v10 =	vand.u32 $0xFFFF0000, v10;
	v25 =	vshll.u32 v12, $0x10  }
0x257: {  	v11 =	vand.u32 $0xFFFF0000, v11;
	v26 =	vmul.f32 v25, v6;
	v13 =	vadd.f32 v14, v13  }
0x258: {  	v12 =	vand.u32 $0xFFFF0000, v12;
	v34 =	vshll.u32 v27, $0x10;
	v10 =	vmul.f32 v10, v7  }
0x259: {  	v11 =	vmul.f32 v11, v56;
	v29 =	vadd.f32 v26, v13;
	v13 =	vand.u32 $0x1F00, v30  }
0x25a: {  	v12 =	vmul.f32 v12, v6;
	v14 =	vand.u32 $0x1F00, v33;
	v13 =	vor.u32 v13, v31  }
0x25b: {  	v10 =	vadd.f32 v11, v10;
	v14 =	vor.u32 v14, v16;
	v13 =	vor.u32 $0x80, v13  }
0x25c: {  	v15 =	vand.u32 $0xFFFF0000, v27;
	v16 =	vmul.f32 v34, v8;
	v14 =	vor.u32 $0x80, v14  }
0x25d: {  	v35 =	vmul.f32 v15, v8;
	v10 =	vadd.f32 v12, v10  }
0x25e: {  	v11 =	vadd.f32 v16, v29  }
0x25f: {  	v10 =	vadd.f32 v35, v10  }
0x260: {  	[tilespmem:v13+s16+$0x0] =	vst.idx.msk $0xffff, v11  }
0x261: {  	[tilespmem:v14+s16+$0x0] =	vst.idx.msk $0xffff, v10  }
0x262: {  	v10 =	vld [tilespmem:s24+$0xF820]  }
0x263: {  	v11 =	vld [tilespmem:s24+$0xF860];
	_ =	sdelay $0x1  }
0x264: {  	s28 =	sadd.s32 $0xC40, s23;
	v36 =	vld [tilespmem:s24+$0xFC20]  }
0x265: {  	v42 =	vadd.s32 s28, v0  }
0x266: {  	v46 =	vadd.s32 s28, v4;
	v44 =	vshll.u32 v42, $0x1;
	v41 =	vld [tilespmem:s24+$0xFC60]  }
0x267: {  	v45 =	vand.u32 $0x7F, v42;
	v37 =	vshll.u32 v10, $0x10;
	v38 =	vshll.u32 v11, $0x10  }
0x268: {  	v47 =	vshll.u32 v46, $0x1;
	v13 =	vmul.f32 v37, v7;
	v14 =	vmul.f32 v38, v56  }
0x269: {  	v16 =	vand.u32 $0x7F, v46;
	v10 =	vand.u32 $0xFFFF0000, v10;
	v39 =	vshll.u32 v36, $0x10  }
0x26a: {  	v11 =	vand.u32 $0xFFFF0000, v11;
	v40 =	vmul.f32 v39, v6;
	v13 =	vadd.f32 v14, v13  }
0x26b: {  	v12 =	vand.u32 $0xFFFF0000, v36;
	v48 =	vshll.u32 v41, $0x10;
	v10 =	vmul.f32 v10, v7  }
0x26c: {  	v11 =	vmul.f32 v11, v56;
	v43 =	vadd.f32 v40, v13;
	v13 =	vand.u32 $0x3F00, v44  }
0x26d: {  	v12 =	vmul.f32 v12, v6;
	v14 =	vand.u32 $0x3F00, v47;
	v13 =	vor.u32 v13, v45  }
0x26e: {  	v10 =	vadd.f32 v11, v10;
	v14 =	vor.u32 v14, v16;
	v13 =	vor.u32 $0x80, v13  }
0x26f: {  	v15 =	vand.u32 $0xFFFF0000, v41;
	v16 =	vmul.f32 v48, v8;
	v14 =	vor.u32 $0x80, v14  }
0x270: {  	v49 =	vmul.f32 v15, v8;
	v10 =	vadd.f32 v12, v10  }
0x271: {  	v11 =	vadd.f32 v16, v43  }
0x272: {  	v10 =	vadd.f32 v49, v10  }
0x273: {  	[tilespmem:v13+s16+$0x0] =	vst.idx.msk $0xffff, v11  }
0x274: {  	[tilespmem:v14+s16+$0x0] =	vst.idx.msk $0xffff, v10  }
0x275: {  	v10 =	vld [tilespmem:s24+$0xF830]  }
0x276: {  	v11 =	vld [tilespmem:s24+$0xF870]  }
0x277: {  	v50 =	vld [tilespmem:s24+$0xFC30]  }
0x278: {  	s28 =	sadd.s32 $0x1260, s23;
	v55 =	vld [tilespmem:s24+$0xFC70]  }
0x279: {  	v58 =	vadd.s32 s28, v4  }
0x27a: {  	v59 =	vshll.u32 v58, $0x1;
	v60 =	vand.u32 $0x7F, v58  }
0x27b: {  	v61 =	vand.u32 $0x3F00, v59;
	v51 =	vshll.u32 v10, $0x10;
	v10 =	vand.u32 $0xFFFF0000, v10  }
0x27c: {  	v52 =	vshll.u32 v11, $0x10;
	v11 =	vand.u32 $0xFFFF0000, v11;
	v53 =	vshll.u32 v50, $0x10  }
0x27d: {  	v12 =	vand.u32 $0xFFFF0000, v50;
	v62 =	vshll.u32 v55, $0x10;
	v13 =	vmul.f32 v51, v7  }
0x27e: {  	v14 =	vmul.f32 v52, v56;
	v9 =	vmul.f32 v11, v56;
	v56 =	vadd.s32 s28, v0  }
0x27f: {  	v7 =	vmul.f32 v10, v7;
	v10 =	vmul.f32 v53, v6;
	v57 =	vshll.u32 v56, $0x1  }
0x280: {  	v6 =	vmul.f32 v12, v6;
	v11 =	vand.u32 $0x7F, v56;
	v12 =	vand.u32 $0x3F00, v57  }
0x281: {  	v54 =	vadd.f32 v14, v13;
	v7 =	vadd.f32 v9, v7;
	v11 =	vor.u32 v12, v11  }
0x282: {  	v9 =	vand.u32 $0xFFFF0000, v55;
	v12 =	vor.u32 v61, v60;
	v11 =	vor.u32 $0x80, v11  }
0x283: {  	p1 =	sne.s32 s23, $0x30;
	v13 =	vmul.f32 v62, v8;
	v10 =	vadd.f32 v10, v54;
	v12 =	vor.u32 $0x80, v12  }
.Ltmp4:
0x284: {  	v6 =	vadd.f32 v6, v7;
	v7 =	vmul.f32 v9, v8;
	(pc) =	sbr.rel @p1 .LBB2_11-.Ltmp4, $4  }
0x285: {  	v63 =	vadd.f32 v13, v10  }
0x286: {  	v6 =	vadd.f32 v7, v6  }
0x287: {  	s21 =	sadd.s32 $0x4, s21;
	[tilespmem:v11+s16+$0x0] =	vst.idx.msk $0xffff, v63  }
0x288: {  	s22 =	sadd.s32 $0x80, s22;
	s20 =	sadd.s32 $0x100, s20;
	s23 =	sadd.s32 $0x1, s23;
	[tilespmem:v12+s16+$0x0] =	vst.idx.msk $0xffff, v6  }
0x289: {  	p1 =	sgt.u32 s19, $0x7CF  }
0x28a: {  	s19 =	sshrl.u32 @!p1 s19, $0x3  }
0x28b: {  	s18 =	sshll.u32 @!p1 s18, $0x8;
	s19 =	smul.u32 @!p1 $0xC400, s19  }
0x28c: {  	s18 =	sand.u32 @!p1 $0x300, s18  }
0x28d: {  	s18 =	sor.u32 @!p1 s18, s19  }
0x28e: {  	s17 =	sadd.s32 $0x1, s17;
	s20 =	simm.s32 @!p1 $0x400;
	s18 =	sshrl.u32 @!p1 s18, $0x3  }
0x28f: {  	s21 =	simm.s32 @!p1 $0x16100;
	s19 =	simm.s32 @!p1 $0x100;
	s18 =	sadd.s32 @!p1 s2, s18  }
0x290: {  	[hbm4b:s18+s19] =	stream.strided.scatter @!p1 [tilespmem:s21], [sflag:$0x4], $0x3100, s20, s19, $0x38;
	[tilespmem:$0x19200] =	vst v63  }
0x291: {  	p1 =	sne.s32 s17, $0x10  }
.Ltmp5:
0x292: {  	_ = 	snop;
	(pc) =	sbr.rel @p1 .LBB2_2-.Ltmp5, $1  }
0x293: {  	_ =	sdelay $0x3  }
0x294: {  	s17 =	simm.s32 @!p0 $0x3  }
0x295: {  	_ =	swait.ge @!p0 [sflag:s17], $0x3100  }
0x296: {  	[sflag:s17] =	ssyncset.done @!p0 $0x0  }
0x297: {  	[sflag:s17] =	ssyncadd.s32 @!p0 $0xFFFFCF00;
	s17 =	simm.s32 @!p0 $0x4  }
0x298: {  	_ =	swait.ge @!p0 [sflag:s17], $0x3100  }
0x299: {  	s19 =	rddreg [dreg:$0x6]  }
0x29a: {  	s18 =	rddreg [dreg:$0x5];
	s19 =	sadd.s32 $0x1, s19  }
0x29b: {  	p1 =	sne.s32 s19, s18  }
.Ltmp6:
0x29c: {  	_ = 	snop;
	(pc) =	sbr.rel @p1 .LBB2_1-.Ltmp6, $3  }
0x29d: {  	_ =	sdelay $0x1  }
0x29e: {  	[sflag:s17] =	ssyncset.done @!p0 $0x0  }
0x29f: {  	[sflag:s17] =	ssyncadd.s32 @!p0 $0xFFFFCF00  }
0x2a0: {  	_ =	sfence.sel $0x180000  }
0x2a1: {  	[bflag:$0x0] =	sbarrier.arrive $0xFFFF  }
0x2a2: {  	_ =	strace $0x90000047  }
0x2a3: {  	s0 =	stileid.u32;
	[bflag:$0x2] =	sbarrier.arrive $0xFFFF  }
0x2a4: {  	p0 =	sne.s32 s0, $0x0;
	s0 =	rddreg [dreg:$0x2]  }
0x2a5: {  	s0 =	sadd.s32 @!p0 $0x100000, s0  }
0x2a6: {  	[sflag:s0] =	ssyncadd.tile.s32 @!p0 $0x1;
	_ =	shalt  }
.Lfunc_end2:
_tile_overlayer_lowered:
.L_overlay_start_2:
0x2a7: {  	(tag) =	ssettag $0x2  }
0x2a8: {  	s0 =	rddreg [dreg:$0x0];
	s2 =	stileid.u32  }
0x2a9: {  	s1 =	rddreg [dreg:$0x1];
	p0 =	sne.s32 s2, $0x0  }
0x2aa: {  	s3 =	rddreg [dreg:$0x2];
	[bflag:$0x3] =	sbarrier.arrive $0xFFFF;
	s2 =	simm.s32 @!p0 $0x1C05  }
0x2ab: {  	[timem:s3], [sflag:s2] =	dma.local @!p0 [hbm:s0], s1  }
0x2ac: {  	s0 =	simm.s32 @!p0 $0x5  }
0x2ad: {  	_ =	swait.ge @!p0 [sflag:s0], s1  }
0x2ae: {  	s1 =	ssub.s32 @!p0 $0x0, s1;
	[sflag:s0] =	ssyncset.done @!p0 $0x0  }
0x2af: {  	[sflag:s0] =	ssyncadd.s32 @!p0 s1  }
0x2b0: {  	[bflag:$0x3] =	sbarrier.arrive $0xFFFF  }
0x2b1: {  	_ =	shalt  }

// kernel: sparse-core-data-format-call.cloned.1.call-start
scs
called_computation_lowered:
.L_overlay_start_0:
0x0: {  	s2 =	sld [smem:$0x3FD9]  }
0x1: {  	s3 =	sld [smem:$0x3FFE];
	_ =	sdelay $0x1  }
0x2: {  	s1 =	srdreg.scid  }
0x3: {  	s0 =	sand.u32 $0x1, s1  }
0x4: {  	s18 =	sshll.u32 s0, $0xA;
	s2 =	sadd.s32 s3, s2  }
0x5: {  	s2 =	sadd.s32 s2, s18  }
0x6: {  	[smem:$0x3FC6] =	sst s2  }
0x7: {  	_ = 	snop  }
0x8: {  	s2 =	sld [smem:$0x3FD0];
	(tm) =	ssettm $0x1  }
0x9: {  	s19 =	sld [smem:$0x3FFB];
	_ =	sdelay $0x3  }
0xa: {  	_ =	strace s19  }
0xb: {  	s3 =	sld [smem:$0x3FFC];
	_ =	sdelay $0x3  }
0xc: {  	_ =	strace s3  }
0xd: {  	s3 =	sld [smem:$0x3FFD];
	_ =	sdelay $0x3  }
0xe: {  	_ =	strace s3  }
0xf: {  	_ =	strace $0x8FFFFFFF  }
0x10: {  	s20 =	sld [smem:$0x3FDB];
	_ =	sdelay $0x1  }
0x11: {  	s4 =	simm.s32 $_scs_section_size  }
0x12: {  	s5 =	simm.s32 $_size__tile_overlayer_lowered;
	s6 =	simm.s32 $_tile_overlayer_lowered  }
0x13: {  	s23 =	simm.s32 $0x1BFF;
	s22 =	sshll.u32 s6, $0x1;
	s3 =	sadd.s32 s4, s20  }
0x14: {  	s7 =	simm.s32 $0x0;
	s21 =	sshll.u32 s5, $0x1;
	s5 =	sadd.s32 s22, s3  }
0x15: {  	[timem:s7], [sflag:s23] =	dma.local [hbm:s5], s21  }
0x16: {  	_ =	swait.ge [sflag:s23], s21  }
0x17: {  	s4 =	ssub.s32 $0x0, s21;
	[sflag:s23] =	ssyncset.done $0x0  }
0x18: {  	[sflag:s23] =	ssyncadd.s32 s4;
	_ =	sdelay $0x1  }
0x19: {  	s24 =	simm.s32 $0x1B8B  }
0x1a: {  	_ =	swait.ge [sflag:s24], $0x1  }
0x1b: {  	[sflag:s24] =	ssyncset.done $0x0  }
0x1c: {  	s26 =	simm.s32 $0x1B8E;
	s25 =	sld [smem:$0x3FFE];
	[sflag:s24] =	ssyncadd.s32 $0xFFFFFFFF  }
0x1d: {  	s27 =	simm.s32 $execute0_lowered;
	[smem:$0x3FD2] =	sst s26  }
0x1e: {  	s5 =	sshll.u32 s27, $0x1;
	_ =	strace $0x80000049;
	[dreg:$0x1] =	wrdreg $0xFFFFFFFF  }
0x1f: {  	s28 =	simm.s32 $_size_execute0_lowered;
	s3 =	sadd.s32 s3, s5;
	[dreg:$0x0] =	wrdreg $0x0  }
0x20: {  	s5 =	sshll.u32 s28, $0x1;
	[dreg:$0x2] =	wrdreg s3  }
0x21: {  	[dreg:$0x3] =	wrdreg s5  }
0x22: {  	[dreg:$0x4] =	wrdreg $0xC0  }
0x23: {  	_ =	task [dreg:s7], $0x5FFFF  }
0x24: {  	[dreg:$0x1] =	wrdreg $0xFFFFFFFF  }
0x25: {  	[dreg:$0x0] =	wrdreg $0x60  }
0x26: {  	[dreg:$0x2] =	wrdreg s25  }
0x27: {  	[dreg:$0x3] =	wrdreg s2  }
0x28: {  	[dreg:$0x4] =	wrdreg $0x9  }
0x29: {  	_ =	task.clear_ibuf [dreg:s7], $0x5FFFF;
	_ =	strace $0x90000049  }
0x2a: {  	s29 =	simm.s32 $0x9;
	_ =	strace $0x8000004B  }
0x2b: {  	_ =	swait.ge [sflag:s29], $0x1  }
0x2c: {  	[sflag:s29] =	ssyncadd.s32 $0xFFFFFFFF  }
0x2d: {  	_ =	strace $0x9000004B  }
0x2e: {  	_ =	sfence  }
0x2f: {  	s30 =	sld [smem:$0x0];
	_ =	sdelay $0x2  }
0x30: {  	s31 =	sshll.u32 s1, $0xD;
	s1 =	sshrl.u32 s1, $0x2  }
0x31: {  	s3 =	sand.u32 $0x4000, s31;
	s1 =	sadd.s32 s1, s30  }
0x32: {  	s0 =	sor.u32 s3, s0;
	s1 =	sshll.u32 s1, $0x11  }
0x33: {  	s0 =	sor.u32 s1, s0  }
0x34: {  	s0 =	sadd.s32 $0x8F2B, s0  }
0x35: {  	[sflag:s0] =	ssyncadd.remote.s32 $0x1  }
0x36: {  	_ =	sfence.sel $0xFFFF  }
0x37: {  	[dreg:$0x0] =	wrdreg $0xFFFFFFFF;
	(pc) =	sbr.abs _section_cstart, $3  }
0x38: {  	[dreg:$0x1] =	wrdreg $0xFFFFFFFF  }
0x39: {  	_ =	task.clear_ibuf [dreg:s7], $0x2FFFF;
	_ =	strace $0x9FFFFFFF  }
0x3a: {  	(tm) =	ssettm $0x7FFFFFFF  }
0x3b: {  	_ =	shalt  }
tec
execute0_lowered:
.L_overlay_start_1:
0x0: {  	(tag) =	ssettag $0x1  }
0x1: {  	s4 =	rddreg [dreg:$0x0];
	s5 =	srdreg.scid  }
0x2: {  	s0 =	stileid.u32;
	s2 =	rddreg [dreg:$0x1]  }
0x3: {  	_ =	strace $0x8000004A;
	s31 =	simm.s32 $0x2;
	s19 =	simm.s32 $0x0  }
0x4: {  	p0 =	por $0x0, $0x0;
	s18 =	simm.s32 $0x0;
	s21 =	simm.s32 $0x0  }
0x5: {  	s20 =	simm.s32 $0x0;
	s22 =	simm.s32 $0x0;
	s11 =	simm.s32 $0x0  }
0x6: {  	s12 =	simm.s32 $0x0;
	s3 =	sshll.u32 s5, $0x7;
	s6 =	sshrl.u32 s0, $0x1  }
0x7: {  	s13 =	simm.s32 $0x0;
	s7 =	sand.u32 $0x80, s3;
	s3 =	sand.u32 $0x1, s6  }
0x8: {  	s14 =	simm.s32 $0x0;
	s8 =	sadd.s32 s7, s4;
	s6 =	ssub.s32 $0x2, s3  }
0x9: {  	s4 =	sand.u32 $0x1, s0;
	s28 =	sshrl.u32 s6, $0x1;
	s6 =	sand.u32 $0x1, s6  }
0xa: {  	s16 =	simm.s32 $0x0;
	s10 =	ssub.s32 $0x4, s4;
	s6 =	sadd.s32 s6, s28  }
0xb: {  	s17 =	simm.s32 $0x0;
	s9 =	sshll.u32 s0, $0x5;
	s6 =	smul.u32 s6, s10  }
.Ltmp0:
0xc: {  	s29 =	sshll.u32 s5, $0x9;
	s5 =	simm.s32 $0x1;
	(pc) =	sbr.rel .LBB1_1-.Ltmp0, $4  }
0xd: {  	s30 =	sshll.u32 s0, $0x3;
	[sflag:s5] =	ssyncpa.u1 $0x0;
	s7 =	sor.u32 s9, s29  }
0xe: {  	s9 =	sand.u32 $0x70, s30;
	[sflag:s31] =	ssyncpa.u1 $0x0;
	s6 =	smul.u32 $0x7, s6  }
0xf: {  	s7 =	sand.u32 $0x380, s7;
	s8 =	sadd.s32 s9, s8;
	s15 =	smov.u32 s4  }
0x10: {  	s8 =	sadd.s32 $0x188800, s8;
	s10 =	simm.s32 $0x0;
	s9 =	sadd.s32 $0x1, s6  }
.LBB1_4:
0x11: {  	s28 =	sshrl.u32 s13, $0x4  }
0x12: {  	p1 =	sgt.s32 s12, $0x6;
	s29 =	smov.u32 s12;
	s30 =	sshra.s32 s12, $0x1F;
	[tilespmem:s25+$0x2040 ss:$0x81] =	vst.msk $0xffff, v4  }
0x13: {  	[tilespmem:s25+$0x2850 ss:$0x81] =	vst.msk $0xffff, v3;
	s28 =	sadd.s32 s28, s10;
	s29 =	simm.s32 @!p1 $0x6;
	s30 =	sand.u32 s30, s12  }
0x14: {  	s27 =	sshra.s32 s27, $0x2;
	[tilespmem:s25+$0x3060 ss:$0x81] =	vst.msk $0xffff, v2;
	s28 =	sand.u32 $0x1FFFFF8, s28;
	s29 =	ssub.s32 s29, s30  }
0x15: {  	[tilespmem:s25+$0x0 ss:$0x81] =	vst.msk $0xffff, v1;
	s25 =	smov.u32 s10;
	s31 =	smulhi.u32 $0x20C49BB, s28;
	s30 =	sadd.s32 $0xFFFFFFFA, s29  }
0x16: {  	s26 =	sadd.s32 s27, s26;
	s29 =	ssub.s32 $0x7, s29;
	p1 =	sgt.s32 s30, $0x0  }
0x17: {  	s30 =	smov.u32 s11;
	s1 =	sshrl.u32 s31, $0x3;
	s29 =	simm.s32 @p1 $0x0  }
0x18: {  	v5 =	vld [tilespmem:s24+$0xFFFFFFD0];
	p1 =	sgt.s32 s11, $0x6;
	s31 =	ssub.s32 $0x0, s13;
	s27 =	smul.u32 $0x3E8, s1  }
0x19: {  	v58 =	vld [tilespmem:s24+$0xFFFFFFE0];
	s30 =	simm.s32 @!p1 $0x6;
	s1 =	sshra.s32 s11, $0x1F;
	s31 =	smin.u32 s13, s31  }
0x1a: {  	v59 =	vld [tilespmem:s24+$0xFFFFFFF0];
	s1 =	sand.u32 s1, s11;
	p1 =	sgt.s32 s31, $0x7F;
	s31 =	ssub.s32 $0x80, s31  }
0x1b: {  	v60 =	vld [tilespmem:s24+$0x0];
	s1 =	ssub.s32 s30, s1;
	s31 =	simm.s32 @p1 $0x0;
	p1 =	sgt.s32 s10, $0x368  }
0x1c: {  	v61 =	vld [tilespmem:s24+$0x10];
	[tilespmem:s26+$0x3870 ss:$0x81] =	vst.msk $0xffff, v0;
	s29 =	smul.u32 s31, s29;
	s30 =	sadd.s32 $0xFFFFFFFA, s1;
	s25 =	simm.s32 @!p1 $0x368  }
0x1d: {  	v62 =	vld [tilespmem:s24+$0x20];
	[tilespmem:s26+$0x810 ss:$0x81] =	vst.msk $0xffff, v5;
	p1 =	sgt.s32 s30, $0x0;
	s25 =	ssub.s32 $0x3E8, s25;
	s30 =	smul.u32 $0x1B580, s12  }
0x1e: {  	v63 =	vld [tilespmem:s24+$0xFFFFFFC0];
	[tilespmem:s26+$0x1020 ss:$0x81] =	vst.msk $0xffff, v58;
	s1 =	ssub.s32 $0x7, s1;
	s24 =	smul.u32 s25, s29;
	s25 =	sshrl.u32 s13, $0x3  }
0x1f: {  	[tilespmem:s26+$0x1830 ss:$0x81] =	vst.msk $0xffff, v59;
	s31 =	smul.u32 $0x3E80, s11;
	s25 =	sand.u32 $0xF, s25;
	s30 =	sadd.s32 s2, s30  }
0x20: {  	s22 =	smul.u32 $0xBF680, s22;
	[tilespmem:s26+$0x2040 ss:$0x81] =	vst.msk $0xffff, v60;
	s1 =	simm.s32 @p1 $0x0;
	s25 =	sadd.s32 s25, s30  }
0x21: {  	[tilespmem:s26+$0x2850 ss:$0x81] =	vst.msk $0xffff, v61;
	s27 =	ssub.s32 s28, s27;
	s1 =	smul.u32 s1, s24;
	s29 =	sadd.s32 s31, s25  }
0x22: {  	[tilespmem:s26+$0x3060 ss:$0x81] =	vst.msk $0xffff, v62;
	s30 =	sshll.u32 s27, $0x4;
	s22 =	sadd.s32 s22, s29  }
0x23: {  	[tilespmem:s26+$0x0 ss:$0x81] =	vst.msk $0xffff, v63;
	s31 =	sand.u32 $0x7, s13;
	s1 =	sand.u32 $0x3FFFFFFF, s1;
	s22 =	sadd.s32 s30, s22  }
0x24: {  	[hbm4b:s22+s31] =	stream.linear.scatter [tilespmem:s23], [sflag:$0x2], s1, $0x20;
	[tilespmem:$0x10100] =	vst v63  }
.LBB1_5:
0x25: {  	p1 =	slt.u32 s17, $0x2;
	s1 =	smov.u32 s21  }
0x26: {  	s24 =	smov.u32 s15;
	p2 =	sgt.s32 @!p1 s21, $0x6;
	s22 =	sshra.s32 @!p1 s21, $0x1F  }
0x27: {  	s23 =	ssub.s32 @!p1 $0x0, s20;
	p2 =	por !p2, p1;
	s21 =	sand.u32 @!p1 s22, s21  }
0x28: {  	s22 =	smov.u32 s18;
	s20 =	smin.u32 @!p1 s20, s23;
	s1 =	simm.s32 @p2 $0x6  }
0x29: {  	p2 =	sgt.s32 @!p1 s18, $0x6;
	p4 =	sgt.s32 @!p1 s20, $0x7F;
	s20 =	ssub.s32 @!p1 $0x80, s20  }
0x2a: {  	s1 =	ssub.s32 @!p1 s1, s21;
	p3 =	por !p2, p1;
	p4 =	por !p4, p1  }
0x2b: {  	s21 =	sadd.s32 @!p1 $0xFFFFFFFA, s1;
	s22 =	simm.s32 @p3 $0x6;
	p3 =	sgt.s32 @!p1 s19, $0x368  }
0x2c: {  	p2 =	sgt.s32 @!p1 s21, $0x0;
	s21 =	sshra.s32 @!p1 s18, $0x1F;
	p3 =	por !p3, p1  }
0x2d: {  	s20 =	simm.s32 @!p4 $0x0;
	s19 =	simm.s32 @p3 $0x368;
	s18 =	sand.u32 @!p1 s21, s18  }
0x2e: {  	s1 =	ssub.s32 @!p1 $0x7, s1;
	s18 =	ssub.s32 @!p1 s22, s18;
	s19 =	ssub.s32 @!p1 $0x3E8, s19  }
0x2f: {  	p2 =	por !p2, p1;
	s21 =	sadd.s32 @!p1 $0xFFFFFFFA, s18;
	s19 =	smul.u32 @!p1 s20, s19  }
0x30: {  	s25 =	smov.u32 s16;
	s1 =	simm.s32 @!p2 $0x0;
	p2 =	sgt.s32 @!p1 s21, $0x0  }
0x31: {  	s18 =	ssub.s32 @!p1 $0x7, s18;
	p2 =	por !p2, p1;
	s1 =	smul.u32 @!p1 s1, s19  }
0x32: {  	s26 =	sadd.s32 $0x1, s17;
	s23 =	sadd.s32 $0x1, s14;
	s18 =	simm.s32 @!p2 $0x0  }
0x33: {  	p2 =	sgt.s32 s23, $0x6;
	s1 =	smul.u32 @!p1 s18, s1;
	s18 =	sadd.s32 $0x2, s15  }
0x34: {  	p0 =	por !p0, !p0;
	s22 =	simm.s32 @!p1 $0x2;
	s24 =	smov.u32 @p2 s18  }
0x35: {  	s23 =	simm.s32 @p2 $0x0;
	s18 =	sadd.s32 $0x80, s16;
	p2 =	sgt.s32 s24, $0x6  }
0x36: {  	s20 =	smov.u32 s13;
	s13 =	smov.u32 s16;
	s25 =	smov.u32 @p2 s18  }
0x37: {  	s21 =	smov.u32 s12;
	s24 =	smov.u32 @p2 s4;
	p2 =	sgt.s32 s25, $0x7F  }
0x38: {  	s12 =	smov.u32 s15;
	s25 =	simm.s32 @p2 $0x0;
	p2 =	sne.s32 s17, s9  }
.Ltmp1:
0x39: {  	s19 =	smov.u32 s10;
	s1 =	sand.u32 @!p1 $0x3FFFFFFF, s1;
	(pc) =	sbr.rel @!p2 .LBB1_6-.Ltmp1, $4  }
0x3a: {  	s10 =	smov.u32 s7;
	_ =	swait.ge @!p1 [sflag:s22], s1;
	s1 =	ssub.s32 @!p1 $0x0, s1  }
0x3b: {  	s18 =	smov.u32 s11;
	s11 =	smov.u32 s14;
	[sflag:s22] =	ssyncset.done @!p1 $0x0  }
0x3c: {  	s14 =	smov.u32 s23;
	s15 =	smov.u32 s24;
	[sflag:s22] =	ssyncadd.s32 @!p1 s1  }
0x3d: {  	s22 =	smov.u32 s3;
	s17 =	smov.u32 s26;
	s16 =	smov.u32 s25  }
.LBB1_1:
0x3e: {  	p1 =	sge.u32 s17, s6  }
0x3f: {  	s23 =	smul.u32 @!p1 $0x3100, s16  }
0x40: {  	s24 =	sxor.u32 @!p1 $0xFFFFFFFF, s17;
	s25 =	smul.u32 @!p1 $0x700, s15  }
0x41: {  	s31 =	sadd.s32 $0xFFFFFFFF, s17;
	s24 =	sshll.u32 @!p1 s24, $0xE;
	s23 =	sadd.s32 @!p1 s23, s8  }
0x42: {  	s26 =	sshll.u32 @!p1 s14, $0x8;
	s24 =	sand.u32 @!p1 $0x4000, s24;
	s23 =	sadd.s32 @!p1 s25, s23  }
0x43: {  	s25 =	simm.s32 @!p1 $0x80;
	s23 =	sadd.s32 @!p1 s26, s23;
	s26 =	simm.s32 @!p1 $0x18800  }
0x44: {  	[tilespmem:s24], [sflag:$0x1] =	stream.strided.gather @!p1 [hbm4b:s23+s25], $0x4000, s26, s25, $0x38;
	[tilespmem:$0x10100] =	vst v63  }
0x45: {  	p1 =	sge.u32 s31, s6  }
.Ltmp2:
0x46: {  	_ = 	snop;
	(pc) =	sbr.rel @p1 .LBB1_5-.Ltmp2, $1  }
0x47: {  	_ =	sdelay $0x3  }
0x48: {  	s23 =	simm.s32 $0x1  }
0x49: {  	_ =	swait.ge [sflag:s5], $0x4000;
	s23 =	simm.s32 @!p0 $0x0  }
0x4a: {  	[sflag:s5] =	ssyncset.done $0x0;
	s24 =	sshll.u32 s23, $0xE  }
0x4b: {  	[sflag:s5] =	ssyncadd.s32 $0xFFFFC000;
	s24 =	sor.u32 $0x40, s24  }
0x4c: {  	s23 =	smul.u32 $0x10200, s23;
	v0 =	vld [tilespmem:s24+$0x30]  }
0x4d: {  	v1 =	vld [tilespmem:s24+$0xFFFFFFD0]  }
0x4e: {  	s23 =	sshrl.u32 s23, $0x2;
	v5 =	vld [tilespmem:s24+$0xFFFFFFE0]  }
0x4f: {  	v6 =	vld [tilespmem:s24+$0xFFFFFFF0];
	s26 =	sor.u32 $0x8000, s23  }
0x50: {  	s31 =	sand.u32 $0x1, s17;
	v4 =	vld [tilespmem:s24+$0x0];
	s25 =	sadd.s32 $0x0, s26  }
0x51: {  	v3 =	vld [tilespmem:s24+$0x10];
	s23 =	smul.u32 $0x10200, s31;
	[tilespmem:s25+$0x3870 ss:$0x81] =	vst.msk $0xffff, v0  }
0x52: {  	v2 =	vld [tilespmem:s24+$0x20];
	[tilespmem:s25+$0x810 ss:$0x81] =	vst.msk $0xffff, v1  }
0x53: {  	s23 =	sshrl.u32 s23, $0x2;
	v1 =	vld [tilespmem:s24+$0xFFFFFFC0];
	[tilespmem:s25+$0x1020 ss:$0x81] =	vst.msk $0xffff, v5;
	s24 =	sadd.s32 $0x80, s24  }
0x54: {  	s27 =	simm.s32 $0x4;
	s28 =	simm.s32 $0x8;
	s23 =	sor.u32 $0x8000, s23;
	[tilespmem:s25+$0x1830 ss:$0x81] =	vst.msk $0xffff, v6;
	v0 =	vld [tilespmem:s24+$0x30]  }
.LBB1_3:
0x55: {  	p1 =	sne.s32 s28, $0x1FC;
	v5 =	vld [tilespmem:s24+$0xFFFFFFD0];
	[tilespmem:s25+$0x2040 ss:$0x81] =	vst.msk $0xffff, v4  }
0x56: {  	v6 =	vld [tilespmem:s24+$0xFFFFFFE0];
	[tilespmem:s25+$0x2850 ss:$0x81] =	vst.msk $0xffff, v3  }
0x57: {  	s29 =	sshra.s32 s27, $0x2;
	s27 =	smov.u32 s28;
	v7 =	vld [tilespmem:s24+$0xFFFFFFF0];
	[tilespmem:s25+$0x3060 ss:$0x81] =	vst.msk $0xffff, v2  }
.Ltmp3:
0x58: {  	v4 =	vld [tilespmem:s24+$0x0];
	[tilespmem:s25+$0x0 ss:$0x81] =	vst.msk $0xffff, v1;
	s25 =	sadd.s32 s29, s26;
	(pc) =	sbr.rel @p1 .LBB1_3-.Ltmp3, $4  }
0x59: {  	v3 =	vld [tilespmem:s24+$0x10];
	[tilespmem:s25+$0x3870 ss:$0x81] =	vst.msk $0xffff, v0  }
0x5a: {  	[tilespmem:s25+$0x810 ss:$0x81] =	vst.msk $0xffff, v5;
	v2 =	vld [tilespmem:s24+$0x20]  }
0x5b: {  	v1 =	vld [tilespmem:s24+$0xFFFFFFC0];
	[tilespmem:s25+$0x1020 ss:$0x81] =	vst.msk $0xffff, v6;
	s24 =	sadd.s32 $0x80, s24  }
0x5c: {  	s28 =	sadd.s32 $0x4, s28;
	v0 =	vld [tilespmem:s24+$0x30];
	[tilespmem:s25+$0x1830 ss:$0x81] =	vst.msk $0xffff, v7  }
.Ltmp4:
0x5d: {  	_ = 	snop;
	(pc) =	sbr.rel .LBB1_4-.Ltmp4, $1  }
0x5e: {  	_ =	sdelay $0x3  }
.LBB1_6:
0x5f: {  	_ =	sfence.sel $0x180000  }
0x60: {  	s1 =	simm.s32 $0x1;
	[bflag:$0x0] =	sbarrier.arrive $0xFFFF  }
0x61: {  	s31 =	simm.s32 $0x2;
	[sflag:s1] =	ssyncpa.u1 $0x1  }
0x62: {  	[sflag:s31] =	ssyncpa.u1 $0x1  }
0x63: {  	_ =	strace $0x9000004A  }
0x64: {  	[bflag:$0x2] =	sbarrier.arrive $0xFFFF  }
0x65: {  	p0 =	sne.s32 s0, $0x0;
	s0 =	rddreg [dreg:$0x2]  }
0x66: {  	s0 =	sadd.s32 @!p0 $0x100000, s0  }
0x67: {  	[sflag:s0] =	ssyncadd.tile.s32 @!p0 $0x1;
	_ =	shalt  }
.Lfunc_end1:
_tile_overlayer_lowered:
.L_overlay_start_2:
0x68: {  	(tag) =	ssettag $0x2  }
0x69: {  	s0 =	rddreg [dreg:$0x0];
	s2 =	stileid.u32  }
0x6a: {  	s1 =	rddreg [dreg:$0x1];
	p0 =	sne.s32 s2, $0x0  }
0x6b: {  	s3 =	rddreg [dreg:$0x2];
	[bflag:$0x3] =	sbarrier.arrive $0xFFFF;
	s2 =	simm.s32 @!p0 $0x1C01  }
0x6c: {  	[timem:s3], [sflag:s2] =	dma.local @!p0 [hbm:s0], s1  }
0x6d: {  	s0 =	simm.s32 @!p0 $0x1  }
0x6e: {  	_ =	swait.ge @!p0 [sflag:s0], s1  }
0x6f: {  	s1 =	ssub.s32 @!p0 $0x0, s1;
	[sflag:s0] =	ssyncset.done @!p0 $0x0  }
0x70: {  	[sflag:s0] =	ssyncadd.s32 @!p0 s1  }
0x71: {  	[bflag:$0x3] =	sbarrier.arrive $0xFFFF  }
0x72: {  	_ =	shalt  }

</sc_bundles>
